<compile_context>
chip_gen: v7x
topology: tpu7x:2x2x1
jax: 0.10.2.dev20260603
libtpu: 0.0.44.dev20260713+nightly
codegen_flags: <defaults>
</compile_context>

<pallas_src>
import functools

import jax
import jax.numpy as jnp
from jax import lax
from jax.experimental import pallas as pl
from jax.experimental.pallas import tpu as pltpu
from jax.experimental.pallas import tpu_sc as plsc

N = 4096
D = 1024
H = 2048
E = 8
K = 2
BLK = 256
G_MAX = N * K // BLK + E
R_MAX = G_MAX * BLK
TBLK = 256
NTB = N // TBLK
NW = 32
TPW = N // NW
CH = 32
NCH = TPW // CH

_F32 = jnp.float32
_I32 = jnp.int32


def _gelu(v):
    return 0.5 * v * (1.0 + lax.erf(v * 0.7071067811865476))


def _plan_kernel(x_ref, wr_ref, br_ref, g0_ref, g1_ref, dest_ref, be_ref,
                 e0_scr, e1_scr):
    i = pl.program_id(0)
    logits = jnp.dot(x_ref[...], wr_ref[...],
                     preferred_element_type=_F32) + br_ref[...]
    tr = logits.T
    io = lax.broadcasted_iota(_I32, (E, TBLK), 0)
    m0 = jnp.max(tr, axis=0, keepdims=True)
    i0 = jnp.min(jnp.where(tr == m0, io, E), axis=0, keepdims=True)
    l2 = jnp.where(io == i0, _F32(-1e30), tr)
    m1 = jnp.max(l2, axis=0, keepdims=True)
    i1 = jnp.min(jnp.where(l2 == m1, io, E), axis=0, keepdims=True)
    e1m = jnp.exp(m1 - m0)
    s = 1.0 + e1m
    g0_ref[...] = (1.0 / s).reshape(1, 1, TBLK)
    g1_ref[...] = (e1m / s).reshape(1, 1, TBLK)
    e0_scr[pl.ds(i, 1), :] = i0
    e1_scr[pl.ds(i, 1), :] = i1

    @pl.when(i == NTB - 1)
    def _():
        e0 = e0_scr[...]
        e1 = e1_scr[...]
        rio = lax.broadcasted_iota(_I32, (TBLK, TBLK), 0)
        cio = lax.broadcasted_iota(_I32, (TBLK, TBLK), 1)
        up = (rio < cio).astype(_F32)
        r2 = lax.broadcasted_iota(_I32, (2 * NTB, 2 * NTB), 0)
        c2 = lax.broadcasted_iota(_I32, (2 * NTB, 2 * NTB), 1)
        lo = (c2 < r2).astype(_F32)
        bi = (lax.broadcasted_iota(_I32, (1, TBLK), 1) * BLK).astype(_F32)
        dest = jnp.zeros((2 * NTB, TBLK), _F32)
        bev = jnp.zeros((1, TBLK), _I32)
        start = _F32(0.0)
        for e in range(E):
            oh = jnp.concatenate([(e0 == e), (e1 == e)],
                                 axis=0).astype(_F32)
            rs = jnp.sum(oh, axis=1, keepdims=True)
            excl_rows = jnp.dot(lo, rs, preferred_element_type=_F32)
            excl_in = jnp.dot(oh, up, preferred_element_type=_F32)
            cnt = jnp.sum(rs)
            padded = jnp.ceil(cnt / BLK) * BLK
            dest = jnp.where(oh > 0, start + excl_rows + excl_in, dest)
            start = start + padded
            bev = bev + jnp.where(bi >= start, 1, 0).astype(_I32)
        dest_ref[...] = dest.astype(_I32)
        be_ref[...] = jnp.minimum(bev, E - 1)


def _plan_call(xf, wr, br2):
    return pl.pallas_call(
        _plan_kernel,
        grid=(NTB,),
        in_specs=[
            pl.BlockSpec((TBLK, D), lambda i: (i, 0)),
            pl.BlockSpec((D, E), lambda i: (0, 0)),
            pl.BlockSpec((1, E), lambda i: (0, 0)),
        ],
        out_specs=[
            pl.BlockSpec((1, 1, TBLK), lambda i: (i, 0, 0)),
            pl.BlockSpec((1, 1, TBLK), lambda i: (i, 0, 0)),
            pl.BlockSpec((2 * NTB, TBLK), lambda i: (0, 0)),
            pl.BlockSpec((1, TBLK), lambda i: (0, 0)),
        ],
        out_shape=[
            jax.ShapeDtypeStruct((NTB, 1, TBLK), _F32),
            jax.ShapeDtypeStruct((NTB, 1, TBLK), _F32),
            jax.ShapeDtypeStruct((2 * NTB, TBLK), _I32),
            jax.ShapeDtypeStruct((1, TBLK), _I32),
        ],
        scratch_shapes=[
            pltpu.VMEM((NTB, TBLK), _I32),
            pltpu.VMEM((NTB, TBLK), _I32),
        ],
    )(xf, wr, br2)


@functools.cache
def _sc_dispatch_kernel():
    mesh = plsc.VectorSubcoreMesh(core_axis_name="c", subcore_axis_name="s")

    @functools.partial(
        pl.kernel,
        out_type=jax.ShapeDtypeStruct((R_MAX, D), _F32),
        mesh=mesh,
        scratch_types=[
            pltpu.VMEM((CH, D), _F32),
            pltpu.VMEM((CH,), _I32),
            pltpu.VMEM((CH,), _I32),
            pltpu.SemaphoreType.DMA,
            pltpu.SemaphoreType.DMA,
        ],
    )
    def dispatch(x_hbm, dplan_hbm, xg_hbm, rows_v, idx0_v, idx1_v, sem0, sem1):
        wid = lax.axis_index("s") * 2 + lax.axis_index("c")
        for c in range(NCH):
            base = wid * TPW + c * CH
            pltpu.sync_copy(x_hbm.at[pl.ds(base, CH)], rows_v)
            pltpu.sync_copy(dplan_hbm.at[wid, c, 0], idx0_v)
            pltpu.sync_copy(dplan_hbm.at[wid, c, 1], idx1_v)
            cp0 = pltpu.async_copy(rows_v, xg_hbm.at[idx0_v], sem0)
            cp1 = pltpu.async_copy(rows_v, xg_hbm.at[idx1_v], sem1)
            cp0.wait()
            cp1.wait()

    return dispatch


def _sc_dispatch(xf, dplan):
    return _sc_dispatch_kernel()(xf, dplan)


def _expert_kernel(be_ref, xg_ref, w1_ref, b1_ref, w2_ref, b2_ref, y_ref):
    h = _gelu(jnp.dot(xg_ref[...].astype(jnp.bfloat16), w1_ref[0],
                      preferred_element_type=_F32) + b1_ref[0])
    y_ref[...] = jnp.dot(h.astype(jnp.bfloat16), w2_ref[0],
                         preferred_element_type=_F32) + b2_ref[0]


def _expert_call(be, xg, ew1, eb1, ew2, eb2):
    grid_spec = pltpu.PrefetchScalarGridSpec(
        num_scalar_prefetch=1,
        grid=(G_MAX,),
        in_specs=[
            pl.BlockSpec((BLK, D), lambda i, be: (i, 0)),
            pl.BlockSpec((1, D, H), lambda i, be: (be[i], 0, 0)),
            pl.BlockSpec((1, 1, H), lambda i, be: (be[i], 0, 0)),
            pl.BlockSpec((1, H, D), lambda i, be: (be[i], 0, 0)),
            pl.BlockSpec((1, 1, D), lambda i, be: (be[i], 0, 0)),
        ],
        out_specs=pl.BlockSpec((BLK, D), lambda i, be: (i, 0)),
    )
    return pl.pallas_call(
        _expert_kernel,
        grid_spec=grid_spec,
        out_shape=jax.ShapeDtypeStruct((R_MAX, D), _F32),
    )(be, xg, ew1, eb1.reshape(E, 1, H), ew2, eb2.reshape(E, 1, D))


@functools.cache
def _sc_collect_kernel():
    mesh = plsc.VectorSubcoreMesh(core_axis_name="c", subcore_axis_name="s")

    @functools.partial(
        pl.kernel,
        out_type=(
            jax.ShapeDtypeStruct((N, D), _F32),
            jax.ShapeDtypeStruct((N, D), _F32),
        ),
        mesh=mesh,
        scratch_types=[
            pltpu.VMEM((CH, D), _F32),
            pltpu.VMEM((CH, D), _F32),
            pltpu.VMEM((CH,), _I32),
            pltpu.VMEM((CH,), _I32),
            pltpu.SemaphoreType.DMA,
            pltpu.SemaphoreType.DMA,
        ],
    )
    def collect(y_hbm, dplan_hbm, yg0_hbm, yg1_hbm, r0_v, r1_v,
                idx0_v, idx1_v, sem0, sem1):
        wid = lax.axis_index("s") * 2 + lax.axis_index("c")
        for c in range(NCH):
            base = wid * TPW + c * CH
            pltpu.sync_copy(dplan_hbm.at[wid, c, 0], idx0_v)
            pltpu.sync_copy(dplan_hbm.at[wid, c, 1], idx1_v)
            cp0 = pltpu.async_copy(y_hbm.at[idx0_v], r0_v, sem0)
            cp1 = pltpu.async_copy(y_hbm.at[idx1_v], r1_v, sem1)
            cp0.wait()
            cp1.wait()
            pltpu.sync_copy(r0_v, yg0_hbm.at[pl.ds(base, CH)])
            pltpu.sync_copy(r1_v, yg1_hbm.at[pl.ds(base, CH)])

    return collect


def _sc_collect(y, dplan):
    return _sc_collect_kernel()(y, dplan)


def _shared_kernel(x_ref, w1_ref, b1_ref, w2_ref, b2_ref,
                   yg0_ref, yg1_ref, g0_ref, g1_ref, o_ref):
    h = _gelu(jnp.dot(x_ref[...].astype(jnp.bfloat16), w1_ref[...],
                      preferred_element_type=_F32) + b1_ref[...])
    sh = jnp.dot(h.astype(jnp.bfloat16), w2_ref[...],
                 preferred_element_type=_F32) + b2_ref[...]
    o_ref[...] = sh + g0_ref[...] * yg0_ref[...] + g1_ref[...] * yg1_ref[...]


def _shared_call(xf, sw1, sb1r, sw2, sb2r, yg0, yg1, g0c, g1c):
    return pl.pallas_call(
        _shared_kernel,
        grid=(NTB,),
        in_specs=[
            pl.BlockSpec((TBLK, D), lambda i: (i, 0)),
            pl.BlockSpec((D, H), lambda i: (0, 0)),
            pl.BlockSpec((1, H), lambda i: (0, 0)),
            pl.BlockSpec((H, D), lambda i: (0, 0)),
            pl.BlockSpec((1, D), lambda i: (0, 0)),
            pl.BlockSpec((TBLK, D), lambda i: (i, 0)),
            pl.BlockSpec((TBLK, D), lambda i: (i, 0)),
            pl.BlockSpec((TBLK, 1), lambda i: (i, 0)),
            pl.BlockSpec((TBLK, 1), lambda i: (i, 0)),
        ],
        out_specs=pl.BlockSpec((TBLK, D), lambda i: (i, 0)),
        out_shape=jax.ShapeDtypeStruct((N, D), _F32),
    )(xf, sw1, sb1r, sw2, sb2r, yg0, yg1, g0c, g1c)


def kernel(x, Wr, br, sW1, sb1, sW2, sb2, eW1, eb1, eW2, eb2):
    b, s, d = x.shape
    xf = x.reshape(N, D)
    g0, g1, dest2, bev = _plan_call(xf, Wr, br.reshape(1, E))
    d0 = dest2[:NTB].reshape(N)
    d1 = dest2[NTB:].reshape(N)
    dplan = jnp.stack(
        [d0.reshape(NW, NCH, CH), d1.reshape(NW, NCH, CH)], axis=2)
    be = bev[0, :G_MAX]
    xg = _sc_dispatch(xf, dplan)
    y = _expert_call(be, xg, eW1.astype(jnp.bfloat16), eb1,
                     eW2.astype(jnp.bfloat16), eb2)
    yg0, yg1 = _sc_collect(y, dplan)
    out = _shared_call(xf, sW1.astype(jnp.bfloat16), sb1.reshape(1, H),
                       sW2.astype(jnp.bfloat16), sb2.reshape(1, D),
                       yg0, yg1, g0.reshape(N, 1), g1.reshape(N, 1))
    return out.reshape(b, s, d)

# --- scband reference (transcript-rebuilt; emitter-appended) ---
"""Pipeline reference for scband-deep-seek-mo-e-36258113913354 (READ-ONLY COPY).

The authoritative reference and input builder live on the scoring server;
editing this copy changes nothing except your own understanding.
"""

import jax, jax.numpy as jnp
import numpy as np

B, S, D, E, K = 2, 2048, 1024, 8, 2


def setup_inputs(seed: int = 0) -> dict:
    key = jax.random.key(seed)
    ks = jax.random.split(key, 8)
    x = jax.random.normal(ks[0], (B, S, D), dtype=jnp.float32)
    Wr = jax.random.normal(ks[1], (D, E), dtype=jnp.float32) * 0.02
    br = jnp.zeros((E,), dtype=jnp.float32)
    sW1 = jax.random.normal(ks[2], (D, 2 * D), dtype=jnp.float32) * (1.0 / np.sqrt(D))
    sb1 = jnp.zeros((2 * D,), dtype=jnp.float32)
    sW2 = jax.random.normal(ks[3], (2 * D, D), dtype=jnp.float32) * (1.0 / np.sqrt(2 * D))
    sb2 = jnp.zeros((D,), dtype=jnp.float32)
    eW1 = jax.random.normal(ks[4], (E, D, 2 * D), dtype=jnp.float32) * (1.0 / np.sqrt(D))
    eb1 = jnp.zeros((E, 2 * D), dtype=jnp.float32)
    eW2 = jax.random.normal(ks[5], (E, 2 * D, D), dtype=jnp.float32) * (1.0 / np.sqrt(2 * D))
    eb2 = jnp.zeros((E, D), dtype=jnp.float32)
    return {"x": x, "Wr": Wr, "br": br, "sW1": sW1, "sb1": sb1, "sW2": sW2, "sb2": sb2, "eW1": eW1, "eb1": eb1, "eW2": eW2, "eb2": eb2}


def reference(x, Wr, br, sW1, sb1, sW2, sb2, eW1, eb1, eW2, eb2):
    b, s, d = x.shape
    flat_x = x.reshape(-1, d)
    routing_logits = flat_x @ Wr + br
    routing_weights = jax.nn.softmax(routing_logits, axis=-1)
    top_weights, top_indices = jax.lax.top_k(routing_weights, K)
    top_weights = top_weights / jnp.sum(top_weights, axis=-1, keepdims=True)
    # shared expert (applied to all tokens)
    shared_h = jax.nn.gelu(x @ sW1 + sb1, approximate=False)
    shared_out = shared_h @ sW2 + sb2
    # routed experts: per-token weight is zero for unselected experts, so a
    # dense compute weighted by the (mostly zero) gate matches the torch
    # masked scatter-accumulate exactly.
    expert_out = jnp.zeros_like(flat_x)
    for i in range(E):
        tw = jnp.sum(jnp.where(top_indices == i, top_weights, 0.0), axis=-1, keepdims=True)
        h = jax.nn.gelu(flat_x @ eW1[i] + eb1[i], approximate=False)
        o = h @ eW2[i] + eb2[i]
        expert_out = expert_out + o * tw
    return shared_out + expert_out.reshape(b, s, d)

if __name__ == "__main__":
    import jax
    _d = setup_inputs()
    print(jax.jit(kernel)(*tuple(_d.values())))

</pallas_src>

<mosaic_0001>
#map = affine_map<(d0, d1) -> (0, 0)>
#map1 = affine_map<(d0, d1) -> (0, 0, 0, 0)>
module attributes {stable_mosaic.version = 14 : i64} {
  func.func @collect(%arg0: i32, %arg1: i32, %arg2: memref<10240x1024xf32, #tpu.memory_space<hbm>>, %arg3: memref<32x4x2x32xi32, #tpu.memory_space<hbm>>, %arg4: memref<4096x1024xf32, #tpu.memory_space<hbm>>, %arg5: memref<4096x1024xf32, #tpu.memory_space<hbm>>, %arg6: memref<32x1024xf32, #tpu.memory_space<vmem>>, %arg7: memref<32x1024xf32, #tpu.memory_space<vmem>>, %arg8: memref<32xi32, #tpu.memory_space<vmem>>, %arg9: memref<32xi32, #tpu.memory_space<vmem>>, %arg10: memref<!tpu.dma_semaphore, #tpu.memory_space<semaphore_mem>>, %arg11: memref<!tpu.dma_semaphore, #tpu.memory_space<semaphore_mem>>) attributes {dimension_semantics = [#tpu.dimension_semantics<core_parallel>, #tpu.dimension_semantics<subcore_parallel>], iteration_bounds = array<i64: 2, 16>, scalar_prefetch = 0 : i64, scratch_operands = 6 : i64, tpu.core_type = #tpu.core_type<sc_vector_subcore>, window_params = [{transform_indices = #map}, {transform_indices = #map1}, {transform_indices = #map}, {transform_indices = #map}]} {
    %mul3A = arith.constant 2 : i32
    %mul3A_0 = arith.muli %arg1, %mul3A : i32
    %add3A = arith.addi %mul3A_0, %arg0 : i32
    %mul3A_1 = arith.constant 128 : i32
    %mul3A_2 = arith.muli %add3A, %mul3A_1 : i32
    %add3A_3 = arith.constant 0 : i32
    %add3A_4 = arith.addi %mul3A_2, %add3A_3 : i32
    %run_scoped3A = arith.constant 0 : i32
    %run_scoped3A_5 = arith.constant 0 : i32
    "tpu.region"() ({
      %run_scoped3A_78 = tpu.sem_alloc : memref<!tpu.dma_semaphore, #tpu.memory_space<semaphore_mem>>
      %dma_start3A_79 = arith.constant 0 : i32
      %dma_start3A_80 = tpu.memref_slice %arg3[%add3A, %run_scoped3A, %run_scoped3A_5, %dma_start3A_79] : memref<32x4x2x32xi32, #tpu.memory_space<hbm>> -> memref<1x1x1x32xi32, #tpu.memory_space<hbm>>
      %dma_start3A_81 = tpu.memref_squeeze %dma_start3A_80 : memref<1x1x1x32xi32, #tpu.memory_space<hbm>> -> memref<32xi32, #tpu.memory_space<hbm>>
      %dma_start3A_82 = arith.constant 0 : i32
      %dma_start3A_83 = tpu.memref_slice %arg3[%add3A, %run_scoped3A, %run_scoped3A_5, %dma_start3A_82] : memref<32x4x2x32xi32, #tpu.memory_space<hbm>> -> memref<1x1x1x32xi32, #tpu.memory_space<hbm>>
      %dma_start3A_84 = tpu.memref_squeeze %dma_start3A_83 : memref<1x1x1x32xi32, #tpu.memory_space<hbm>> -> memref<32xi32, #tpu.memory_space<hbm>>
      tpu.enqueue_dma source(%dma_start3A_84 : memref<32xi32, #tpu.memory_space<hbm>>) target(%arg8 : memref<32xi32, #tpu.memory_space<vmem>>) target_semaphore(%run_scoped3A_78 : memref<!tpu.dma_semaphore, #tpu.memory_space<semaphore_mem>>)
      %dma_wait3A_85 = arith.constant 0 : i32
      %dma_wait3A_86 = tpu.memref_slice %arg3[%add3A, %run_scoped3A, %run_scoped3A_5, %dma_wait3A_85] : memref<32x4x2x32xi32, #tpu.memory_space<hbm>> -> memref<1x1x1x32xi32, #tpu.memory_space<hbm>>
      %dma_wait3A_87 = tpu.memref_squeeze %dma_wait3A_86 : memref<1x1x1x32xi32, #tpu.memory_space<hbm>> -> memref<32xi32, #tpu.memory_space<hbm>>
      %dma_wait3A_88 = arith.constant 0 : i32
      %dma_wait3A_89 = tpu.memref_slice %arg3[%add3A, %run_scoped3A, %run_scoped3A_5, %dma_wait3A_88] : memref<32x4x2x32xi32, #tpu.memory_space<hbm>> -> memref<1x1x1x32xi32, #tpu.memory_space<hbm>>
      %dma_wait3A_90 = tpu.memref_squeeze %dma_wait3A_89 : memref<1x1x1x32xi32, #tpu.memory_space<hbm>> -> memref<32xi32, #tpu.memory_space<hbm>>
      tpu.wait_dma2 semaphore(%run_scoped3A_78 : memref<!tpu.dma_semaphore, #tpu.memory_space<semaphore_mem>>) src(%dma_wait3A_90 : memref<32xi32, #tpu.memory_space<hbm>>) dst(%arg8 : memref<32xi32, #tpu.memory_space<vmem>>)
      tpu.yield
    }) : () -> ()
    %run_scoped3A_6 = arith.constant 0 : i32
    %run_scoped3A_7 = arith.constant 1 : i32
    "tpu.region"() ({
      %run_scoped3A_78 = tpu.sem_alloc : memref<!tpu.dma_semaphore, #tpu.memory_space<semaphore_mem>>
      %dma_start3A_79 = arith.constant 0 : i32
      %dma_start3A_80 = tpu.memref_slice %arg3[%add3A, %run_scoped3A_6, %run_scoped3A_7, %dma_start3A_79] : memref<32x4x2x32xi32, #tpu.memory_space<hbm>> -> memref<1x1x1x32xi32, #tpu.memory_space<hbm>>
      %dma_start3A_81 = tpu.memref_squeeze %dma_start3A_80 : memref<1x1x1x32xi32, #tpu.memory_space<hbm>> -> memref<32xi32, #tpu.memory_space<hbm>>
      %dma_start3A_82 = arith.constant 0 : i32
      %dma_start3A_83 = tpu.memref_slice %arg3[%add3A, %run_scoped3A_6, %run_scoped3A_7, %dma_start3A_82] : memref<32x4x2x32xi32, #tpu.memory_space<hbm>> -> memref<1x1x1x32xi32, #tpu.memory_space<hbm>>
      %dma_start3A_84 = tpu.memref_squeeze %dma_start3A_83 : memref<1x1x1x32xi32, #tpu.memory_space<hbm>> -> memref<32xi32, #tpu.memory_space<hbm>>
      tpu.enqueue_dma source(%dma_start3A_84 : memref<32xi32, #tpu.memory_space<hbm>>) target(%arg9 : memref<32xi32, #tpu.memory_space<vmem>>) target_semaphore(%run_scoped3A_78 : memref<!tpu.dma_semaphore, #tpu.memory_space<semaphore_mem>>)
      %dma_wait3A_85 = arith.constant 0 : i32
      %dma_wait3A_86 = tpu.memref_slice %arg3[%add3A, %run_scoped3A_6, %run_scoped3A_7, %dma_wait3A_85] : memref<32x4x2x32xi32, #tpu.memory_space<hbm>> -> memref<1x1x1x32xi32, #tpu.memory_space<hbm>>
      %dma_wait3A_87 = tpu.memref_squeeze %dma_wait3A_86 : memref<1x1x1x32xi32, #tpu.memory_space<hbm>> -> memref<32xi32, #tpu.memory_space<hbm>>
      %dma_wait3A_88 = arith.constant 0 : i32
      %dma_wait3A_89 = tpu.memref_slice %arg3[%add3A, %run_scoped3A_6, %run_scoped3A_7, %dma_wait3A_88] : memref<32x4x2x32xi32, #tpu.memory_space<hbm>> -> memref<1x1x1x32xi32, #tpu.memory_space<hbm>>
      %dma_wait3A_90 = tpu.memref_squeeze %dma_wait3A_89 : memref<1x1x1x32xi32, #tpu.memory_space<hbm>> -> memref<32xi32, #tpu.memory_space<hbm>>
      tpu.wait_dma2 semaphore(%run_scoped3A_78 : memref<!tpu.dma_semaphore, #tpu.memory_space<semaphore_mem>>) src(%dma_wait3A_90 : memref<32xi32, #tpu.memory_space<hbm>>) dst(%arg9 : memref<32xi32, #tpu.memory_space<vmem>>)
      tpu.yield
    }) : () -> ()
    %dma_start3A = arith.constant 0 : i32
    %dma_start3A_8 = arith.constant 0 : i32
    %dma_start3A_9 = tpu.memref_slice %arg2[%dma_start3A, %dma_start3A_8] : memref<10240x1024xf32, #tpu.memory_space<hbm>> -> memref<10240x1024xf32, #tpu.memory_space<hbm>>
    tpu.enqueue_indirect_dma source(%dma_start3A_9 : memref<10240x1024xf32, #tpu.memory_space<hbm>>) target(%arg6 : memref<32x1024xf32, #tpu.memory_space<vmem>>) offsets(%arg8 : memref<32xi32, #tpu.memory_space<vmem>>) semaphore(%arg10 : memref<!tpu.dma_semaphore, #tpu.memory_space<semaphore_mem>>)
    %dma_start3A_10 = arith.constant 0 : i32
    %dma_start3A_11 = arith.constant 0 : i32
    %dma_start3A_12 = tpu.memref_slice %arg2[%dma_start3A_10, %dma_start3A_11] : memref<10240x1024xf32, #tpu.memory_space<hbm>> -> memref<10240x1024xf32, #tpu.memory_space<hbm>>
    tpu.enqueue_indirect_dma source(%dma_start3A_12 : memref<10240x1024xf32, #tpu.memory_space<hbm>>) target(%arg7 : memref<32x1024xf32, #tpu.memory_space<vmem>>) offsets(%arg9 : memref<32xi32, #tpu.memory_space<vmem>>) semaphore(%arg11 : memref<!tpu.dma_semaphore, #tpu.memory_space<semaphore_mem>>)
    %dma_wait3A = arith.constant 0 : i32
    %dma_wait3A_13 = arith.constant 0 : i32
    %dma_wait3A_14 = tpu.memref_slice %arg2[%dma_wait3A, %dma_wait3A_13] : memref<10240x1024xf32, #tpu.memory_space<hbm>> -> memref<10240x1024xf32, #tpu.memory_space<hbm>>
    tpu.wait_indirect_dma semaphore(%arg10 : memref<!tpu.dma_semaphore, #tpu.memory_space<semaphore_mem>>) src(%dma_wait3A_14 : memref<10240x1024xf32, #tpu.memory_space<hbm>>) dst(%arg6 : memref<32x1024xf32, #tpu.memory_space<vmem>>)
    %dma_wait3A_15 = arith.constant 0 : i32
    %dma_wait3A_16 = arith.constant 0 : i32
    %dma_wait3A_17 = tpu.memref_slice %arg2[%dma_wait3A_15, %dma_wait3A_16] : memref<10240x1024xf32, #tpu.memory_space<hbm>> -> memref<10240x1024xf32, #tpu.memory_space<hbm>>
    tpu.wait_indirect_dma semaphore(%arg11 : memref<!tpu.dma_semaphore, #tpu.memory_space<semaphore_mem>>) src(%dma_wait3A_17 : memref<10240x1024xf32, #tpu.memory_space<hbm>>) dst(%arg7 : memref<32x1024xf32, #tpu.memory_space<vmem>>)
    "tpu.region"() ({
      %run_scoped3A_78 = tpu.sem_alloc : memref<!tpu.dma_semaphore, #tpu.memory_space<semaphore_mem>>
      %dma_start3A_79 = arith.constant 0 : i32
      %dma_start3A_80 = tpu.memref_slice %arg4[%add3A_4, %dma_start3A_79] : memref<4096x1024xf32, #tpu.memory_space<hbm>> -> memref<32x1024xf32, #tpu.memory_space<hbm>>
      %dma_start3A_81 = arith.constant 0 : i32
      %dma_start3A_82 = tpu.memref_slice %arg4[%add3A_4, %dma_start3A_81] : memref<4096x1024xf32, #tpu.memory_space<hbm>> -> memref<32x1024xf32, #tpu.memory_space<hbm>>
      tpu.enqueue_dma source(%arg6 : memref<32x1024xf32, #tpu.memory_space<vmem>>) target(%dma_start3A_82 : memref<32x1024xf32, #tpu.memory_space<hbm>>) target_semaphore(%run_scoped3A_78 : memref<!tpu.dma_semaphore, #tpu.memory_space<semaphore_mem>>)
      %dma_wait3A_83 = arith.constant 0 : i32
      %dma_wait3A_84 = tpu.memref_slice %arg4[%add3A_4, %dma_wait3A_83] : memref<4096x1024xf32, #tpu.memory_space<hbm>> -> memref<32x1024xf32, #tpu.memory_space<hbm>>
      %dma_wait3A_85 = arith.constant 0 : i32
      %dma_wait3A_86 = tpu.memref_slice %arg4[%add3A_4, %dma_wait3A_85] : memref<4096x1024xf32, #tpu.memory_space<hbm>> -> memref<32x1024xf32, #tpu.memory_space<hbm>>
      tpu.wait_dma2 semaphore(%run_scoped3A_78 : memref<!tpu.dma_semaphore, #tpu.memory_space<semaphore_mem>>) src(%arg6 : memref<32x1024xf32, #tpu.memory_space<vmem>>) dst(%dma_wait3A_86 : memref<32x1024xf32, #tpu.memory_space<hbm>>)
      tpu.yield
    }) : () -> ()
    "tpu.region"() ({
      %run_scoped3A_78 = tpu.sem_alloc : memref<!tpu.dma_semaphore, #tpu.memory_space<semaphore_mem>>
      %dma_start3A_79 = arith.constant 0 : i32
      %dma_start3A_80 = tpu.memref_slice %arg5[%add3A_4, %dma_start3A_79] : memref<4096x1024xf32, #tpu.memory_space<hbm>> -> memref<32x1024xf32, #tpu.memory_space<hbm>>
      %dma_start3A_81 = arith.constant 0 : i32
      %dma_start3A_82 = tpu.memref_slice %arg5[%add3A_4, %dma_start3A_81] : memref<4096x1024xf32, #tpu.memory_space<hbm>> -> memref<32x1024xf32, #tpu.memory_space<hbm>>
      tpu.enqueue_dma source(%arg7 : memref<32x1024xf32, #tpu.memory_space<vmem>>) target(%dma_start3A_82 : memref<32x1024xf32, #tpu.memory_space<hbm>>) target_semaphore(%run_scoped3A_78 : memref<!tpu.dma_semaphore, #tpu.memory_space<semaphore_mem>>)
      %dma_wait3A_83 = arith.constant 0 : i32
      %dma_wait3A_84 = tpu.memref_slice %arg5[%add3A_4, %dma_wait3A_83] : memref<4096x1024xf32, #tpu.memory_space<hbm>> -> memref<32x1024xf32, #tpu.memory_space<hbm>>
      %dma_wait3A_85 = arith.constant 0 : i32
      %dma_wait3A_86 = tpu.memref_slice %arg5[%add3A_4, %dma_wait3A_85] : memref<4096x1024xf32, #tpu.memory_space<hbm>> -> memref<32x1024xf32, #tpu.memory_space<hbm>>
      tpu.wait_dma2 semaphore(%run_scoped3A_78 : memref<!tpu.dma_semaphore, #tpu.memory_space<semaphore_mem>>) src(%arg7 : memref<32x1024xf32, #tpu.memory_space<vmem>>) dst(%dma_wait3A_86 : memref<32x1024xf32, #tpu.memory_space<hbm>>)
      tpu.yield
    }) : () -> ()
    %mul3A_18 = arith.constant 128 : i32
    %mul3A_19 = arith.muli %add3A, %mul3A_18 : i32
    %add3A_20 = arith.constant 32 : i32
    %add3A_21 = arith.addi %mul3A_19, %add3A_20 : i32
    %run_scoped3A_22 = arith.constant 1 : i32
    %run_scoped3A_23 = arith.constant 0 : i32
    "tpu.region"() ({
      %run_scoped3A_78 = tpu.sem_alloc : memref<!tpu.dma_semaphore, #tpu.memory_space<semaphore_mem>>
      %dma_start3A_79 = arith.constant 0 : i32
      %dma_start3A_80 = tpu.memref_slice %arg3[%add3A, %run_scoped3A_22, %run_scoped3A_23, %dma_start3A_79] : memref<32x4x2x32xi32, #tpu.memory_space<hbm>> -> memref<1x1x1x32xi32, #tpu.memory_space<hbm>>
      %dma_start3A_81 = tpu.memref_squeeze %dma_start3A_80 : memref<1x1x1x32xi32, #tpu.memory_space<hbm>> -> memref<32xi32, #tpu.memory_space<hbm>>
      %dma_start3A_82 = arith.constant 0 : i32
      %dma_start3A_83 = tpu.memref_slice %arg3[%add3A, %run_scoped3A_22, %run_scoped3A_23, %dma_start3A_82] : memref<32x4x2x32xi32, #tpu.memory_space<hbm>> -> memref<1x1x1x32xi32, #tpu.memory_space<hbm>>
      %dma_start3A_84 = tpu.memref_squeeze %dma_start3A_83 : memref<1x1x1x32xi32, #tpu.memory_space<hbm>> -> memref<32xi32, #tpu.memory_space<hbm>>
      tpu.enqueue_dma source(%dma_start3A_84 : memref<32xi32, #tpu.memory_space<hbm>>) target(%arg8 : memref<32xi32, #tpu.memory_space<vmem>>) target_semaphore(%run_scoped3A_78 : memref<!tpu.dma_semaphore, #tpu.memory_space<semaphore_mem>>)
      %dma_wait3A_85 = arith.constant 0 : i32
      %dma_wait3A_86 = tpu.memref_slice %arg3[%add3A, %run_scoped3A_22, %run_scoped3A_23, %dma_wait3A_85] : memref<32x4x2x32xi32, #tpu.memory_space<hbm>> -> memref<1x1x1x32xi32, #tpu.memory_space<hbm>>
      %dma_wait3A_87 = tpu.memref_squeeze %dma_wait3A_86 : memref<1x1x1x32xi32, #tpu.memory_space<hbm>> -> memref<32xi32, #tpu.memory_space<hbm>>
      %dma_wait3A_88 = arith.constant 0 : i32
      %dma_wait3A_89 = tpu.memref_slice %arg3[%add3A, %run_scoped3A_22, %run_scoped3A_23, %dma_wait3A_88] : memref<32x4x2x32xi32, #tpu.memory_space<hbm>> -> memref<1x1x1x32xi32, #tpu.memory_space<hbm>>
      %dma_wait3A_90 = tpu.memref_squeeze %dma_wait3A_89 : memref<1x1x1x32xi32, #tpu.memory_space<hbm>> -> memref<32xi32, #tpu.memory_space<hbm>>
      tpu.wait_dma2 semaphore(%run_scoped3A_78 : memref<!tpu.dma_semaphore, #tpu.memory_space<semaphore_mem>>) src(%dma_wait3A_90 : memref<32xi32, #tpu.memory_space<hbm>>) dst(%arg8 : memref<32xi32, #tpu.memory_space<vmem>>)
      tpu.yield
    }) : () -> ()
    %run_scoped3A_24 = arith.constant 1 : i32
    %run_scoped3A_25 = arith.constant 1 : i32
    "tpu.region"() ({
      %run_scoped3A_78 = tpu.sem_alloc : memref<!tpu.dma_semaphore, #tpu.memory_space<semaphore_mem>>
      %dma_start3A_79 = arith.constant 0 : i32
      %dma_start3A_80 = tpu.memref_slice %arg3[%add3A, %run_scoped3A_24, %run_scoped3A_25, %dma_start3A_79] : memref<32x4x2x32xi32, #tpu.memory_space<hbm>> -> memref<1x1x1x32xi32, #tpu.memory_space<hbm>>
      %dma_start3A_81 = tpu.memref_squeeze %dma_start3A_80 : memref<1x1x1x32xi32, #tpu.memory_space<hbm>> -> memref<32xi32, #tpu.memory_space<hbm>>
      %dma_start3A_82 = arith.constant 0 : i32
      %dma_start3A_83 = tpu.memref_slice %arg3[%add3A, %run_scoped3A_24, %run_scoped3A_25, %dma_start3A_82] : memref<32x4x2x32xi32, #tpu.memory_space<hbm>> -> memref<1x1x1x32xi32, #tpu.memory_space<hbm>>
      %dma_start3A_84 = tpu.memref_squeeze %dma_start3A_83 : memref<1x1x1x32xi32, #tpu.memory_space<hbm>> -> memref<32xi32, #tpu.memory_space<hbm>>
      tpu.enqueue_dma source(%dma_start3A_84 : memref<32xi32, #tpu.memory_space<hbm>>) target(%arg9 : memref<32xi32, #tpu.memory_space<vmem>>) target_semaphore(%run_scoped3A_78 : memref<!tpu.dma_semaphore, #tpu.memory_space<semaphore_mem>>)
      %dma_wait3A_85 = arith.constant 0 : i32
      %dma_wait3A_86 = tpu.memref_slice %arg3[%add3A, %run_scoped3A_24, %run_scoped3A_25, %dma_wait3A_85] : memref<32x4x2x32xi32, #tpu.memory_space<hbm>> -> memref<1x1x1x32xi32, #tpu.memory_space<hbm>>
      %dma_wait3A_87 = tpu.memref_squeeze %dma_wait3A_86 : memref<1x1x1x32xi32, #tpu.memory_space<hbm>> -> memref<32xi32, #tpu.memory_space<hbm>>
      %dma_wait3A_88 = arith.constant 0 : i32
      %dma_wait3A_89 = tpu.memref_slice %arg3[%add3A, %run_scoped3A_24, %run_scoped3A_25, %dma_wait3A_88] : memref<32x4x2x32xi32, #tpu.memory_space<hbm>> -> memref<1x1x1x32xi32, #tpu.memory_space<hbm>>
      %dma_wait3A_90 = tpu.memref_squeeze %dma_wait3A_89 : memref<1x1x1x32xi32, #tpu.memory_space<hbm>> -> memref<32xi32, #tpu.memory_space<hbm>>
      tpu.wait_dma2 semaphore(%run_scoped3A_78 : memref<!tpu.dma_semaphore, #tpu.memory_space<semaphore_mem>>) src(%dma_wait3A_90 : memref<32xi32, #tpu.memory_space<hbm>>) dst(%arg9 : memref<32xi32, #tpu.memory_space<vmem>>)
      tpu.yield
    }) : () -> ()
    %dma_start3A_26 = arith.constant 0 : i32
    %dma_start3A_27 = arith.constant 0 : i32
    %dma_start3A_28 = tpu.memref_slice %arg2[%dma_start3A_26, %dma_start3A_27] : memref<10240x1024xf32, #tpu.memory_space<hbm>> -> memref<10240x1024xf32, #tpu.memory_space<hbm>>
    tpu.enqueue_indirect_dma source(%dma_start3A_28 : memref<10240x1024xf32, #tpu.memory_space<hbm>>) target(%arg6 : memref<32x1024xf32, #tpu.memory_space<vmem>>) offsets(%arg8 : memref<32xi32, #tpu.memory_space<vmem>>) semaphore(%arg10 : memref<!tpu.dma_semaphore, #tpu.memory_space<semaphore_mem>>)
    %dma_start3A_29 = arith.constant 0 : i32
    %dma_start3A_30 = arith.constant 0 : i32
    %dma_start3A_31 = tpu.memref_slice %arg2[%dma_start3A_29, %dma_start3A_30] : memref<10240x1024xf32, #tpu.memory_space<hbm>> -> memref<10240x1024xf32, #tpu.memory_space<hbm>>
    tpu.enqueue_indirect_dma source(%dma_start3A_31 : memref<10240x1024xf32, #tpu.memory_space<hbm>>) target(%arg7 : memref<32x1024xf32, #tpu.memory_space<vmem>>) offsets(%arg9 : memref<32xi32, #tpu.memory_space<vmem>>) semaphore(%arg11 : memref<!tpu.dma_semaphore, #tpu.memory_space<semaphore_mem>>)
    %dma_wait3A_32 = arith.constant 0 : i32
    %dma_wait3A_33 = arith.constant 0 : i32
    %dma_wait3A_34 = tpu.memref_slice %arg2[%dma_wait3A_32, %dma_wait3A_33] : memref<10240x1024xf32, #tpu.memory_space<hbm>> -> memref<10240x1024xf32, #tpu.memory_space<hbm>>
    tpu.wait_indirect_dma semaphore(%arg10 : memref<!tpu.dma_semaphore, #tpu.memory_space<semaphore_mem>>) src(%dma_wait3A_34 : memref<10240x1024xf32, #tpu.memory_space<hbm>>) dst(%arg6 : memref<32x1024xf32, #tpu.memory_space<vmem>>)
    %dma_wait3A_35 = arith.constant 0 : i32
    %dma_wait3A_36 = arith.constant 0 : i32
    %dma_wait3A_37 = tpu.memref_slice %arg2[%dma_wait3A_35, %dma_wait3A_36] : memref<10240x1024xf32, #tpu.memory_space<hbm>> -> memref<10240x1024xf32, #tpu.memory_space<hbm>>
    tpu.wait_indirect_dma semaphore(%arg11 : memref<!tpu.dma_semaphore, #tpu.memory_space<semaphore_mem>>) src(%dma_wait3A_37 : memref<10240x1024xf32, #tpu.memory_space<hbm>>) dst(%arg7 : memref<32x1024xf32, #tpu.memory_space<vmem>>)
    "tpu.region"() ({
      %run_scoped3A_78 = tpu.sem_alloc : memref<!tpu.dma_semaphore, #tpu.memory_space<semaphore_mem>>
      %dma_start3A_79 = arith.constant 0 : i32
      %dma_start3A_80 = tpu.memref_slice %arg4[%add3A_21, %dma_start3A_79] : memref<4096x1024xf32, #tpu.memory_space<hbm>> -> memref<32x1024xf32, #tpu.memory_space<hbm>>
      %dma_start3A_81 = arith.constant 0 : i32
      %dma_start3A_82 = tpu.memref_slice %arg4[%add3A_21, %dma_start3A_81] : memref<4096x1024xf32, #tpu.memory_space<hbm>> -> memref<32x1024xf32, #tpu.memory_space<hbm>>
      tpu.enqueue_dma source(%arg6 : memref<32x1024xf32, #tpu.memory_space<vmem>>) target(%dma_start3A_82 : memref<32x1024xf32, #tpu.memory_space<hbm>>) target_semaphore(%run_scoped3A_78 : memref<!tpu.dma_semaphore, #tpu.memory_space<semaphore_mem>>)
      %dma_wait3A_83 = arith.constant 0 : i32
      %dma_wait3A_84 = tpu.memref_slice %arg4[%add3A_21, %dma_wait3A_83] : memref<4096x1024xf32, #tpu.memory_space<hbm>> -> memref<32x1024xf32, #tpu.memory_space<hbm>>
      %dma_wait3A_85 = arith.constant 0 : i32
      %dma_wait3A_86 = tpu.memref_slice %arg4[%add3A_21, %dma_wait3A_85] : memref<4096x1024xf32, #tpu.memory_space<hbm>> -> memref<32x1024xf32, #tpu.memory_space<hbm>>
      tpu.wait_dma2 semaphore(%run_scoped3A_78 : memref<!tpu.dma_semaphore, #tpu.memory_space<semaphore_mem>>) src(%arg6 : memref<32x1024xf32, #tpu.memory_space<vmem>>) dst(%dma_wait3A_86 : memref<32x1024xf32, #tpu.memory_space<hbm>>)
      tpu.yield
    }) : () -> ()
    "tpu.region"() ({
      %run_scoped3A_78 = tpu.sem_alloc : memref<!tpu.dma_semaphore, #tpu.memory_space<semaphore_mem>>
      %dma_start3A_79 = arith.constant 0 : i32
      %dma_start3A_80 = tpu.memref_slice %arg5[%add3A_21, %dma_start3A_79] : memref<4096x1024xf32, #tpu.memory_space<hbm>> -> memref<32x1024xf32, #tpu.memory_space<hbm>>
      %dma_start3A_81 = arith.constant 0 : i32
      %dma_start3A_82 = tpu.memref_slice %arg5[%add3A_21, %dma_start3A_81] : memref<4096x1024xf32, #tpu.memory_space<hbm>> -> memref<32x1024xf32, #tpu.memory_space<hbm>>
      tpu.enqueue_dma source(%arg7 : memref<32x1024xf32, #tpu.memory_space<vmem>>) target(%dma_start3A_82 : memref<32x1024xf32, #tpu.memory_space<hbm>>) target_semaphore(%run_scoped3A_78 : memref<!tpu.dma_semaphore, #tpu.memory_space<semaphore_mem>>)
      %dma_wait3A_83 = arith.constant 0 : i32
      %dma_wait3A_84 = tpu.memref_slice %arg5[%add3A_21, %dma_wait3A_83] : memref<4096x1024xf32, #tpu.memory_space<hbm>> -> memref<32x1024xf32, #tpu.memory_space<hbm>>
      %dma_wait3A_85 = arith.constant 0 : i32
      %dma_wait3A_86 = tpu.memref_slice %arg5[%add3A_21, %dma_wait3A_85] : memref<4096x1024xf32, #tpu.memory_space<hbm>> -> memref<32x1024xf32, #tpu.memory_space<hbm>>
      tpu.wait_dma2 semaphore(%run_scoped3A_78 : memref<!tpu.dma_semaphore, #tpu.memory_space<semaphore_mem>>) src(%arg7 : memref<32x1024xf32, #tpu.memory_space<vmem>>) dst(%dma_wait3A_86 : memref<32x1024xf32, #tpu.memory_space<hbm>>)
      tpu.yield
    }) : () -> ()
    %mul3A_38 = arith.constant 128 : i32
    %mul3A_39 = arith.muli %add3A, %mul3A_38 : i32
    %add3A_40 = arith.constant 64 : i32
    %add3A_41 = arith.addi %mul3A_39, %add3A_40 : i32
    %run_scoped3A_42 = arith.constant 2 : i32
    %run_scoped3A_43 = arith.constant 0 : i32
    "tpu.region"() ({
      %run_scoped3A_78 = tpu.sem_alloc : memref<!tpu.dma_semaphore, #tpu.memory_space<semaphore_mem>>
      %dma_start3A_79 = arith.constant 0 : i32
      %dma_start3A_80 = tpu.memref_slice %arg3[%add3A, %run_scoped3A_42, %run_scoped3A_43, %dma_start3A_79] : memref<32x4x2x32xi32, #tpu.memory_space<hbm>> -> memref<1x1x1x32xi32, #tpu.memory_space<hbm>>
      %dma_start3A_81 = tpu.memref_squeeze %dma_start3A_80 : memref<1x1x1x32xi32, #tpu.memory_space<hbm>> -> memref<32xi32, #tpu.memory_space<hbm>>
      %dma_start3A_82 = arith.constant 0 : i32
      %dma_start3A_83 = tpu.memref_slice %arg3[%add3A, %run_scoped3A_42, %run_scoped3A_43, %dma_start3A_82] : memref<32x4x2x32xi32, #tpu.memory_space<hbm>> -> memref<1x1x1x32xi32, #tpu.memory_space<hbm>>
      %dma_start3A_84 = tpu.memref_squeeze %dma_start3A_83 : memref<1x1x1x32xi32, #tpu.memory_space<hbm>> -> memref<32xi32, #tpu.memory_space<hbm>>
      tpu.enqueue_dma source(%dma_start3A_84 : memref<32xi32, #tpu.memory_space<hbm>>) target(%arg8 : memref<32xi32, #tpu.memory_space<vmem>>) target_semaphore(%run_scoped3A_78 : memref<!tpu.dma_semaphore, #tpu.memory_space<semaphore_mem>>)
      %dma_wait3A_85 = arith.constant 0 : i32
      %dma_wait3A_86 = tpu.memref_slice %arg3[%add3A, %run_scoped3A_42, %run_scoped3A_43, %dma_wait3A_85] : memref<32x4x2x32xi32, #tpu.memory_space<hbm>> -> memref<1x1x1x32xi32, #tpu.memory_space<hbm>>
      %dma_wait3A_87 = tpu.memref_squeeze %dma_wait3A_86 : memref<1x1x1x32xi32, #tpu.memory_space<hbm>> -> memref<32xi32, #tpu.memory_space<hbm>>
      %dma_wait3A_88 = arith.constant 0 : i32
      %dma_wait3A_89 = tpu.memref_slice %arg3[%add3A, %run_scoped3A_42, %run_scoped3A_43, %dma_wait3A_88] : memref<32x4x2x32xi32, #tpu.memory_space<hbm>> -> memref<1x1x1x32xi32, #tpu.memory_space<hbm>>
      %dma_wait3A_90 = tpu.memref_squeeze %dma_wait3A_89 : memref<1x1x1x32xi32, #tpu.memory_space<hbm>> -> memref<32xi32, #tpu.memory_space<hbm>>
      tpu.wait_dma2 semaphore(%run_scoped3A_78 : memref<!tpu.dma_semaphore, #tpu.memory_space<semaphore_mem>>) src(%dma_wait3A_90 : memref<32xi32, #tpu.memory_space<hbm>>) dst(%arg8 : memref<32xi32, #tpu.memory_space<vmem>>)
      tpu.yield
    }) : () -> ()
    %run_scoped3A_44 = arith.constant 2 : i32
    %run_scoped3A_45 = arith.constant 1 : i32
    "tpu.region"() ({
      %run_scoped3A_78 = tpu.sem_alloc : memref<!tpu.dma_semaphore, #tpu.memory_space<semaphore_mem>>
      %dma_start3A_79 = arith.constant 0 : i32
      %dma_start3A_80 = tpu.memref_slice %arg3[%add3A, %run_scoped3A_44, %run_scoped3A_45, %dma_start3A_79] : memref<32x4x2x32xi32, #tpu.memory_space<hbm>> -> memref<1x1x1x32xi32, #tpu.memory_space<hbm>>
      %dma_start3A_81 = tpu.memref_squeeze %dma_start3A_80 : memref<1x1x1x32xi32, #tpu.memory_space<hbm>> -> memref<32xi32, #tpu.memory_space<hbm>>
      %dma_start3A_82 = arith.constant 0 : i32
      %dma_start3A_83 = tpu.memref_slice %arg3[%add3A, %run_scoped3A_44, %run_scoped3A_45, %dma_start3A_82] : memref<32x4x2x32xi32, #tpu.memory_space<hbm>> -> memref<1x1x1x32xi32, #tpu.memory_space<hbm>>
      %dma_start3A_84 = tpu.memref_squeeze %dma_start3A_83 : memref<1x1x1x32xi32, #tpu.memory_space<hbm>> -> memref<32xi32, #tpu.memory_space<hbm>>
      tpu.enqueue_dma source(%dma_start3A_84 : memref<32xi32, #tpu.memory_space<hbm>>) target(%arg9 : memref<32xi32, #tpu.memory_space<vmem>>) target_semaphore(%run_scoped3A_78 : memref<!tpu.dma_semaphore, #tpu.memory_space<semaphore_mem>>)
      %dma_wait3A_85 = arith.constant 0 : i32
      %dma_wait3A_86 = tpu.memref_slice %arg3[%add3A, %run_scoped3A_44, %run_scoped3A_45, %dma_wait3A_85] : memref<32x4x2x32xi32, #tpu.memory_space<hbm>> -> memref<1x1x1x32xi32, #tpu.memory_space<hbm>>
      %dma_wait3A_87 = tpu.memref_squeeze %dma_wait3A_86 : memref<1x1x1x32xi32, #tpu.memory_space<hbm>> -> memref<32xi32, #tpu.memory_space<hbm>>
      %dma_wait3A_88 = arith.constant 0 : i32
      %dma_wait3A_89 = tpu.memref_slice %arg3[%add3A, %run_scoped3A_44, %run_scoped3A_45, %dma_wait3A_88] : memref<32x4x2x32xi32, #tpu.memory_space<hbm>> -> memref<1x1x1x32xi32, #tpu.memory_space<hbm>>
      %dma_wait3A_90 = tpu.memref_squeeze %dma_wait3A_89 : memref<1x1x1x32xi32, #tpu.memory_space<hbm>> -> memref<32xi32, #tpu.memory_space<hbm>>
      tpu.wait_dma2 semaphore(%run_scoped3A_78 : memref<!tpu.dma_semaphore, #tpu.memory_space<semaphore_mem>>) src(%dma_wait3A_90 : memref<32xi32, #tpu.memory_space<hbm>>) dst(%arg9 : memref<32xi32, #tpu.memory_space<vmem>>)
      tpu.yield
    }) : () -> ()
    %dma_start3A_46 = arith.constant 0 : i32
    %dma_start3A_47 = arith.constant 0 : i32
    %dma_start3A_48 = tpu.memref_slice %arg2[%dma_start3A_46, %dma_start3A_47] : memref<10240x1024xf32, #tpu.memory_space<hbm>> -> memref<10240x1024xf32, #tpu.memory_space<hbm>>
    tpu.enqueue_indirect_dma source(%dma_start3A_48 : memref<10240x1024xf32, #tpu.memory_space<hbm>>) target(%arg6 : memref<32x1024xf32, #tpu.memory_space<vmem>>) offsets(%arg8 : memref<32xi32, #tpu.memory_space<vmem>>) semaphore(%arg10 : memref<!tpu.dma_semaphore, #tpu.memory_space<semaphore_mem>>)
    %dma_start3A_49 = arith.constant 0 : i32
    %dma_start3A_50 = arith.constant 0 : i32
    %dma_start3A_51 = tpu.memref_slice %arg2[%dma_start3A_49, %dma_start3A_50] : memref<10240x1024xf32, #tpu.memory_space<hbm>> -> memref<10240x1024xf32, #tpu.memory_space<hbm>>
    tpu.enqueue_indirect_dma source(%dma_start3A_51 : memref<10240x1024xf32, #tpu.memory_space<hbm>>) target(%arg7 : memref<32x1024xf32, #tpu.memory_space<vmem>>) offsets(%arg9 : memref<32xi32, #tpu.memory_space<vmem>>) semaphore(%arg11 : memref<!tpu.dma_semaphore, #tpu.memory_space<semaphore_mem>>)
    %dma_wait3A_52 = arith.constant 0 : i32
    %dma_wait3A_53 = arith.constant 0 : i32
    %dma_wait3A_54 = tpu.memref_slice %arg2[%dma_wait3A_52, %dma_wait3A_53] : memref<10240x1024xf32, #tpu.memory_space<hbm>> -> memref<10240x1024xf32, #tpu.memory_space<hbm>>
    tpu.wait_indirect_dma semaphore(%arg10 : memref<!tpu.dma_semaphore, #tpu.memory_space<semaphore_mem>>) src(%dma_wait3A_54 : memref<10240x1024xf32, #tpu.memory_space<hbm>>) dst(%arg6 : memref<32x1024xf32, #tpu.memory_space<vmem>>)
    %dma_wait3A_55 = arith.constant 0 : i32
    %dma_wait3A_56 = arith.constant 0 : i32
    %dma_wait3A_57 = tpu.memref_slice %arg2[%dma_wait3A_55, %dma_wait3A_56] : memref<10240x1024xf32, #tpu.memory_space<hbm>> -> memref<10240x1024xf32, #tpu.memory_space<hbm>>
    tpu.wait_indirect_dma semaphore(%arg11 : memref<!tpu.dma_semaphore, #tpu.memory_space<semaphore_mem>>) src(%dma_wait3A_57 : memref<10240x1024xf32, #tpu.memory_space<hbm>>) dst(%arg7 : memref<32x1024xf32, #tpu.memory_space<vmem>>)
    "tpu.region"() ({
      %run_scoped3A_78 = tpu.sem_alloc : memref<!tpu.dma_semaphore, #tpu.memory_space<semaphore_mem>>
      %dma_start3A_79 = arith.constant 0 : i32
      %dma_start3A_80 = tpu.memref_slice %arg4[%add3A_41, %dma_start3A_79] : memref<4096x1024xf32, #tpu.memory_space<hbm>> -> memref<32x1024xf32, #tpu.memory_space<hbm>>
      %dma_start3A_81 = arith.constant 0 : i32
      %dma_start3A_82 = tpu.memref_slice %arg4[%add3A_41, %dma_start3A_81] : memref<4096x1024xf32, #tpu.memory_space<hbm>> -> memref<32x1024xf32, #tpu.memory_space<hbm>>
      tpu.enqueue_dma source(%arg6 : memref<32x1024xf32, #tpu.memory_space<vmem>>) target(%dma_start3A_82 : memref<32x1024xf32, #tpu.memory_space<hbm>>) target_semaphore(%run_scoped3A_78 : memref<!tpu.dma_semaphore, #tpu.memory_space<semaphore_mem>>)
      %dma_wait3A_83 = arith.constant 0 : i32
      %dma_wait3A_84 = tpu.memref_slice %arg4[%add3A_41, %dma_wait3A_83] : memref<4096x1024xf32, #tpu.memory_space<hbm>> -> memref<32x1024xf32, #tpu.memory_space<hbm>>
      %dma_wait3A_85 = arith.constant 0 : i32
      %dma_wait3A_86 = tpu.memref_slice %arg4[%add3A_41, %dma_wait3A_85] : memref<4096x1024xf32, #tpu.memory_space<hbm>> -> memref<32x1024xf32, #tpu.memory_space<hbm>>
      tpu.wait_dma2 semaphore(%run_scoped3A_78 : memref<!tpu.dma_semaphore, #tpu.memory_space<semaphore_mem>>) src(%arg6 : memref<32x1024xf32, #tpu.memory_space<vmem>>) dst(%dma_wait3A_86 : memref<32x1024xf32, #tpu.memory_space<hbm>>)
      tpu.yield
    }) : () -> ()
    "tpu.region"() ({
      %run_scoped3A_78 = tpu.sem_alloc : memref<!tpu.dma_semaphore, #tpu.memory_space<semaphore_mem>>
      %dma_start3A_79 = arith.constant 0 : i32
      %dma_start3A_80 = tpu.memref_slice %arg5[%add3A_41, %dma_start3A_79] : memref<4096x1024xf32, #tpu.memory_space<hbm>> -> memref<32x1024xf32, #tpu.memory_space<hbm>>
      %dma_start3A_81 = arith.constant 0 : i32
      %dma_start3A_82 = tpu.memref_slice %arg5[%add3A_41, %dma_start3A_81] : memref<4096x1024xf32, #tpu.memory_space<hbm>> -> memref<32x1024xf32, #tpu.memory_space<hbm>>
      tpu.enqueue_dma source(%arg7 : memref<32x1024xf32, #tpu.memory_space<vmem>>) target(%dma_start3A_82 : memref<32x1024xf32, #tpu.memory_space<hbm>>) target_semaphore(%run_scoped3A_78 : memref<!tpu.dma_semaphore, #tpu.memory_space<semaphore_mem>>)
      %dma_wait3A_83 = arith.constant 0 : i32
      %dma_wait3A_84 = tpu.memref_slice %arg5[%add3A_41, %dma_wait3A_83] : memref<4096x1024xf32, #tpu.memory_space<hbm>> -> memref<32x1024xf32, #tpu.memory_space<hbm>>
      %dma_wait3A_85 = arith.constant 0 : i32
      %dma_wait3A_86 = tpu.memref_slice %arg5[%add3A_41, %dma_wait3A_85] : memref<4096x1024xf32, #tpu.memory_space<hbm>> -> memref<32x1024xf32, #tpu.memory_space<hbm>>
      tpu.wait_dma2 semaphore(%run_scoped3A_78 : memref<!tpu.dma_semaphore, #tpu.memory_space<semaphore_mem>>) src(%arg7 : memref<32x1024xf32, #tpu.memory_space<vmem>>) dst(%dma_wait3A_86 : memref<32x1024xf32, #tpu.memory_space<hbm>>)
      tpu.yield
    }) : () -> ()
    %mul3A_58 = arith.constant 128 : i32
    %mul3A_59 = arith.muli %add3A, %mul3A_58 : i32
    %add3A_60 = arith.constant 96 : i32
    %add3A_61 = arith.addi %mul3A_59, %add3A_60 : i32
    %run_scoped3A_62 = arith.constant 3 : i32
    %run_scoped3A_63 = arith.constant 0 : i32
    "tpu.region"() ({
      %run_scoped3A_78 = tpu.sem_alloc : memref<!tpu.dma_semaphore, #tpu.memory_space<semaphore_mem>>
      %dma_start3A_79 = arith.constant 0 : i32
      %dma_start3A_80 = tpu.memref_slice %arg3[%add3A, %run_scoped3A_62, %run_scoped3A_63, %dma_start3A_79] : memref<32x4x2x32xi32, #tpu.memory_space<hbm>> -> memref<1x1x1x32xi32, #tpu.memory_space<hbm>>
      %dma_start3A_81 = tpu.memref_squeeze %dma_start3A_80 : memref<1x1x1x32xi32, #tpu.memory_space<hbm>> -> memref<32xi32, #tpu.memory_space<hbm>>
      %dma_start3A_82 = arith.constant 0 : i32
      %dma_start3A_83 = tpu.memref_slice %arg3[%add3A, %run_scoped3A_62, %run_scoped3A_63, %dma_start3A_82] : memref<32x4x2x32xi32, #tpu.memory_space<hbm>> -> memref<1x1x1x32xi32, #tpu.memory_space<hbm>>
      %dma_start3A_84 = tpu.memref_squeeze %dma_start3A_83 : memref<1x1x1x32xi32, #tpu.memory_space<hbm>> -> memref<32xi32, #tpu.memory_space<hbm>>
      tpu.enqueue_dma source(%dma_start3A_84 : memref<32xi32, #tpu.memory_space<hbm>>) target(%arg8 : memref<32xi32, #tpu.memory_space<vmem>>) target_semaphore(%run_scoped3A_78 : memref<!tpu.dma_semaphore, #tpu.memory_space<semaphore_mem>>)
      %dma_wait3A_85 = arith.constant 0 : i32
      %dma_wait3A_86 = tpu.memref_slice %arg3[%add3A, %run_scoped3A_62, %run_scoped3A_63, %dma_wait3A_85] : memref<32x4x2x32xi32, #tpu.memory_space<hbm>> -> memref<1x1x1x32xi32, #tpu.memory_space<hbm>>
      %dma_wait3A_87 = tpu.memref_squeeze %dma_wait3A_86 : memref<1x1x1x32xi32, #tpu.memory_space<hbm>> -> memref<32xi32, #tpu.memory_space<hbm>>
      %dma_wait3A_88 = arith.constant 0 : i32
      %dma_wait3A_89 = tpu.memref_slice %arg3[%add3A, %run_scoped3A_62, %run_scoped3A_63, %dma_wait3A_88] : memref<32x4x2x32xi32, #tpu.memory_space<hbm>> -> memref<1x1x1x32xi32, #tpu.memory_space<hbm>>
      %dma_wait3A_90 = tpu.memref_squeeze %dma_wait3A_89 : memref<1x1x1x32xi32, #tpu.memory_space<hbm>> -> memref<32xi32, #tpu.memory_space<hbm>>
      tpu.wait_dma2 semaphore(%run_scoped3A_78 : memref<!tpu.dma_semaphore, #tpu.memory_space<semaphore_mem>>) src(%dma_wait3A_90 : memref<32xi32, #tpu.memory_space<hbm>>) dst(%arg8 : memref<32xi32, #tpu.memory_space<vmem>>)
      tpu.yield
    }) : () -> ()
    %run_scoped3A_64 = arith.constant 3 : i32
    %run_scoped3A_65 = arith.constant 1 : i32
    "tpu.region"() ({
      %run_scoped3A_78 = tpu.sem_alloc : memref<!tpu.dma_semaphore, #tpu.memory_space<semaphore_mem>>
      %dma_start3A_79 = arith.constant 0 : i32
      %dma_start3A_80 = tpu.memref_slice %arg3[%add3A, %run_scoped3A_64, %run_scoped3A_65, %dma_start3A_79] : memref<32x4x2x32xi32, #tpu.memory_space<hbm>> -> memref<1x1x1x32xi32, #tpu.memory_space<hbm>>
      %dma_start3A_81 = tpu.memref_squeeze %dma_start3A_80 : memref<1x1x1x32xi32, #tpu.memory_space<hbm>> -> memref<32xi32, #tpu.memory_space<hbm>>
      %dma_start3A_82 = arith.constant 0 : i32
      %dma_start3A_83 = tpu.memref_slice %arg3[%add3A, %run_scoped3A_64, %run_scoped3A_65, %dma_start3A_82] : memref<32x4x2x32xi32, #tpu.memory_space<hbm>> -> memref<1x1x1x32xi32, #tpu.memory_space<hbm>>
      %dma_start3A_84 = tpu.memref_squeeze %dma_start3A_83 : memref<1x1x1x32xi32, #tpu.memory_space<hbm>> -> memref<32xi32, #tpu.memory_space<hbm>>
      tpu.enqueue_dma source(%dma_start3A_84 : memref<32xi32, #tpu.memory_space<hbm>>) target(%arg9 : memref<32xi32, #tpu.memory_space<vmem>>) target_semaphore(%run_scoped3A_78 : memref<!tpu.dma_semaphore, #tpu.memory_space<semaphore_mem>>)
      %dma_wait3A_85 = arith.constant 0 : i32
      %dma_wait3A_86 = tpu.memref_slice %arg3[%add3A, %run_scoped3A_64, %run_scoped3A_65, %dma_wait3A_85] : memref<32x4x2x32xi32, #tpu.memory_space<hbm>> -> memref<1x1x1x32xi32, #tpu.memory_space<hbm>>
      %dma_wait3A_87 = tpu.memref_squeeze %dma_wait3A_86 : memref<1x1x1x32xi32, #tpu.memory_space<hbm>> -> memref<32xi32, #tpu.memory_space<hbm>>
      %dma_wait3A_88 = arith.constant 0 : i32
      %dma_wait3A_89 = tpu.memref_slice %arg3[%add3A, %run_scoped3A_64, %run_scoped3A_65, %dma_wait3A_88] : memref<32x4x2x32xi32, #tpu.memory_space<hbm>> -> memref<1x1x1x32xi32, #tpu.memory_space<hbm>>
      %dma_wait3A_90 = tpu.memref_squeeze %dma_wait3A_89 : memref<1x1x1x32xi32, #tpu.memory_space<hbm>> -> memref<32xi32, #tpu.memory_space<hbm>>
      tpu.wait_dma2 semaphore(%run_scoped3A_78 : memref<!tpu.dma_semaphore, #tpu.memory_space<semaphore_mem>>) src(%dma_wait3A_90 : memref<32xi32, #tpu.memory_space<hbm>>) dst(%arg9 : memref<32xi32, #tpu.memory_space<vmem>>)
      tpu.yield
    }) : () -> ()
    %dma_start3A_66 = arith.constant 0 : i32
    %dma_start3A_67 = arith.constant 0 : i32
    %dma_start3A_68 = tpu.memref_slice %arg2[%dma_start3A_66, %dma_start3A_67] : memref<10240x1024xf32, #tpu.memory_space<hbm>> -> memref<10240x1024xf32, #tpu.memory_space<hbm>>
    tpu.enqueue_indirect_dma source(%dma_start3A_68 : memref<10240x1024xf32, #tpu.memory_space<hbm>>) target(%arg6 : memref<32x1024xf32, #tpu.memory_space<vmem>>) offsets(%arg8 : memref<32xi32, #tpu.memory_space<vmem>>) semaphore(%arg10 : memref<!tpu.dma_semaphore, #tpu.memory_space<semaphore_mem>>)
    %dma_start3A_69 = arith.constant 0 : i32
    %dma_start3A_70 = arith.constant 0 : i32
    %dma_start3A_71 = tpu.memref_slice %arg2[%dma_start3A_69, %dma_start3A_70] : memref<10240x1024xf32, #tpu.memory_space<hbm>> -> memref<10240x1024xf32, #tpu.memory_space<hbm>>
    tpu.enqueue_indirect_dma source(%dma_start3A_71 : memref<10240x1024xf32, #tpu.memory_space<hbm>>) target(%arg7 : memref<32x1024xf32, #tpu.memory_space<vmem>>) offsets(%arg9 : memref<32xi32, #tpu.memory_space<vmem>>) semaphore(%arg11 : memref<!tpu.dma_semaphore, #tpu.memory_space<semaphore_mem>>)
    %dma_wait3A_72 = arith.constant 0 : i32
    %dma_wait3A_73 = arith.constant 0 : i32
    %dma_wait3A_74 = tpu.memref_slice %arg2[%dma_wait3A_72, %dma_wait3A_73] : memref<10240x1024xf32, #tpu.memory_space<hbm>> -> memref<10240x1024xf32, #tpu.memory_space<hbm>>
    tpu.wait_indirect_dma semaphore(%arg10 : memref<!tpu.dma_semaphore, #tpu.memory_space<semaphore_mem>>) src(%dma_wait3A_74 : memref<10240x1024xf32, #tpu.memory_space<hbm>>) dst(%arg6 : memref<32x1024xf32, #tpu.memory_space<vmem>>)
    %dma_wait3A_75 = arith.constant 0 : i32
    %dma_wait3A_76 = arith.constant 0 : i32
    %dma_wait3A_77 = tpu.memref_slice %arg2[%dma_wait3A_75, %dma_wait3A_76] : memref<10240x1024xf32, #tpu.memory_space<hbm>> -> memref<10240x1024xf32, #tpu.memory_space<hbm>>
    tpu.wait_indirect_dma semaphore(%arg11 : memref<!tpu.dma_semaphore, #tpu.memory_space<semaphore_mem>>) src(%dma_wait3A_77 : memref<10240x1024xf32, #tpu.memory_space<hbm>>) dst(%arg7 : memref<32x1024xf32, #tpu.memory_space<vmem>>)
    "tpu.region"() ({
      %run_scoped3A_78 = tpu.sem_alloc : memref<!tpu.dma_semaphore, #tpu.memory_space<semaphore_mem>>
      %dma_start3A_79 = arith.constant 0 : i32
      %dma_start3A_80 = tpu.memref_slice %arg4[%add3A_61, %dma_start3A_79] : memref<4096x1024xf32, #tpu.memory_space<hbm>> -> memref<32x1024xf32, #tpu.memory_space<hbm>>
      %dma_start3A_81 = arith.constant 0 : i32
      %dma_start3A_82 = tpu.memref_slice %arg4[%add3A_61, %dma_start3A_81] : memref<4096x1024xf32, #tpu.memory_space<hbm>> -> memref<32x1024xf32, #tpu.memory_space<hbm>>
      tpu.enqueue_dma source(%arg6 : memref<32x1024xf32, #tpu.memory_space<vmem>>) target(%dma_start3A_82 : memref<32x1024xf32, #tpu.memory_space<hbm>>) target_semaphore(%run_scoped3A_78 : memref<!tpu.dma_semaphore, #tpu.memory_space<semaphore_mem>>)
      %dma_wait3A_83 = arith.constant 0 : i32
      %dma_wait3A_84 = tpu.memref_slice %arg4[%add3A_61, %dma_wait3A_83] : memref<4096x1024xf32, #tpu.memory_space<hbm>> -> memref<32x1024xf32, #tpu.memory_space<hbm>>
      %dma_wait3A_85 = arith.constant 0 : i32
      %dma_wait3A_86 = tpu.memref_slice %arg4[%add3A_61, %dma_wait3A_85] : memref<4096x1024xf32, #tpu.memory_space<hbm>> -> memref<32x1024xf32, #tpu.memory_space<hbm>>
      tpu.wait_dma2 semaphore(%run_scoped3A_78 : memref<!tpu.dma_semaphore, #tpu.memory_space<semaphore_mem>>) src(%arg6 : memref<32x1024xf32, #tpu.memory_space<vmem>>) dst(%dma_wait3A_86 : memref<32x1024xf32, #tpu.memory_space<hbm>>)
      tpu.yield
    }) : () -> ()
    "tpu.region"() ({
      %run_scoped3A_78 = tpu.sem_alloc : memref<!tpu.dma_semaphore, #tpu.memory_space<semaphore_mem>>
      %dma_start3A_79 = arith.constant 0 : i32
      %dma_start3A_80 = tpu.memref_slice %arg5[%add3A_61, %dma_start3A_79] : memref<4096x1024xf32, #tpu.memory_space<hbm>> -> memref<32x1024xf32, #tpu.memory_space<hbm>>
      %dma_start3A_81 = arith.constant 0 : i32
      %dma_start3A_82 = tpu.memref_slice %arg5[%add3A_61, %dma_start3A_81] : memref<4096x1024xf32, #tpu.memory_space<hbm>> -> memref<32x1024xf32, #tpu.memory_space<hbm>>
      tpu.enqueue_dma source(%arg7 : memref<32x1024xf32, #tpu.memory_space<vmem>>) target(%dma_start3A_82 : memref<32x1024xf32, #tpu.memory_space<hbm>>) target_semaphore(%run_scoped3A_78 : memref<!tpu.dma_semaphore, #tpu.memory_space<semaphore_mem>>)
      %dma_wait3A_83 = arith.constant 0 : i32
      %dma_wait3A_84 = tpu.memref_slice %arg5[%add3A_61, %dma_wait3A_83] : memref<4096x1024xf32, #tpu.memory_space<hbm>> -> memref<32x1024xf32, #tpu.memory_space<hbm>>
      %dma_wait3A_85 = arith.constant 0 : i32
      %dma_wait3A_86 = tpu.memref_slice %arg5[%add3A_61, %dma_wait3A_85] : memref<4096x1024xf32, #tpu.memory_space<hbm>> -> memref<32x1024xf32, #tpu.memory_space<hbm>>
      tpu.wait_dma2 semaphore(%run_scoped3A_78 : memref<!tpu.dma_semaphore, #tpu.memory_space<semaphore_mem>>) src(%arg7 : memref<32x1024xf32, #tpu.memory_space<vmem>>) dst(%dma_wait3A_86 : memref<32x1024xf32, #tpu.memory_space<hbm>>)
      tpu.yield
    }) : () -> ()
    return
  }
}

#map = affine_map<(d0, d1) -> (0, 0)>
#map1 = affine_map<(d0, d1) -> (0, 0, 0, 0)>
module attributes {stable_mosaic.version = 14 : i64} {
  func.func @dispatch(%arg0: i32, %arg1: i32, %arg2: memref<4096x1024xf32, #tpu.memory_space<hbm>>, %arg3: memref<32x4x2x32xi32, #tpu.memory_space<hbm>>, %arg4: memref<10240x1024xf32, #tpu.memory_space<hbm>>, %arg5: memref<32x1024xf32, #tpu.memory_space<vmem>>, %arg6: memref<32xi32, #tpu.memory_space<vmem>>, %arg7: memref<32xi32, #tpu.memory_space<vmem>>, %arg8: memref<!tpu.dma_semaphore, #tpu.memory_space<semaphore_mem>>, %arg9: memref<!tpu.dma_semaphore, #tpu.memory_space<semaphore_mem>>) attributes {dimension_semantics = [#tpu.dimension_semantics<core_parallel>, #tpu.dimension_semantics<subcore_parallel>], iteration_bounds = array<i64: 2, 16>, scalar_prefetch = 0 : i64, scratch_operands = 5 : i64, tpu.core_type = #tpu.core_type<sc_vector_subcore>, window_params = [{transform_indices = #map}, {transform_indices = #map1}, {transform_indices = #map}]} {
    %mul3A = arith.constant 2 : i32
    %mul3A_0 = arith.muli %arg1, %mul3A : i32
    %add3A = arith.addi %mul3A_0, %arg0 : i32
    %mul3A_1 = arith.constant 128 : i32
    %mul3A_2 = arith.muli %add3A, %mul3A_1 : i32
    %add3A_3 = arith.constant 0 : i32
    %add3A_4 = arith.addi %mul3A_2, %add3A_3 : i32
    "tpu.region"() ({
      %run_scoped3A_78 = tpu.sem_alloc : memref<!tpu.dma_semaphore, #tpu.memory_space<semaphore_mem>>
      %dma_start3A_79 = arith.constant 0 : i32
      %dma_start3A_80 = tpu.memref_slice %arg2[%add3A_4, %dma_start3A_79] : memref<4096x1024xf32, #tpu.memory_space<hbm>> -> memref<32x1024xf32, #tpu.memory_space<hbm>>
      %dma_start3A_81 = arith.constant 0 : i32
      %dma_start3A_82 = tpu.memref_slice %arg2[%add3A_4, %dma_start3A_81] : memref<4096x1024xf32, #tpu.memory_space<hbm>> -> memref<32x1024xf32, #tpu.memory_space<hbm>>
      tpu.enqueue_dma source(%dma_start3A_82 : memref<32x1024xf32, #tpu.memory_space<hbm>>) target(%arg5 : memref<32x1024xf32, #tpu.memory_space<vmem>>) target_semaphore(%run_scoped3A_78 : memref<!tpu.dma_semaphore, #tpu.memory_space<semaphore_mem>>)
      %dma_wait3A_83 = arith.constant 0 : i32
      %dma_wait3A_84 = tpu.memref_slice %arg2[%add3A_4, %dma_wait3A_83] : memref<4096x1024xf32, #tpu.memory_space<hbm>> -> memref<32x1024xf32, #tpu.memory_space<hbm>>
      %dma_wait3A_85 = arith.constant 0 : i32
      %dma_wait3A_86 = tpu.memref_slice %arg2[%add3A_4, %dma_wait3A_85] : memref<4096x1024xf32, #tpu.memory_space<hbm>> -> memref<32x1024xf32, #tpu.memory_space<hbm>>
      tpu.wait_dma2 semaphore(%run_scoped3A_78 : memref<!tpu.dma_semaphore, #tpu.memory_space<semaphore_mem>>) src(%dma_wait3A_86 : memref<32x1024xf32, #tpu.memory_space<hbm>>) dst(%arg5 : memref<32x1024xf32, #tpu.memory_space<vmem>>)
      tpu.yield
    }) : () -> ()
    %run_scoped3A = arith.constant 0 : i32
    %run_scoped3A_5 = arith.constant 0 : i32
    "tpu.region"() ({
      %run_scoped3A_78 = tpu.sem_alloc : memref<!tpu.dma_semaphore, #tpu.memory_space<semaphore_mem>>
      %dma_start3A_79 = arith.constant 0 : i32
      %dma_start3A_80 = tpu.memref_slice %arg3[%add3A, %run_scoped3A, %run_scoped3A_5, %dma_start3A_79] : memref<32x4x2x32xi32, #tpu.memory_space<hbm>> -> memref<1x1x1x32xi32, #tpu.memory_space<hbm>>
      %dma_start3A_81 = tpu.memref_squeeze %dma_start3A_80 : memref<1x1x1x32xi32, #tpu.memory_space<hbm>> -> memref<32xi32, #tpu.memory_space<hbm>>
      %dma_start3A_82 = arith.constant 0 : i32
      %dma_start3A_83 = tpu.memref_slice %arg3[%add3A, %run_scoped3A, %run_scoped3A_5, %dma_start3A_82] : memref<32x4x2x32xi32, #tpu.memory_space<hbm>> -> memref<1x1x1x32xi32, #tpu.memory_space<hbm>>
      %dma_start3A_84 = tpu.memref_squeeze %dma_start3A_83 : memref<1x1x1x32xi32, #tpu.memory_space<hbm>> -> memref<32xi32, #tpu.memory_space<hbm>>
      tpu.enqueue_dma source(%dma_start3A_84 : memref<32xi32, #tpu.memory_space<hbm>>) target(%arg6 : memref<32xi32, #tpu.memory_space<vmem>>) target_semaphore(%run_scoped3A_78 : memref<!tpu.dma_semaphore, #tpu.memory_space<semaphore_mem>>)
      %dma_wait3A_85 = arith.constant 0 : i32
      %dma_wait3A_86 = tpu.memref_slice %arg3[%add3A, %run_scoped3A, %run_scoped3A_5, %dma_wait3A_85] : memref<32x4x2x32xi32, #tpu.memory_space<hbm>> -> memref<1x1x1x32xi32, #tpu.memory_space<hbm>>
      %dma_wait3A_87 = tpu.memref_squeeze %dma_wait3A_86 : memref<1x1x1x32xi32, #tpu.memory_space<hbm>> -> memref<32xi32, #tpu.memory_space<hbm>>
      %dma_wait3A_88 = arith.constant 0 : i32
      %dma_wait3A_89 = tpu.memref_slice %arg3[%add3A, %run_scoped3A, %run_scoped3A_5, %dma_wait3A_88] : memref<32x4x2x32xi32, #tpu.memory_space<hbm>> -> memref<1x1x1x32xi32, #tpu.memory_space<hbm>>
      %dma_wait3A_90 = tpu.memref_squeeze %dma_wait3A_89 : memref<1x1x1x32xi32, #tpu.memory_space<hbm>> -> memref<32xi32, #tpu.memory_space<hbm>>
      tpu.wait_dma2 semaphore(%run_scoped3A_78 : memref<!tpu.dma_semaphore, #tpu.memory_space<semaphore_mem>>) src(%dma_wait3A_90 : memref<32xi32, #tpu.memory_space<hbm>>) dst(%arg6 : memref<32xi32, #tpu.memory_space<vmem>>)
      tpu.yield
    }) : () -> ()
    %run_scoped3A_6 = arith.constant 0 : i32
    %run_scoped3A_7 = arith.constant 1 : i32
    "tpu.region"() ({
      %run_scoped3A_78 = tpu.sem_alloc : memref<!tpu.dma_semaphore, #tpu.memory_space<semaphore_mem>>
      %dma_start3A_79 = arith.constant 0 : i32
      %dma_start3A_80 = tpu.memref_slice %arg3[%add3A, %run_scoped3A_6, %run_scoped3A_7, %dma_start3A_79] : memref<32x4x2x32xi32, #tpu.memory_space<hbm>> -> memref<1x1x1x32xi32, #tpu.memory_space<hbm>>
      %dma_start3A_81 = tpu.memref_squeeze %dma_start3A_80 : memref<1x1x1x32xi32, #tpu.memory_space<hbm>> -> memref<32xi32, #tpu.memory_space<hbm>>
      %dma_start3A_82 = arith.constant 0 : i32
      %dma_start3A_83 = tpu.memref_slice %arg3[%add3A, %run_scoped3A_6, %run_scoped3A_7, %dma_start3A_82] : memref<32x4x2x32xi32, #tpu.memory_space<hbm>> -> memref<1x1x1x32xi32, #tpu.memory_space<hbm>>
      %dma_start3A_84 = tpu.memref_squeeze %dma_start3A_83 : memref<1x1x1x32xi32, #tpu.memory_space<hbm>> -> memref<32xi32, #tpu.memory_space<hbm>>
      tpu.enqueue_dma source(%dma_start3A_84 : memref<32xi32, #tpu.memory_space<hbm>>) target(%arg7 : memref<32xi32, #tpu.memory_space<vmem>>) target_semaphore(%run_scoped3A_78 : memref<!tpu.dma_semaphore, #tpu.memory_space<semaphore_mem>>)
      %dma_wait3A_85 = arith.constant 0 : i32
      %dma_wait3A_86 = tpu.memref_slice %arg3[%add3A, %run_scoped3A_6, %run_scoped3A_7, %dma_wait3A_85] : memref<32x4x2x32xi32, #tpu.memory_space<hbm>> -> memref<1x1x1x32xi32, #tpu.memory_space<hbm>>
      %dma_wait3A_87 = tpu.memref_squeeze %dma_wait3A_86 : memref<1x1x1x32xi32, #tpu.memory_space<hbm>> -> memref<32xi32, #tpu.memory_space<hbm>>
      %dma_wait3A_88 = arith.constant 0 : i32
      %dma_wait3A_89 = tpu.memref_slice %arg3[%add3A, %run_scoped3A_6, %run_scoped3A_7, %dma_wait3A_88] : memref<32x4x2x32xi32, #tpu.memory_space<hbm>> -> memref<1x1x1x32xi32, #tpu.memory_space<hbm>>
      %dma_wait3A_90 = tpu.memref_squeeze %dma_wait3A_89 : memref<1x1x1x32xi32, #tpu.memory_space<hbm>> -> memref<32xi32, #tpu.memory_space<hbm>>
      tpu.wait_dma2 semaphore(%run_scoped3A_78 : memref<!tpu.dma_semaphore, #tpu.memory_space<semaphore_mem>>) src(%dma_wait3A_90 : memref<32xi32, #tpu.memory_space<hbm>>) dst(%arg7 : memref<32xi32, #tpu.memory_space<vmem>>)
      tpu.yield
    }) : () -> ()
    %dma_start3A = arith.constant 0 : i32
    %dma_start3A_8 = arith.constant 0 : i32
    %dma_start3A_9 = tpu.memref_slice %arg4[%dma_start3A, %dma_start3A_8] : memref<10240x1024xf32, #tpu.memory_space<hbm>> -> memref<10240x1024xf32, #tpu.memory_space<hbm>>
    tpu.enqueue_indirect_dma source(%arg5 : memref<32x1024xf32, #tpu.memory_space<vmem>>) target(%dma_start3A_9 : memref<10240x1024xf32, #tpu.memory_space<hbm>>) offsets(%arg6 : memref<32xi32, #tpu.memory_space<vmem>>) semaphore(%arg8 : memref<!tpu.dma_semaphore, #tpu.memory_space<semaphore_mem>>)
    %dma_start3A_10 = arith.constant 0 : i32
    %dma_start3A_11 = arith.constant 0 : i32
    %dma_start3A_12 = tpu.memref_slice %arg4[%dma_start3A_10, %dma_start3A_11] : memref<10240x1024xf32, #tpu.memory_space<hbm>> -> memref<10240x1024xf32, #tpu.memory_space<hbm>>
    tpu.enqueue_indirect_dma source(%arg5 : memref<32x1024xf32, #tpu.memory_space<vmem>>) target(%dma_start3A_12 : memref<10240x1024xf32, #tpu.memory_space<hbm>>) offsets(%arg7 : memref<32xi32, #tpu.memory_space<vmem>>) semaphore(%arg9 : memref<!tpu.dma_semaphore, #tpu.memory_space<semaphore_mem>>)
    %dma_wait3A = arith.constant 0 : i32
    %dma_wait3A_13 = arith.constant 0 : i32
    %dma_wait3A_14 = tpu.memref_slice %arg4[%dma_wait3A, %dma_wait3A_13] : memref<10240x1024xf32, #tpu.memory_space<hbm>> -> memref<10240x1024xf32, #tpu.memory_space<hbm>>
    tpu.wait_indirect_dma semaphore(%arg8 : memref<!tpu.dma_semaphore, #tpu.memory_space<semaphore_mem>>) src(%arg5 : memref<32x1024xf32, #tpu.memory_space<vmem>>) dst(%dma_wait3A_14 : memref<10240x1024xf32, #tpu.memory_space<hbm>>)
    %dma_wait3A_15 = arith.constant 0 : i32
    %dma_wait3A_16 = arith.constant 0 : i32
    %dma_wait3A_17 = tpu.memref_slice %arg4[%dma_wait3A_15, %dma_wait3A_16] : memref<10240x1024xf32, #tpu.memory_space<hbm>> -> memref<10240x1024xf32, #tpu.memory_space<hbm>>
    tpu.wait_indirect_dma semaphore(%arg9 : memref<!tpu.dma_semaphore, #tpu.memory_space<semaphore_mem>>) src(%arg5 : memref<32x1024xf32, #tpu.memory_space<vmem>>) dst(%dma_wait3A_17 : memref<10240x1024xf32, #tpu.memory_space<hbm>>)
    %mul3A_18 = arith.constant 128 : i32
    %mul3A_19 = arith.muli %add3A, %mul3A_18 : i32
    %add3A_20 = arith.constant 32 : i32
    %add3A_21 = arith.addi %mul3A_19, %add3A_20 : i32
    "tpu.region"() ({
      %run_scoped3A_78 = tpu.sem_alloc : memref<!tpu.dma_semaphore, #tpu.memory_space<semaphore_mem>>
      %dma_start3A_79 = arith.constant 0 : i32
      %dma_start3A_80 = tpu.memref_slice %arg2[%add3A_21, %dma_start3A_79] : memref<4096x1024xf32, #tpu.memory_space<hbm>> -> memref<32x1024xf32, #tpu.memory_space<hbm>>
      %dma_start3A_81 = arith.constant 0 : i32
      %dma_start3A_82 = tpu.memref_slice %arg2[%add3A_21, %dma_start3A_81] : memref<4096x1024xf32, #tpu.memory_space<hbm>> -> memref<32x1024xf32, #tpu.memory_space<hbm>>
      tpu.enqueue_dma source(%dma_start3A_82 : memref<32x1024xf32, #tpu.memory_space<hbm>>) target(%arg5 : memref<32x1024xf32, #tpu.memory_space<vmem>>) target_semaphore(%run_scoped3A_78 : memref<!tpu.dma_semaphore, #tpu.memory_space<semaphore_mem>>)
      %dma_wait3A_83 = arith.constant 0 : i32
      %dma_wait3A_84 = tpu.memref_slice %arg2[%add3A_21, %dma_wait3A_83] : memref<4096x1024xf32, #tpu.memory_space<hbm>> -> memref<32x1024xf32, #tpu.memory_space<hbm>>
      %dma_wait3A_85 = arith.constant 0 : i32
      %dma_wait3A_86 = tpu.memref_slice %arg2[%add3A_21, %dma_wait3A_85] : memref<4096x1024xf32, #tpu.memory_space<hbm>> -> memref<32x1024xf32, #tpu.memory_space<hbm>>
      tpu.wait_dma2 semaphore(%run_scoped3A_78 : memref<!tpu.dma_semaphore, #tpu.memory_space<semaphore_mem>>) src(%dma_wait3A_86 : memref<32x1024xf32, #tpu.memory_space<hbm>>) dst(%arg5 : memref<32x1024xf32, #tpu.memory_space<vmem>>)
      tpu.yield
    }) : () -> ()
    %run_scoped3A_22 = arith.constant 1 : i32
    %run_scoped3A_23 = arith.constant 0 : i32
    "tpu.region"() ({
      %run_scoped3A_78 = tpu.sem_alloc : memref<!tpu.dma_semaphore, #tpu.memory_space<semaphore_mem>>
      %dma_start3A_79 = arith.constant 0 : i32
      %dma_start3A_80 = tpu.memref_slice %arg3[%add3A, %run_scoped3A_22, %run_scoped3A_23, %dma_start3A_79] : memref<32x4x2x32xi32, #tpu.memory_space<hbm>> -> memref<1x1x1x32xi32, #tpu.memory_space<hbm>>
      %dma_start3A_81 = tpu.memref_squeeze %dma_start3A_80 : memref<1x1x1x32xi32, #tpu.memory_space<hbm>> -> memref<32xi32, #tpu.memory_space<hbm>>
      %dma_start3A_82 = arith.constant 0 : i32
      %dma_start3A_83 = tpu.memref_slice %arg3[%add3A, %run_scoped3A_22, %run_scoped3A_23, %dma_start3A_82] : memref<32x4x2x32xi32, #tpu.memory_space<hbm>> -> memref<1x1x1x32xi32, #tpu.memory_space<hbm>>
      %dma_start3A_84 = tpu.memref_squeeze %dma_start3A_83 : memref<1x1x1x32xi32, #tpu.memory_space<hbm>> -> memref<32xi32, #tpu.memory_space<hbm>>
      tpu.enqueue_dma source(%dma_start3A_84 : memref<32xi32, #tpu.memory_space<hbm>>) target(%arg6 : memref<32xi32, #tpu.memory_space<vmem>>) target_semaphore(%run_scoped3A_78 : memref<!tpu.dma_semaphore, #tpu.memory_space<semaphore_mem>>)
      %dma_wait3A_85 = arith.constant 0 : i32
      %dma_wait3A_86 = tpu.memref_slice %arg3[%add3A, %run_scoped3A_22, %run_scoped3A_23, %dma_wait3A_85] : memref<32x4x2x32xi32, #tpu.memory_space<hbm>> -> memref<1x1x1x32xi32, #tpu.memory_space<hbm>>
      %dma_wait3A_87 = tpu.memref_squeeze %dma_wait3A_86 : memref<1x1x1x32xi32, #tpu.memory_space<hbm>> -> memref<32xi32, #tpu.memory_space<hbm>>
      %dma_wait3A_88 = arith.constant 0 : i32
      %dma_wait3A_89 = tpu.memref_slice %arg3[%add3A, %run_scoped3A_22, %run_scoped3A_23, %dma_wait3A_88] : memref<32x4x2x32xi32, #tpu.memory_space<hbm>> -> memref<1x1x1x32xi32, #tpu.memory_space<hbm>>
      %dma_wait3A_90 = tpu.memref_squeeze %dma_wait3A_89 : memref<1x1x1x32xi32, #tpu.memory_space<hbm>> -> memref<32xi32, #tpu.memory_space<hbm>>
      tpu.wait_dma2 semaphore(%run_scoped3A_78 : memref<!tpu.dma_semaphore, #tpu.memory_space<semaphore_mem>>) src(%dma_wait3A_90 : memref<32xi32, #tpu.memory_space<hbm>>) dst(%arg6 : memref<32xi32, #tpu.memory_space<vmem>>)
      tpu.yield
    }) : () -> ()
    %run_scoped3A_24 = arith.constant 1 : i32
    %run_scoped3A_25 = arith.constant 1 : i32
    "tpu.region"() ({
      %run_scoped3A_78 = tpu.sem_alloc : memref<!tpu.dma_semaphore, #tpu.memory_space<semaphore_mem>>
      %dma_start3A_79 = arith.constant 0 : i32
      %dma_start3A_80 = tpu.memref_slice %arg3[%add3A, %run_scoped3A_24, %run_scoped3A_25, %dma_start3A_79] : memref<32x4x2x32xi32, #tpu.memory_space<hbm>> -> memref<1x1x1x32xi32, #tpu.memory_space<hbm>>
      %dma_start3A_81 = tpu.memref_squeeze %dma_start3A_80 : memref<1x1x1x32xi32, #tpu.memory_space<hbm>> -> memref<32xi32, #tpu.memory_space<hbm>>
      %dma_start3A_82 = arith.constant 0 : i32
      %dma_start3A_83 = tpu.memref_slice %arg3[%add3A, %run_scoped3A_24, %run_scoped3A_25, %dma_start3A_82] : memref<32x4x2x32xi32, #tpu.memory_space<hbm>> -> memref<1x1x1x32xi32, #tpu.memory_space<hbm>>
      %dma_start3A_84 = tpu.memref_squeeze %dma_start3A_83 : memref<1x1x1x32xi32, #tpu.memory_space<hbm>> -> memref<32xi32, #tpu.memory_space<hbm>>
      tpu.enqueue_dma source(%dma_start3A_84 : memref<32xi32, #tpu.memory_space<hbm>>) target(%arg7 : memref<32xi32, #tpu.memory_space<vmem>>) target_semaphore(%run_scoped3A_78 : memref<!tpu.dma_semaphore, #tpu.memory_space<semaphore_mem>>)
      %dma_wait3A_85 = arith.constant 0 : i32
      %dma_wait3A_86 = tpu.memref_slice %arg3[%add3A, %run_scoped3A_24, %run_scoped3A_25, %dma_wait3A_85] : memref<32x4x2x32xi32, #tpu.memory_space<hbm>> -> memref<1x1x1x32xi32, #tpu.memory_space<hbm>>
      %dma_wait3A_87 = tpu.memref_squeeze %dma_wait3A_86 : memref<1x1x1x32xi32, #tpu.memory_space<hbm>> -> memref<32xi32, #tpu.memory_space<hbm>>
      %dma_wait3A_88 = arith.constant 0 : i32
      %dma_wait3A_89 = tpu.memref_slice %arg3[%add3A, %run_scoped3A_24, %run_scoped3A_25, %dma_wait3A_88] : memref<32x4x2x32xi32, #tpu.memory_space<hbm>> -> memref<1x1x1x32xi32, #tpu.memory_space<hbm>>
      %dma_wait3A_90 = tpu.memref_squeeze %dma_wait3A_89 : memref<1x1x1x32xi32, #tpu.memory_space<hbm>> -> memref<32xi32, #tpu.memory_space<hbm>>
      tpu.wait_dma2 semaphore(%run_scoped3A_78 : memref<!tpu.dma_semaphore, #tpu.memory_space<semaphore_mem>>) src(%dma_wait3A_90 : memref<32xi32, #tpu.memory_space<hbm>>) dst(%arg7 : memref<32xi32, #tpu.memory_space<vmem>>)
      tpu.yield
    }) : () -> ()
    %dma_start3A_26 = arith.constant 0 : i32
    %dma_start3A_27 = arith.constant 0 : i32
    %dma_start3A_28 = tpu.memref_slice %arg4[%dma_start3A_26, %dma_start3A_27] : memref<10240x1024xf32, #tpu.memory_space<hbm>> -> memref<10240x1024xf32, #tpu.memory_space<hbm>>
    tpu.enqueue_indirect_dma source(%arg5 : memref<32x1024xf32, #tpu.memory_space<vmem>>) target(%dma_start3A_28 : memref<10240x1024xf32, #tpu.memory_space<hbm>>) offsets(%arg6 : memref<32xi32, #tpu.memory_space<vmem>>) semaphore(%arg8 : memref<!tpu.dma_semaphore, #tpu.memory_space<semaphore_mem>>)
    %dma_start3A_29 = arith.constant 0 : i32
    %dma_start3A_30 = arith.constant 0 : i32
    %dma_start3A_31 = tpu.memref_slice %arg4[%dma_start3A_29, %dma_start3A_30] : memref<10240x1024xf32, #tpu.memory_space<hbm>> -> memref<10240x1024xf32, #tpu.memory_space<hbm>>
    tpu.enqueue_indirect_dma source(%arg5 : memref<32x1024xf32, #tpu.memory_space<vmem>>) target(%dma_start3A_31 : memref<10240x1024xf32, #tpu.memory_space<hbm>>) offsets(%arg7 : memref<32xi32, #tpu.memory_space<vmem>>) semaphore(%arg9 : memref<!tpu.dma_semaphore, #tpu.memory_space<semaphore_mem>>)
    %dma_wait3A_32 = arith.constant 0 : i32
    %dma_wait3A_33 = arith.constant 0 : i32
    %dma_wait3A_34 = tpu.memref_slice %arg4[%dma_wait3A_32, %dma_wait3A_33] : memref<10240x1024xf32, #tpu.memory_space<hbm>> -> memref<10240x1024xf32, #tpu.memory_space<hbm>>
    tpu.wait_indirect_dma semaphore(%arg8 : memref<!tpu.dma_semaphore, #tpu.memory_space<semaphore_mem>>) src(%arg5 : memref<32x1024xf32, #tpu.memory_space<vmem>>) dst(%dma_wait3A_34 : memref<10240x1024xf32, #tpu.memory_space<hbm>>)
    %dma_wait3A_35 = arith.constant 0 : i32
    %dma_wait3A_36 = arith.constant 0 : i32
    %dma_wait3A_37 = tpu.memref_slice %arg4[%dma_wait3A_35, %dma_wait3A_36] : memref<10240x1024xf32, #tpu.memory_space<hbm>> -> memref<10240x1024xf32, #tpu.memory_space<hbm>>
    tpu.wait_indirect_dma semaphore(%arg9 : memref<!tpu.dma_semaphore, #tpu.memory_space<semaphore_mem>>) src(%arg5 : memref<32x1024xf32, #tpu.memory_space<vmem>>) dst(%dma_wait3A_37 : memref<10240x1024xf32, #tpu.memory_space<hbm>>)
    %mul3A_38 = arith.constant 128 : i32
    %mul3A_39 = arith.muli %add3A, %mul3A_38 : i32
    %add3A_40 = arith.constant 64 : i32
    %add3A_41 = arith.addi %mul3A_39, %add3A_40 : i32
    "tpu.region"() ({
      %run_scoped3A_78 = tpu.sem_alloc : memref<!tpu.dma_semaphore, #tpu.memory_space<semaphore_mem>>
      %dma_start3A_79 = arith.constant 0 : i32
      %dma_start3A_80 = tpu.memref_slice %arg2[%add3A_41, %dma_start3A_79] : memref<4096x1024xf32, #tpu.memory_space<hbm>> -> memref<32x1024xf32, #tpu.memory_space<hbm>>
      %dma_start3A_81 = arith.constant 0 : i32
      %dma_start3A_82 = tpu.memref_slice %arg2[%add3A_41, %dma_start3A_81] : memref<4096x1024xf32, #tpu.memory_space<hbm>> -> memref<32x1024xf32, #tpu.memory_space<hbm>>
      tpu.enqueue_dma source(%dma_start3A_82 : memref<32x1024xf32, #tpu.memory_space<hbm>>) target(%arg5 : memref<32x1024xf32, #tpu.memory_space<vmem>>) target_semaphore(%run_scoped3A_78 : memref<!tpu.dma_semaphore, #tpu.memory_space<semaphore_mem>>)
      %dma_wait3A_83 = arith.constant 0 : i32
      %dma_wait3A_84 = tpu.memref_slice %arg2[%add3A_41, %dma_wait3A_83] : memref<4096x1024xf32, #tpu.memory_space<hbm>> -> memref<32x1024xf32, #tpu.memory_space<hbm>>
      %dma_wait3A_85 = arith.constant 0 : i32
      %dma_wait3A_86 = tpu.memref_slice %arg2[%add3A_41, %dma_wait3A_85] : memref<4096x1024xf32, #tpu.memory_space<hbm>> -> memref<32x1024xf32, #tpu.memory_space<hbm>>
      tpu.wait_dma2 semaphore(%run_scoped3A_78 : memref<!tpu.dma_semaphore, #tpu.memory_space<semaphore_mem>>) src(%dma_wait3A_86 : memref<32x1024xf32, #tpu.memory_space<hbm>>) dst(%arg5 : memref<32x1024xf32, #tpu.memory_space<vmem>>)
      tpu.yield
    }) : () -> ()
    %run_scoped3A_42 = arith.constant 2 : i32
    %run_scoped3A_43 = arith.constant 0 : i32
    "tpu.region"() ({
      %run_scoped3A_78 = tpu.sem_alloc : memref<!tpu.dma_semaphore, #tpu.memory_space<semaphore_mem>>
      %dma_start3A_79 = arith.constant 0 : i32
      %dma_start3A_80 = tpu.memref_slice %arg3[%add3A, %run_scoped3A_42, %run_scoped3A_43, %dma_start3A_79] : memref<32x4x2x32xi32, #tpu.memory_space<hbm>> -> memref<1x1x1x32xi32, #tpu.memory_space<hbm>>
      %dma_start3A_81 = tpu.memref_squeeze %dma_start3A_80 : memref<1x1x1x32xi32, #tpu.memory_space<hbm>> -> memref<32xi32, #tpu.memory_space<hbm>>
      %dma_start3A_82 = arith.constant 0 : i32
      %dma_start3A_83 = tpu.memref_slice %arg3[%add3A, %run_scoped3A_42, %run_scoped3A_43, %dma_start3A_82] : memref<32x4x2x32xi32, #tpu.memory_space<hbm>> -> memref<1x1x1x32xi32, #tpu.memory_space<hbm>>
      %dma_start3A_84 = tpu.memref_squeeze %dma_start3A_83 : memref<1x1x1x32xi32, #tpu.memory_space<hbm>> -> memref<32xi32, #tpu.memory_space<hbm>>
      tpu.enqueue_dma source(%dma_start3A_84 : memref<32xi32, #tpu.memory_space<hbm>>) target(%arg6 : memref<32xi32, #tpu.memory_space<vmem>>) target_semaphore(%run_scoped3A_78 : memref<!tpu.dma_semaphore, #tpu.memory_space<semaphore_mem>>)
      %dma_wait3A_85 = arith.constant 0 : i32
      %dma_wait3A_86 = tpu.memref_slice %arg3[%add3A, %run_scoped3A_42, %run_scoped3A_43, %dma_wait3A_85] : memref<32x4x2x32xi32, #tpu.memory_space<hbm>> -> memref<1x1x1x32xi32, #tpu.memory_space<hbm>>
      %dma_wait3A_87 = tpu.memref_squeeze %dma_wait3A_86 : memref<1x1x1x32xi32, #tpu.memory_space<hbm>> -> memref<32xi32, #tpu.memory_space<hbm>>
      %dma_wait3A_88 = arith.constant 0 : i32
      %dma_wait3A_89 = tpu.memref_slice %arg3[%add3A, %run_scoped3A_42, %run_scoped3A_43, %dma_wait3A_88] : memref<32x4x2x32xi32, #tpu.memory_space<hbm>> -> memref<1x1x1x32xi32, #tpu.memory_space<hbm>>
      %dma_wait3A_90 = tpu.memref_squeeze %dma_wait3A_89 : memref<1x1x1x32xi32, #tpu.memory_space<hbm>> -> memref<32xi32, #tpu.memory_space<hbm>>
      tpu.wait_dma2 semaphore(%run_scoped3A_78 : memref<!tpu.dma_semaphore, #tpu.memory_space<semaphore_mem>>) src(%dma_wait3A_90 : memref<32xi32, #tpu.memory_space<hbm>>) dst(%arg6 : memref<32xi32, #tpu.memory_space<vmem>>)
      tpu.yield
    }) : () -> ()
    %run_scoped3A_44 = arith.constant 2 : i32
    %run_scoped3A_45 = arith.constant 1 : i32
    "tpu.region"() ({
      %run_scoped3A_78 = tpu.sem_alloc : memref<!tpu.dma_semaphore, #tpu.memory_space<semaphore_mem>>
      %dma_start3A_79 = arith.constant 0 : i32
      %dma_start3A_80 = tpu.memref_slice %arg3[%add3A, %run_scoped3A_44, %run_scoped3A_45, %dma_start3A_79] : memref<32x4x2x32xi32, #tpu.memory_space<hbm>> -> memref<1x1x1x32xi32, #tpu.memory_space<hbm>>
      %dma_start3A_81 = tpu.memref_squeeze %dma_start3A_80 : memref<1x1x1x32xi32, #tpu.memory_space<hbm>> -> memref<32xi32, #tpu.memory_space<hbm>>
      %dma_start3A_82 = arith.constant 0 : i32
      %dma_start3A_83 = tpu.memref_slice %arg3[%add3A, %run_scoped3A_44, %run_scoped3A_45, %dma_start3A_82] : memref<32x4x2x32xi32, #tpu.memory_space<hbm>> -> memref<1x1x1x32xi32, #tpu.memory_space<hbm>>
      %dma_start3A_84 = tpu.memref_squeeze %dma_start3A_83 : memref<1x1x1x32xi32, #tpu.memory_space<hbm>> -> memref<32xi32, #tpu.memory_space<hbm>>
      tpu.enqueue_dma source(%dma_start3A_84 : memref<32xi32, #tpu.memory_space<hbm>>) target(%arg7 : memref<32xi32, #tpu.memory_space<vmem>>) target_semaphore(%run_scoped3A_78 : memref<!tpu.dma_semaphore, #tpu.memory_space<semaphore_mem>>)
      %dma_wait3A_85 = arith.constant 0 : i32
      %dma_wait3A_86 = tpu.memref_slice %arg3[%add3A, %run_scoped3A_44, %run_scoped3A_45, %dma_wait3A_85] : memref<32x4x2x32xi32, #tpu.memory_space<hbm>> -> memref<1x1x1x32xi32, #tpu.memory_space<hbm>>
      %dma_wait3A_87 = tpu.memref_squeeze %dma_wait3A_86 : memref<1x1x1x32xi32, #tpu.memory_space<hbm>> -> memref<32xi32, #tpu.memory_space<hbm>>
      %dma_wait3A_88 = arith.constant 0 : i32
      %dma_wait3A_89 = tpu.memref_slice %arg3[%add3A, %run_scoped3A_44, %run_scoped3A_45, %dma_wait3A_88] : memref<32x4x2x32xi32, #tpu.memory_space<hbm>> -> memref<1x1x1x32xi32, #tpu.memory_space<hbm>>
      %dma_wait3A_90 = tpu.memref_squeeze %dma_wait3A_89 : memref<1x1x1x32xi32, #tpu.memory_space<hbm>> -> memref<32xi32, #tpu.memory_space<hbm>>
      tpu.wait_dma2 semaphore(%run_scoped3A_78 : memref<!tpu.dma_semaphore, #tpu.memory_space<semaphore_mem>>) src(%dma_wait3A_90 : memref<32xi32, #tpu.memory_space<hbm>>) dst(%arg7 : memref<32xi32, #tpu.memory_space<vmem>>)
      tpu.yield
    }) : () -> ()
    %dma_start3A_46 = arith.constant 0 : i32
    %dma_start3A_47 = arith.constant 0 : i32
    %dma_start3A_48 = tpu.memref_slice %arg4[%dma_start3A_46, %dma_start3A_47] : memref<10240x1024xf32, #tpu.memory_space<hbm>> -> memref<10240x1024xf32, #tpu.memory_space<hbm>>
    tpu.enqueue_indirect_dma source(%arg5 : memref<32x1024xf32, #tpu.memory_space<vmem>>) target(%dma_start3A_48 : memref<10240x1024xf32, #tpu.memory_space<hbm>>) offsets(%arg6 : memref<32xi32, #tpu.memory_space<vmem>>) semaphore(%arg8 : memref<!tpu.dma_semaphore, #tpu.memory_space<semaphore_mem>>)
    %dma_start3A_49 = arith.constant 0 : i32
    %dma_start3A_50 = arith.constant 0 : i32
    %dma_start3A_51 = tpu.memref_slice %arg4[%dma_start3A_49, %dma_start3A_50] : memref<10240x1024xf32, #tpu.memory_space<hbm>> -> memref<10240x1024xf32, #tpu.memory_space<hbm>>
    tpu.enqueue_indirect_dma source(%arg5 : memref<32x1024xf32, #tpu.memory_space<vmem>>) target(%dma_start3A_51 : memref<10240x1024xf32, #tpu.memory_space<hbm>>) offsets(%arg7 : memref<32xi32, #tpu.memory_space<vmem>>) semaphore(%arg9 : memref<!tpu.dma_semaphore, #tpu.memory_space<semaphore_mem>>)
    %dma_wait3A_52 = arith.constant 0 : i32
    %dma_wait3A_53 = arith.constant 0 : i32
    %dma_wait3A_54 = tpu.memref_slice %arg4[%dma_wait3A_52, %dma_wait3A_53] : memref<10240x1024xf32, #tpu.memory_space<hbm>> -> memref<10240x1024xf32, #tpu.memory_space<hbm>>
    tpu.wait_indirect_dma semaphore(%arg8 : memref<!tpu.dma_semaphore, #tpu.memory_space<semaphore_mem>>) src(%arg5 : memref<32x1024xf32, #tpu.memory_space<vmem>>) dst(%dma_wait3A_54 : memref<10240x1024xf32, #tpu.memory_space<hbm>>)
    %dma_wait3A_55 = arith.constant 0 : i32
    %dma_wait3A_56 = arith.constant 0 : i32
    %dma_wait3A_57 = tpu.memref_slice %arg4[%dma_wait3A_55, %dma_wait3A_56] : memref<10240x1024xf32, #tpu.memory_space<hbm>> -> memref<10240x1024xf32, #tpu.memory_space<hbm>>
    tpu.wait_indirect_dma semaphore(%arg9 : memref<!tpu.dma_semaphore, #tpu.memory_space<semaphore_mem>>) src(%arg5 : memref<32x1024xf32, #tpu.memory_space<vmem>>) dst(%dma_wait3A_57 : memref<10240x1024xf32, #tpu.memory_space<hbm>>)
    %mul3A_58 = arith.constant 128 : i32
    %mul3A_59 = arith.muli %add3A, %mul3A_58 : i32
    %add3A_60 = arith.constant 96 : i32
    %add3A_61 = arith.addi %mul3A_59, %add3A_60 : i32
    "tpu.region"() ({
      %run_scoped3A_78 = tpu.sem_alloc : memref<!tpu.dma_semaphore, #tpu.memory_space<semaphore_mem>>
      %dma_start3A_79 = arith.constant 0 : i32
      %dma_start3A_80 = tpu.memref_slice %arg2[%add3A_61, %dma_start3A_79] : memref<4096x1024xf32, #tpu.memory_space<hbm>> -> memref<32x1024xf32, #tpu.memory_space<hbm>>
      %dma_start3A_81 = arith.constant 0 : i32
      %dma_start3A_82 = tpu.memref_slice %arg2[%add3A_61, %dma_start3A_81] : memref<4096x1024xf32, #tpu.memory_space<hbm>> -> memref<32x1024xf32, #tpu.memory_space<hbm>>
      tpu.enqueue_dma source(%dma_start3A_82 : memref<32x1024xf32, #tpu.memory_space<hbm>>) target(%arg5 : memref<32x1024xf32, #tpu.memory_space<vmem>>) target_semaphore(%run_scoped3A_78 : memref<!tpu.dma_semaphore, #tpu.memory_space<semaphore_mem>>)
      %dma_wait3A_83 = arith.constant 0 : i32
      %dma_wait3A_84 = tpu.memref_slice %arg2[%add3A_61, %dma_wait3A_83] : memref<4096x1024xf32, #tpu.memory_space<hbm>> -> memref<32x1024xf32, #tpu.memory_space<hbm>>
      %dma_wait3A_85 = arith.constant 0 : i32
      %dma_wait3A_86 = tpu.memref_slice %arg2[%add3A_61, %dma_wait3A_85] : memref<4096x1024xf32, #tpu.memory_space<hbm>> -> memref<32x1024xf32, #tpu.memory_space<hbm>>
      tpu.wait_dma2 semaphore(%run_scoped3A_78 : memref<!tpu.dma_semaphore, #tpu.memory_space<semaphore_mem>>) src(%dma_wait3A_86 : memref<32x1024xf32, #tpu.memory_space<hbm>>) dst(%arg5 : memref<32x1024xf32, #tpu.memory_space<vmem>>)
      tpu.yield
    }) : () -> ()
    %run_scoped3A_62 = arith.constant 3 : i32
    %run_scoped3A_63 = arith.constant 0 : i32
    "tpu.region"() ({
      %run_scoped3A_78 = tpu.sem_alloc : memref<!tpu.dma_semaphore, #tpu.memory_space<semaphore_mem>>
      %dma_start3A_79 = arith.constant 0 : i32
      %dma_start3A_80 = tpu.memref_slice %arg3[%add3A, %run_scoped3A_62, %run_scoped3A_63, %dma_start3A_79] : memref<32x4x2x32xi32, #tpu.memory_space<hbm>> -> memref<1x1x1x32xi32, #tpu.memory_space<hbm>>
      %dma_start3A_81 = tpu.memref_squeeze %dma_start3A_80 : memref<1x1x1x32xi32, #tpu.memory_space<hbm>> -> memref<32xi32, #tpu.memory_space<hbm>>
      %dma_start3A_82 = arith.constant 0 : i32
      %dma_start3A_83 = tpu.memref_slice %arg3[%add3A, %run_scoped3A_62, %run_scoped3A_63, %dma_start3A_82] : memref<32x4x2x32xi32, #tpu.memory_space<hbm>> -> memref<1x1x1x32xi32, #tpu.memory_space<hbm>>
      %dma_start3A_84 = tpu.memref_squeeze %dma_start3A_83 : memref<1x1x1x32xi32, #tpu.memory_space<hbm>> -> memref<32xi32, #tpu.memory_space<hbm>>
      tpu.enqueue_dma source(%dma_start3A_84 : memref<32xi32, #tpu.memory_space<hbm>>) target(%arg6 : memref<32xi32, #tpu.memory_space<vmem>>) target_semaphore(%run_scoped3A_78 : memref<!tpu.dma_semaphore, #tpu.memory_space<semaphore_mem>>)
      %dma_wait3A_85 = arith.constant 0 : i32
      %dma_wait3A_86 = tpu.memref_slice %arg3[%add3A, %run_scoped3A_62, %run_scoped3A_63, %dma_wait3A_85] : memref<32x4x2x32xi32, #tpu.memory_space<hbm>> -> memref<1x1x1x32xi32, #tpu.memory_space<hbm>>
      %dma_wait3A_87 = tpu.memref_squeeze %dma_wait3A_86 : memref<1x1x1x32xi32, #tpu.memory_space<hbm>> -> memref<32xi32, #tpu.memory_space<hbm>>
      %dma_wait3A_88 = arith.constant 0 : i32
      %dma_wait3A_89 = tpu.memref_slice %arg3[%add3A, %run_scoped3A_62, %run_scoped3A_63, %dma_wait3A_88] : memref<32x4x2x32xi32, #tpu.memory_space<hbm>> -> memref<1x1x1x32xi32, #tpu.memory_space<hbm>>
      %dma_wait3A_90 = tpu.memref_squeeze %dma_wait3A_89 : memref<1x1x1x32xi32, #tpu.memory_space<hbm>> -> memref<32xi32, #tpu.memory_space<hbm>>
      tpu.wait_dma2 semaphore(%run_scoped3A_78 : memref<!tpu.dma_semaphore, #tpu.memory_space<semaphore_mem>>) src(%dma_wait3A_90 : memref<32xi32, #tpu.memory_space<hbm>>) dst(%arg6 : memref<32xi32, #tpu.memory_space<vmem>>)
      tpu.yield
    }) : () -> ()
    %run_scoped3A_64 = arith.constant 3 : i32
    %run_scoped3A_65 = arith.constant 1 : i32
    "tpu.region"() ({
      %run_scoped3A_78 = tpu.sem_alloc : memref<!tpu.dma_semaphore, #tpu.memory_space<semaphore_mem>>
      %dma_start3A_79 = arith.constant 0 : i32
      %dma_start3A_80 = tpu.memref_slice %arg3[%add3A, %run_scoped3A_64, %run_scoped3A_65, %dma_start3A_79] : memref<32x4x2x32xi32, #tpu.memory_space<hbm>> -> memref<1x1x1x32xi32, #tpu.memory_space<hbm>>
      %dma_start3A_81 = tpu.memref_squeeze %dma_start3A_80 : memref<1x1x1x32xi32, #tpu.memory_space<hbm>> -> memref<32xi32, #tpu.memory_space<hbm>>
      %dma_start3A_82 = arith.constant 0 : i32
      %dma_start3A_83 = tpu.memref_slice %arg3[%add3A, %run_scoped3A_64, %run_scoped3A_65, %dma_start3A_82] : memref<32x4x2x32xi32, #tpu.memory_space<hbm>> -> memref<1x1x1x32xi32, #tpu.memory_space<hbm>>
      %dma_start3A_84 = tpu.memref_squeeze %dma_start3A_83 : memref<1x1x1x32xi32, #tpu.memory_space<hbm>> -> memref<32xi32, #tpu.memory_space<hbm>>
      tpu.enqueue_dma source(%dma_start3A_84 : memref<32xi32, #tpu.memory_space<hbm>>) target(%arg7 : memref<32xi32, #tpu.memory_space<vmem>>) target_semaphore(%run_scoped3A_78 : memref<!tpu.dma_semaphore, #tpu.memory_space<semaphore_mem>>)
      %dma_wait3A_85 = arith.constant 0 : i32
      %dma_wait3A_86 = tpu.memref_slice %arg3[%add3A, %run_scoped3A_64, %run_scoped3A_65, %dma_wait3A_85] : memref<32x4x2x32xi32, #tpu.memory_space<hbm>> -> memref<1x1x1x32xi32, #tpu.memory_space<hbm>>
      %dma_wait3A_87 = tpu.memref_squeeze %dma_wait3A_86 : memref<1x1x1x32xi32, #tpu.memory_space<hbm>> -> memref<32xi32, #tpu.memory_space<hbm>>
      %dma_wait3A_88 = arith.constant 0 : i32
      %dma_wait3A_89 = tpu.memref_slice %arg3[%add3A, %run_scoped3A_64, %run_scoped3A_65, %dma_wait3A_88] : memref<32x4x2x32xi32, #tpu.memory_space<hbm>> -> memref<1x1x1x32xi32, #tpu.memory_space<hbm>>
      %dma_wait3A_90 = tpu.memref_squeeze %dma_wait3A_89 : memref<1x1x1x32xi32, #tpu.memory_space<hbm>> -> memref<32xi32, #tpu.memory_space<hbm>>
      tpu.wait_dma2 semaphore(%run_scoped3A_78 : memref<!tpu.dma_semaphore, #tpu.memory_space<semaphore_mem>>) src(%dma_wait3A_90 : memref<32xi32, #tpu.memory_space<hbm>>) dst(%arg7 : memref<32xi32, #tpu.memory_space<vmem>>)
      tpu.yield
    }) : () -> ()
    %dma_start3A_66 = arith.constant 0 : i32
    %dma_start3A_67 = arith.constant 0 : i32
    %dma_start3A_68 = tpu.memref_slice %arg4[%dma_start3A_66, %dma_start3A_67] : memref<10240x1024xf32, #tpu.memory_space<hbm>> -> memref<10240x1024xf32, #tpu.memory_space<hbm>>
    tpu.enqueue_indirect_dma source(%arg5 : memref<32x1024xf32, #tpu.memory_space<vmem>>) target(%dma_start3A_68 : memref<10240x1024xf32, #tpu.memory_space<hbm>>) offsets(%arg6 : memref<32xi32, #tpu.memory_space<vmem>>) semaphore(%arg8 : memref<!tpu.dma_semaphore, #tpu.memory_space<semaphore_mem>>)
    %dma_start3A_69 = arith.constant 0 : i32
    %dma_start3A_70 = arith.constant 0 : i32
    %dma_start3A_71 = tpu.memref_slice %arg4[%dma_start3A_69, %dma_start3A_70] : memref<10240x1024xf32, #tpu.memory_space<hbm>> -> memref<10240x1024xf32, #tpu.memory_space<hbm>>
    tpu.enqueue_indirect_dma source(%arg5 : memref<32x1024xf32, #tpu.memory_space<vmem>>) target(%dma_start3A_71 : memref<10240x1024xf32, #tpu.memory_space<hbm>>) offsets(%arg7 : memref<32xi32, #tpu.memory_space<vmem>>) semaphore(%arg9 : memref<!tpu.dma_semaphore, #tpu.memory_space<semaphore_mem>>)
    %dma_wait3A_72 = arith.constant 0 : i32
    %dma_wait3A_73 = arith.constant 0 : i32
    %dma_wait3A_74 = tpu.memref_slice %arg4[%dma_wait3A_72, %dma_wait3A_73] : memref<10240x1024xf32, #tpu.memory_space<hbm>> -> memref<10240x1024xf32, #tpu.memory_space<hbm>>
    tpu.wait_indirect_dma semaphore(%arg8 : memref<!tpu.dma_semaphore, #tpu.memory_space<semaphore_mem>>) src(%arg5 : memref<32x1024xf32, #tpu.memory_space<vmem>>) dst(%dma_wait3A_74 : memref<10240x1024xf32, #tpu.memory_space<hbm>>)
    %dma_wait3A_75 = arith.constant 0 : i32
    %dma_wait3A_76 = arith.constant 0 : i32
    %dma_wait3A_77 = tpu.memref_slice %arg4[%dma_wait3A_75, %dma_wait3A_76] : memref<10240x1024xf32, #tpu.memory_space<hbm>> -> memref<10240x1024xf32, #tpu.memory_space<hbm>>
    tpu.wait_indirect_dma semaphore(%arg9 : memref<!tpu.dma_semaphore, #tpu.memory_space<semaphore_mem>>) src(%arg5 : memref<32x1024xf32, #tpu.memory_space<vmem>>) dst(%dma_wait3A_77 : memref<10240x1024xf32, #tpu.memory_space<hbm>>)
    return
  }
}

module attributes {stable_mosaic.version = 14 : i64} {
  func.func @_plan_kernel(%arg0: i32, %arg1: memref<256x1024xf32, #tpu.memory_space<vmem>>, %arg2: memref<1024x8xf32, #tpu.memory_space<vmem>>, %arg3: memref<1x8xf32, #tpu.memory_space<vmem>>, %arg4: memref<1x1x256xf32, #tpu.memory_space<vmem>>, %arg5: memref<1x1x256xf32, #tpu.memory_space<vmem>>, %arg6: memref<32x256xi32, #tpu.memory_space<vmem>>, %arg7: memref<1x256xi32, #tpu.memory_space<vmem>>, %arg8: memref<16x256xi32, #tpu.memory_space<vmem>>, %arg9: memref<16x256xi32, #tpu.memory_space<vmem>>) attributes {dimension_semantics = [#tpu.dimension_semantics<arbitrary>], iteration_bounds = array<i64: 16>, scalar_prefetch = 0 : i64, scratch_operands = 2 : i64, tpu.core_type = #tpu.core_type<tc>, window_params = [{transform_indices = @transform_0, window_bounds = array<i64: 256, 1024>}, {pipeline_mode = #tpu.pipeline_mode<synchronous>, transform_indices = @transform_1, window_bounds = array<i64: 1024, 8>}, {pipeline_mode = #tpu.pipeline_mode<synchronous>, transform_indices = @transform_2, window_bounds = array<i64: 1, 8>}, {transform_indices = @transform_3, window_bounds = array<i64: 1, 1, 256>}, {transform_indices = @transform_4, window_bounds = array<i64: 1, 1, 256>}, {pipeline_mode = #tpu.pipeline_mode<synchronous>, transform_indices = @transform_5, window_bounds = array<i64: 32, 256>}, {pipeline_mode = #tpu.pipeline_mode<synchronous>, transform_indices = @transform_6, window_bounds = array<i64: 1, 256>}]} {
    %get3A = arith.constant 0 : index
    %get3A_0 = arith.constant 0 : index
    %get3A_1 = vector.load %arg1[%get3A, %get3A_0] : memref<256x1024xf32, #tpu.memory_space<vmem>>, vector<256x1024xf32>
    %get3A_2 = arith.constant 0 : index
    %get3A_3 = arith.constant 0 : index
    %get3A_4 = vector.load %arg2[%get3A_2, %get3A_3] : memref<1024x8xf32, #tpu.memory_space<vmem>>, vector<1024x8xf32>
    %dot_general3A = arith.constant dense<0.000000e+00> : vector<256x8xf32>
    %dot_general3A_5 = tpu.matmul %get3A_1, %get3A_4, %dot_general3A {dimension_numbers = #tpu.dot_dimension_numbers<[1], [0], [0], [1], [0, 0, 1, 1], [], []>, transpose_lhs_hint = false} : vector<256x1024xf32>, vector<1024x8xf32>, vector<256x8xf32> -> vector<256x8xf32>
    %get3A_6 = arith.constant 0 : index
    %get3A_7 = arith.constant 0 : index
    %get3A_8 = vector.load %arg3[%get3A_6, %get3A_7] : memref<1x8xf32, #tpu.memory_space<vmem>>, vector<1x8xf32>
    %add3A = vector.broadcast %get3A_8 : vector<1x8xf32> to vector<256x8xf32>
    %add3A_9 = arith.addf %dot_general3A_5, %add3A : vector<256x8xf32>
    %transpose3A = tpu.transpose %add3A_9, [1, 0] : vector<256x8xf32> -> vector<8x256xf32>
    %iota3A = tpu.iota {dimensions = array<i32: 0>} : vector<8x256xi32>
    %reduce_max3A = arith.constant dense<0xFF800000> : vector<256xf32>
    %reduce_max3A_10 = vector.multi_reduction <maximumf>, %transpose3A, %reduce_max3A [0] : vector<8x256xf32> to vector<256xf32>
    %broadcast_in_dim3A = vector.shape_cast %reduce_max3A_10 : vector<256xf32> to vector<1x256xf32>
    %eq3A = vector.broadcast %broadcast_in_dim3A : vector<1x256xf32> to vector<8x256xf32>
    %eq3A_11 = arith.cmpf oeq, %transpose3A, %eq3A : vector<8x256xf32>
    %jit3A = arith.constant 8 : i32
    %broadcast_in_dim3A_12 = vector.broadcast %jit3A : i32 to vector<8x256xi32>
    %select_n3A = arith.select %eq3A_11, %iota3A, %broadcast_in_dim3A_12 : vector<8x256xi1>, vector<8x256xi32>
    %reduce_min3A = arith.constant dense<2147483647> : vector<256xi32>
    %reduce_min3A_13 = vector.multi_reduction <minsi>, %select_n3A, %reduce_min3A [0] : vector<8x256xi32> to vector<256xi32>
    %broadcast_in_dim3A_14 = vector.shape_cast %reduce_min3A_13 : vector<256xi32> to vector<1x256xi32>
    %eq3A_15 = vector.broadcast %broadcast_in_dim3A_14 : vector<1x256xi32> to vector<8x256xi32>
    %eq3A_16 = arith.cmpi eq, %iota3A, %eq3A_15 : vector<8x256xi32>
    %jit3A_17 = arith.constant -1.000000e+30 : f32
    %broadcast_in_dim3A_18 = vector.broadcast %jit3A_17 : f32 to vector<8x256xf32>
    %select_n3A_19 = arith.select %eq3A_16, %broadcast_in_dim3A_18, %transpose3A : vector<8x256xi1>, vector<8x256xf32>
    %reduce_max3A_20 = arith.constant dense<0xFF800000> : vector<256xf32>
    %reduce_max3A_21 = vector.multi_reduction <maximumf>, %select_n3A_19, %reduce_max3A_20 [0] : vector<8x256xf32> to vector<256xf32>
    %broadcast_in_dim3A_22 = vector.shape_cast %reduce_max3A_21 : vector<256xf32> to vector<1x256xf32>
    %eq3A_23 = vector.broadcast %broadcast_in_dim3A_22 : vector<1x256xf32> to vector<8x256xf32>
    %eq3A_24 = arith.cmpf oeq, %select_n3A_19, %eq3A_23 : vector<8x256xf32>
    %jit3A_25 = arith.constant 8 : i32
    %broadcast_in_dim3A_26 = vector.broadcast %jit3A_25 : i32 to vector<8x256xi32>
    %select_n3A_27 = arith.select %eq3A_24, %iota3A, %broadcast_in_dim3A_26 : vector<8x256xi1>, vector<8x256xi32>
    %reduce_min3A_28 = arith.constant dense<2147483647> : vector<256xi32>
    %reduce_min3A_29 = vector.multi_reduction <minsi>, %select_n3A_27, %reduce_min3A_28 [0] : vector<8x256xi32> to vector<256xi32>
    %broadcast_in_dim3A_30 = vector.shape_cast %reduce_min3A_29 : vector<256xi32> to vector<1x256xi32>
    %sub3A = arith.subf %broadcast_in_dim3A_22, %broadcast_in_dim3A : vector<1x256xf32>
    %exp3A = math.exp %sub3A : vector<1x256xf32>
    %add3A_31 = arith.constant 1.000000e+00 : f32
    %add3A_32 = vector.broadcast %add3A_31 : f32 to vector<1x256xf32>
    %add3A_33 = arith.addf %add3A_32, %exp3A : vector<1x256xf32>
    %div3A = arith.constant 1.000000e+00 : f32
    %div3A_34 = vector.broadcast %div3A : f32 to vector<1x256xf32>
    %div3A_35 = arith.divf %div3A_34, %add3A_33 : vector<1x256xf32>
    %reshape3A = vector.shape_cast %div3A_35 : vector<1x256xf32> to vector<1x1x256xf32>
    %swap3A = arith.constant 0 : index
    %swap3A_36 = arith.constant 0 : index
    %swap3A_37 = arith.constant 0 : index
    %swap3A_38 = vector.load %arg4[%swap3A, %swap3A_36, %swap3A_37] : memref<1x1x256xf32, #tpu.memory_space<vmem>>, vector<1x1x256xf32>
    tpu.vector_store %arg4[%swap3A, %swap3A_36, %swap3A_37], %reshape3A {strides = array<i32>} : memref<1x1x256xf32, #tpu.memory_space<vmem>>, vector<1x1x256xf32>,
    %div3A_39 = arith.divf %exp3A, %add3A_33 : vector<1x256xf32>
    %reshape3A_40 = vector.shape_cast %div3A_39 : vector<1x256xf32> to vector<1x1x256xf32>
    %swap3A_41 = arith.constant 0 : index
    %swap3A_42 = arith.constant 0 : index
    %swap3A_43 = arith.constant 0 : index
    %swap3A_44 = vector.load %arg5[%swap3A_41, %swap3A_42, %swap3A_43] : memref<1x1x256xf32, #tpu.memory_space<vmem>>, vector<1x1x256xf32>
    tpu.vector_store %arg5[%swap3A_41, %swap3A_42, %swap3A_43], %reshape3A_40 {strides = array<i32>} : memref<1x1x256xf32, #tpu.memory_space<vmem>>, vector<1x1x256xf32>,
    %swap3A_45 = arith.index_cast %arg0 : i32 to index
    %swap3A_46 = arith.constant 0 : index
    %swap3A_47 = vector.load %arg8[%swap3A_45, %swap3A_46] : memref<16x256xi32, #tpu.memory_space<vmem>>, vector<1x256xi32>
    tpu.vector_store %arg8[%swap3A_45, %swap3A_46], %broadcast_in_dim3A_14 {strides = array<i32>} : memref<16x256xi32, #tpu.memory_space<vmem>>, vector<1x256xi32>,
    %swap3A_48 = arith.index_cast %arg0 : i32 to index
    %swap3A_49 = arith.constant 0 : index
    %swap3A_50 = vector.load %arg9[%swap3A_48, %swap3A_49] : memref<16x256xi32, #tpu.memory_space<vmem>>, vector<1x256xi32>
    tpu.vector_store %arg9[%swap3A_48, %swap3A_49], %broadcast_in_dim3A_30 {strides = array<i32>} : memref<16x256xi32, #tpu.memory_space<vmem>>, vector<1x256xi32>,
    %eq3A_51 = arith.constant 15 : i32
    %eq3A_52 = arith.cmpi eq, %arg0, %eq3A_51 : i32
    %convert_element_type3A = arith.extui %eq3A_52 : i1 to i32
    %cond3A = arith.constant 0 : i32
    %cond3A_53 = arith.cmpi ne, %convert_element_type3A, %cond3A : i32
    scf.if %cond3A_53 {
      %get3A_54 = arith.constant 0 : index
      %get3A_55 = arith.constant 0 : index
      %get3A_56 = vector.load %arg8[%get3A_54, %get3A_55] : memref<16x256xi32, #tpu.memory_space<vmem>>, vector<16x256xi32>
      %get3A_57 = arith.constant 0 : index
      %get3A_58 = arith.constant 0 : index
      %get3A_59 = vector.load %arg9[%get3A_57, %get3A_58] : memref<16x256xi32, #tpu.memory_space<vmem>>, vector<16x256xi32>
      %iota3A_60 = tpu.iota {dimensions = array<i32: 0>} : vector<256x256xi32>
      %iota3A_61 = tpu.iota {dimensions = array<i32: 1>} : vector<256x256xi32>
      %lt3A = arith.cmpi slt, %iota3A_60, %iota3A_61 : vector<256x256xi32>
      %convert_element_type3A_62 = arith.extui %lt3A : vector<256x256xi1> to vector<256x256xi32>
      %convert_element_type3A_63 = arith.sitofp %convert_element_type3A_62 : vector<256x256xi32> to vector<256x256xf32>
      %iota3A_64 = tpu.iota {dimensions = array<i32: 0>} : vector<32x32xi32>
      %iota3A_65 = tpu.iota {dimensions = array<i32: 1>} : vector<32x32xi32>
      %lt3A_66 = arith.cmpi slt, %iota3A_65, %iota3A_64 : vector<32x32xi32>
      %convert_element_type3A_67 = arith.extui %lt3A_66 : vector<32x32xi1> to vector<32x32xi32>
      %convert_element_type3A_68 = arith.sitofp %convert_element_type3A_67 : vector<32x32xi32> to vector<32x32xf32>
      %iota3A_69 = tpu.iota {dimensions = array<i32: 1>} : vector<1x256xi32>
      %mul3A = arith.constant 256 : i32
      %mul3A_70 = vector.broadcast %mul3A : i32 to vector<1x256xi32>
      %mul3A_71 = arith.muli %iota3A_69, %mul3A_70 : vector<1x256xi32>
      %convert_element_type3A_72 = arith.sitofp %mul3A_71 : vector<1x256xi32> to vector<1x256xf32>
      %broadcast_in_dim3A_73 = arith.constant 0.000000e+00 : f32
      %broadcast_in_dim3A_74 = vector.broadcast %broadcast_in_dim3A_73 : f32 to vector<32x256xf32>
      %broadcast_in_dim3A_75 = arith.constant 0 : i32
      %broadcast_in_dim3A_76 = vector.broadcast %broadcast_in_dim3A_75 : i32 to vector<1x256xi32>
      %eq3A_77 = arith.constant 0 : i32
      %eq3A_78 = vector.broadcast %eq3A_77 : i32 to vector<16x256xi32>
      %eq3A_79 = arith.cmpi eq, %get3A_56, %eq3A_78 : vector<16x256xi32>
      %eq3A_80 = arith.constant 0 : i32
      %eq3A_81 = vector.broadcast %eq3A_80 : i32 to vector<16x256xi32>
      %eq3A_82 = arith.cmpi eq, %get3A_59, %eq3A_81 : vector<16x256xi32>
      %concatenate3A = tpu.concatenate %eq3A_79, %eq3A_82 in 0 : vector<16x256xi1>, vector<16x256xi1> -> vector<32x256xi1>
      %convert_element_type3A_83 = arith.extui %concatenate3A : vector<32x256xi1> to vector<32x256xi32>
      %convert_element_type3A_84 = arith.sitofp %convert_element_type3A_83 : vector<32x256xi32> to vector<32x256xf32>
      %reduce_sum3A = arith.constant dense<0.000000e+00> : vector<32xf32>
      %reduce_sum3A_85 = vector.multi_reduction <add>, %convert_element_type3A_84, %reduce_sum3A [1] : vector<32x256xf32> to vector<32xf32>
      %broadcast_in_dim3A_86 = vector.shape_cast %reduce_sum3A_85 : vector<32xf32> to vector<32x1xf32>
      %dot_general3A_87 = arith.constant dense<0.000000e+00> : vector<32x1xf32>
      %dot_general3A_88 = tpu.matmul %convert_element_type3A_68, %broadcast_in_dim3A_86, %dot_general3A_87 {dimension_numbers = #tpu.dot_dimension_numbers<[1], [0], [0], [1], [0, 0, 1, 1], [], []>, transpose_lhs_hint = false} : vector<32x32xf32>, vector<32x1xf32>, vector<32x1xf32> -> vector<32x1xf32>
      %dot_general3A_89 = arith.constant dense<0.000000e+00> : vector<32x256xf32>
      %dot_general3A_90 = tpu.matmul %convert_element_type3A_84, %convert_element_type3A_63, %dot_general3A_89 {dimension_numbers = #tpu.dot_dimension_numbers<[1], [0], [0], [1], [0, 0, 1, 1], [], []>, transpose_lhs_hint = false} : vector<32x256xf32>, vector<256x256xf32>, vector<32x256xf32> -> vector<32x256xf32>
      %reduce_sum3A_91 = vector.shape_cast %broadcast_in_dim3A_86 : vector<32x1xf32> to vector<1x32x1xf32>
      %reduce_sum3A_92 = arith.constant dense<0.000000e+00> : vector<1xf32>
      %reduce_sum3A_93 = vector.multi_reduction <add>, %reduce_sum3A_91, %reduce_sum3A_92 [1, 2] : vector<1x32x1xf32> to vector<1xf32>
      %reduce_sum3A_94 = vector.shape_cast %reduce_sum3A_93 : vector<1xf32> to vector<1x1x1xf32>
      %reduce_sum3A_95 = vector.extract %reduce_sum3A_94[0, 0, 0] : f32 from vector<1x1x1xf32>
      %div3A_96 = arith.constant 2.560000e+02 : f32
      %div3A_97 = arith.divf %reduce_sum3A_95, %div3A_96 : f32
      %ceil3A = math.ceil %div3A_97 : f32
      %mul3A_98 = arith.constant 2.560000e+02 : f32
      %mul3A_99 = arith.mulf %ceil3A, %mul3A_98 : f32
      %gt3A = arith.constant 0.000000e+00 : f32
      %gt3A_100 = vector.broadcast %gt3A : f32 to vector<32x256xf32>
      %gt3A_101 = arith.cmpf ogt, %convert_element_type3A_84, %gt3A_100 : vector<32x256xf32>
      %add3A_102 = arith.constant 0.000000e+00 : f32
      %add3A_103 = vector.broadcast %add3A_102 : f32 to vector<32x1xf32>
      %add3A_104 = arith.addf %add3A_103, %dot_general3A_88 : vector<32x1xf32>
      %add3A_105 = vector.broadcast %add3A_104 : vector<32x1xf32> to vector<32x256xf32>
      %add3A_106 = arith.addf %add3A_105, %dot_general3A_90 : vector<32x256xf32>
      %select_n3A_107 = arith.select %gt3A_101, %add3A_106, %broadcast_in_dim3A_74 : vector<32x256xi1>, vector<32x256xf32>
      %add3A_108 = arith.constant 0.000000e+00 : f32
      %add3A_109 = arith.addf %add3A_108, %mul3A_99 : f32
      %ge3A = vector.broadcast %add3A_109 : f32 to vector<1x256xf32>
      %ge3A_110 = arith.cmpf oge, %convert_element_type3A_72, %ge3A : vector<1x256xf32>
      %jit3A_111 = arith.constant 1 : i32
      %jit3A_112 = arith.constant 0 : i32
      %broadcast_in_dim3A_113 = vector.broadcast %jit3A_111 : i32 to vector<1x256xi32>
      %broadcast_in_dim3A_114 = vector.broadcast %jit3A_112 : i32 to vector<1x256xi32>
      %select_n3A_115 = arith.select %ge3A_110, %broadcast_in_dim3A_113, %broadcast_in_dim3A_114 : vector<1x256xi1>, vector<1x256xi32>
      %add3A_116 = arith.addi %broadcast_in_dim3A_76, %select_n3A_115 : vector<1x256xi32>
      %eq3A_117 = arith.constant 1 : i32
      %eq3A_118 = vector.broadcast %eq3A_117 : i32 to vector<16x256xi32>
      %eq3A_119 = arith.cmpi eq, %get3A_56, %eq3A_118 : vector<16x256xi32>
      %eq3A_120 = arith.constant 1 : i32
      %eq3A_121 = vector.broadcast %eq3A_120 : i32 to vector<16x256xi32>
      %eq3A_122 = arith.cmpi eq, %get3A_59, %eq3A_121 : vector<16x256xi32>
      %concatenate3A_123 = tpu.concatenate %eq3A_119, %eq3A_122 in 0 : vector<16x256xi1>, vector<16x256xi1> -> vector<32x256xi1>
      %convert_element_type3A_124 = arith.extui %concatenate3A_123 : vector<32x256xi1> to vector<32x256xi32>
      %convert_element_type3A_125 = arith.sitofp %convert_element_type3A_124 : vector<32x256xi32> to vector<32x256xf32>
      %reduce_sum3A_126 = arith.constant dense<0.000000e+00> : vector<32xf32>
      %reduce_sum3A_127 = vector.multi_reduction <add>, %convert_element_type3A_125, %reduce_sum3A_126 [1] : vector<32x256xf32> to vector<32xf32>
      %broadcast_in_dim3A_128 = vector.shape_cast %reduce_sum3A_127 : vector<32xf32> to vector<32x1xf32>
      %dot_general3A_129 = arith.constant dense<0.000000e+00> : vector<32x1xf32>
      %dot_general3A_130 = tpu.matmul %convert_element_type3A_68, %broadcast_in_dim3A_128, %dot_general3A_129 {dimension_numbers = #tpu.dot_dimension_numbers<[1], [0], [0], [1], [0, 0, 1, 1], [], []>, transpose_lhs_hint = false} : vector<32x32xf32>, vector<32x1xf32>, vector<32x1xf32> -> vector<32x1xf32>
      %dot_general3A_131 = arith.constant dense<0.000000e+00> : vector<32x256xf32>
      %dot_general3A_132 = tpu.matmul %convert_element_type3A_125, %convert_element_type3A_63, %dot_general3A_131 {dimension_numbers = #tpu.dot_dimension_numbers<[1], [0], [0], [1], [0, 0, 1, 1], [], []>, transpose_lhs_hint = false} : vector<32x256xf32>, vector<256x256xf32>, vector<32x256xf32> -> vector<32x256xf32>
      %reduce_sum3A_133 = vector.shape_cast %broadcast_in_dim3A_128 : vector<32x1xf32> to vector<1x32x1xf32>
      %reduce_sum3A_134 = arith.constant dense<0.000000e+00> : vector<1xf32>
      %reduce_sum3A_135 = vector.multi_reduction <add>, %reduce_sum3A_133, %reduce_sum3A_134 [1, 2] : vector<1x32x1xf32> to vector<1xf32>
      %reduce_sum3A_136 = vector.shape_cast %reduce_sum3A_135 : vector<1xf32> to vector<1x1x1xf32>
      %reduce_sum3A_137 = vector.extract %reduce_sum3A_136[0, 0, 0] : f32 from vector<1x1x1xf32>
      %div3A_138 = arith.constant 2.560000e+02 : f32
      %div3A_139 = arith.divf %reduce_sum3A_137, %div3A_138 : f32
      %ceil3A_140 = math.ceil %div3A_139 : f32
      %mul3A_141 = arith.constant 2.560000e+02 : f32
      %mul3A_142 = arith.mulf %ceil3A_140, %mul3A_141 : f32
      %gt3A_143 = arith.constant 0.000000e+00 : f32
      %gt3A_144 = vector.broadcast %gt3A_143 : f32 to vector<32x256xf32>
      %gt3A_145 = arith.cmpf ogt, %convert_element_type3A_125, %gt3A_144 : vector<32x256xf32>
      %add3A_146 = vector.broadcast %add3A_109 : f32 to vector<32x1xf32>
      %add3A_147 = arith.addf %add3A_146, %dot_general3A_130 : vector<32x1xf32>
      %add3A_148 = vector.broadcast %add3A_147 : vector<32x1xf32> to vector<32x256xf32>
      %add3A_149 = arith.addf %add3A_148, %dot_general3A_132 : vector<32x256xf32>
      %select_n3A_150 = arith.select %gt3A_145, %add3A_149, %select_n3A_107 : vector<32x256xi1>, vector<32x256xf32>
      %add3A_151 = arith.addf %add3A_109, %mul3A_142 : f32
      %ge3A_152 = vector.broadcast %add3A_151 : f32 to vector<1x256xf32>
      %ge3A_153 = arith.cmpf oge, %convert_element_type3A_72, %ge3A_152 : vector<1x256xf32>
      %jit3A_154 = arith.constant 1 : i32
      %jit3A_155 = arith.constant 0 : i32
      %broadcast_in_dim3A_156 = vector.broadcast %jit3A_154 : i32 to vector<1x256xi32>
      %broadcast_in_dim3A_157 = vector.broadcast %jit3A_155 : i32 to vector<1x256xi32>
      %select_n3A_158 = arith.select %ge3A_153, %broadcast_in_dim3A_156, %broadcast_in_dim3A_157 : vector<1x256xi1>, vector<1x256xi32>
      %add3A_159 = arith.addi %add3A_116, %select_n3A_158 : vector<1x256xi32>
      %eq3A_160 = arith.constant 2 : i32
      %eq3A_161 = vector.broadcast %eq3A_160 : i32 to vector<16x256xi32>
      %eq3A_162 = arith.cmpi eq, %get3A_56, %eq3A_161 : vector<16x256xi32>
      %eq3A_163 = arith.constant 2 : i32
      %eq3A_164 = vector.broadcast %eq3A_163 : i32 to vector<16x256xi32>
      %eq3A_165 = arith.cmpi eq, %get3A_59, %eq3A_164 : vector<16x256xi32>
      %concatenate3A_166 = tpu.concatenate %eq3A_162, %eq3A_165 in 0 : vector<16x256xi1>, vector<16x256xi1> -> vector<32x256xi1>
      %convert_element_type3A_167 = arith.extui %concatenate3A_166 : vector<32x256xi1> to vector<32x256xi32>
      %convert_element_type3A_168 = arith.sitofp %convert_element_type3A_167 : vector<32x256xi32> to vector<32x256xf32>
      %reduce_sum3A_169 = arith.constant dense<0.000000e+00> : vector<32xf32>
      %reduce_sum3A_170 = vector.multi_reduction <add>, %convert_element_type3A_168, %reduce_sum3A_169 [1] : vector<32x256xf32> to vector<32xf32>
      %broadcast_in_dim3A_171 = vector.shape_cast %reduce_sum3A_170 : vector<32xf32> to vector<32x1xf32>
      %dot_general3A_172 = arith.constant dense<0.000000e+00> : vector<32x1xf32>
      %dot_general3A_173 = tpu.matmul %convert_element_type3A_68, %broadcast_in_dim3A_171, %dot_general3A_172 {dimension_numbers = #tpu.dot_dimension_numbers<[1], [0], [0], [1], [0, 0, 1, 1], [], []>, transpose_lhs_hint = false} : vector<32x32xf32>, vector<32x1xf32>, vector<32x1xf32> -> vector<32x1xf32>
      %dot_general3A_174 = arith.constant dense<0.000000e+00> : vector<32x256xf32>
      %dot_general3A_175 = tpu.matmul %convert_element_type3A_168, %convert_element_type3A_63, %dot_general3A_174 {dimension_numbers = #tpu.dot_dimension_numbers<[1], [0], [0], [1], [0, 0, 1, 1], [], []>, transpose_lhs_hint = false} : vector<32x256xf32>, vector<256x256xf32>, vector<32x256xf32> -> vector<32x256xf32>
      %reduce_sum3A_176 = vector.shape_cast %broadcast_in_dim3A_171 : vector<32x1xf32> to vector<1x32x1xf32>
      %reduce_sum3A_177 = arith.constant dense<0.000000e+00> : vector<1xf32>
      %reduce_sum3A_178 = vector.multi_reduction <add>, %reduce_sum3A_176, %reduce_sum3A_177 [1, 2] : vector<1x32x1xf32> to vector<1xf32>
      %reduce_sum3A_179 = vector.shape_cast %reduce_sum3A_178 : vector<1xf32> to vector<1x1x1xf32>
      %reduce_sum3A_180 = vector.extract %reduce_sum3A_179[0, 0, 0] : f32 from vector<1x1x1xf32>
      %div3A_181 = arith.constant 2.560000e+02 : f32
      %div3A_182 = arith.divf %reduce_sum3A_180, %div3A_181 : f32
      %ceil3A_183 = math.ceil %div3A_182 : f32
      %mul3A_184 = arith.constant 2.560000e+02 : f32
      %mul3A_185 = arith.mulf %ceil3A_183, %mul3A_184 : f32
      %gt3A_186 = arith.constant 0.000000e+00 : f32
      %gt3A_187 = vector.broadcast %gt3A_186 : f32 to vector<32x256xf32>
      %gt3A_188 = arith.cmpf ogt, %convert_element_type3A_168, %gt3A_187 : vector<32x256xf32>
      %add3A_189 = vector.broadcast %add3A_151 : f32 to vector<32x1xf32>
      %add3A_190 = arith.addf %add3A_189, %dot_general3A_173 : vector<32x1xf32>
      %add3A_191 = vector.broadcast %add3A_190 : vector<32x1xf32> to vector<32x256xf32>
      %add3A_192 = arith.addf %add3A_191, %dot_general3A_175 : vector<32x256xf32>
      %select_n3A_193 = arith.select %gt3A_188, %add3A_192, %select_n3A_150 : vector<32x256xi1>, vector<32x256xf32>
      %add3A_194 = arith.addf %add3A_151, %mul3A_185 : f32
      %ge3A_195 = vector.broadcast %add3A_194 : f32 to vector<1x256xf32>
      %ge3A_196 = arith.cmpf oge, %convert_element_type3A_72, %ge3A_195 : vector<1x256xf32>
      %jit3A_197 = arith.constant 1 : i32
      %jit3A_198 = arith.constant 0 : i32
      %broadcast_in_dim3A_199 = vector.broadcast %jit3A_197 : i32 to vector<1x256xi32>
      %broadcast_in_dim3A_200 = vector.broadcast %jit3A_198 : i32 to vector<1x256xi32>
      %select_n3A_201 = arith.select %ge3A_196, %broadcast_in_dim3A_199, %broadcast_in_dim3A_200 : vector<1x256xi1>, vector<1x256xi32>
      %add3A_202 = arith.addi %add3A_159, %select_n3A_201 : vector<1x256xi32>
      %eq3A_203 = arith.constant 3 : i32
      %eq3A_204 = vector.broadcast %eq3A_203 : i32 to vector<16x256xi32>
      %eq3A_205 = arith.cmpi eq, %get3A_56, %eq3A_204 : vector<16x256xi32>
      %eq3A_206 = arith.constant 3 : i32
      %eq3A_207 = vector.broadcast %eq3A_206 : i32 to vector<16x256xi32>
      %eq3A_208 = arith.cmpi eq, %get3A_59, %eq3A_207 : vector<16x256xi32>
      %concatenate3A_209 = tpu.concatenate %eq3A_205, %eq3A_208 in 0 : vector<16x256xi1>, vector<16x256xi1> -> vector<32x256xi1>
      %convert_element_type3A_210 = arith.extui %concatenate3A_209 : vector<32x256xi1> to vector<32x256xi32>
      %convert_element_type3A_211 = arith.sitofp %convert_element_type3A_210 : vector<32x256xi32> to vector<32x256xf32>
      %reduce_sum3A_212 = arith.constant dense<0.000000e+00> : vector<32xf32>
      %reduce_sum3A_213 = vector.multi_reduction <add>, %convert_element_type3A_211, %reduce_sum3A_212 [1] : vector<32x256xf32> to vector<32xf32>
      %broadcast_in_dim3A_214 = vector.shape_cast %reduce_sum3A_213 : vector<32xf32> to vector<32x1xf32>
      %dot_general3A_215 = arith.constant dense<0.000000e+00> : vector<32x1xf32>
      %dot_general3A_216 = tpu.matmul %convert_element_type3A_68, %broadcast_in_dim3A_214, %dot_general3A_215 {dimension_numbers = #tpu.dot_dimension_numbers<[1], [0], [0], [1], [0, 0, 1, 1], [], []>, transpose_lhs_hint = false} : vector<32x32xf32>, vector<32x1xf32>, vector<32x1xf32> -> vector<32x1xf32>
      %dot_general3A_217 = arith.constant dense<0.000000e+00> : vector<32x256xf32>
      %dot_general3A_218 = tpu.matmul %convert_element_type3A_211, %convert_element_type3A_63, %dot_general3A_217 {dimension_numbers = #tpu.dot_dimension_numbers<[1], [0], [0], [1], [0, 0, 1, 1], [], []>, transpose_lhs_hint = false} : vector<32x256xf32>, vector<256x256xf32>, vector<32x256xf32> -> vector<32x256xf32>
      %reduce_sum3A_219 = vector.shape_cast %broadcast_in_dim3A_214 : vector<32x1xf32> to vector<1x32x1xf32>
      %reduce_sum3A_220 = arith.constant dense<0.000000e+00> : vector<1xf32>
      %reduce_sum3A_221 = vector.multi_reduction <add>, %reduce_sum3A_219, %reduce_sum3A_220 [1, 2] : vector<1x32x1xf32> to vector<1xf32>
      %reduce_sum3A_222 = vector.shape_cast %reduce_sum3A_221 : vector<1xf32> to vector<1x1x1xf32>
      %reduce_sum3A_223 = vector.extract %reduce_sum3A_222[0, 0, 0] : f32 from vector<1x1x1xf32>
      %div3A_224 = arith.constant 2.560000e+02 : f32
      %div3A_225 = arith.divf %reduce_sum3A_223, %div3A_224 : f32
      %ceil3A_226 = math.ceil %div3A_225 : f32
      %mul3A_227 = arith.constant 2.560000e+02 : f32
      %mul3A_228 = arith.mulf %ceil3A_226, %mul3A_227 : f32
      %gt3A_229 = arith.constant 0.000000e+00 : f32
      %gt3A_230 = vector.broadcast %gt3A_229 : f32 to vector<32x256xf32>
      %gt3A_231 = arith.cmpf ogt, %convert_element_type3A_211, %gt3A_230 : vector<32x256xf32>
      %add3A_232 = vector.broadcast %add3A_194 : f32 to vector<32x1xf32>
      %add3A_233 = arith.addf %add3A_232, %dot_general3A_216 : vector<32x1xf32>
      %add3A_234 = vector.broadcast %add3A_233 : vector<32x1xf32> to vector<32x256xf32>
      %add3A_235 = arith.addf %add3A_234, %dot_general3A_218 : vector<32x256xf32>
      %select_n3A_236 = arith.select %gt3A_231, %add3A_235, %select_n3A_193 : vector<32x256xi1>, vector<32x256xf32>
      %add3A_237 = arith.addf %add3A_194, %mul3A_228 : f32
      %ge3A_238 = vector.broadcast %add3A_237 : f32 to vector<1x256xf32>
      %ge3A_239 = arith.cmpf oge, %convert_element_type3A_72, %ge3A_238 : vector<1x256xf32>
      %jit3A_240 = arith.constant 1 : i32
      %jit3A_241 = arith.constant 0 : i32
      %broadcast_in_dim3A_242 = vector.broadcast %jit3A_240 : i32 to vector<1x256xi32>
      %broadcast_in_dim3A_243 = vector.broadcast %jit3A_241 : i32 to vector<1x256xi32>
      %select_n3A_244 = arith.select %ge3A_239, %broadcast_in_dim3A_242, %broadcast_in_dim3A_243 : vector<1x256xi1>, vector<1x256xi32>
      %add3A_245 = arith.addi %add3A_202, %select_n3A_244 : vector<1x256xi32>
      %eq3A_246 = arith.constant 4 : i32
      %eq3A_247 = vector.broadcast %eq3A_246 : i32 to vector<16x256xi32>
      %eq3A_248 = arith.cmpi eq, %get3A_56, %eq3A_247 : vector<16x256xi32>
      %eq3A_249 = arith.constant 4 : i32
      %eq3A_250 = vector.broadcast %eq3A_249 : i32 to vector<16x256xi32>
      %eq3A_251 = arith.cmpi eq, %get3A_59, %eq3A_250 : vector<16x256xi32>
      %concatenate3A_252 = tpu.concatenate %eq3A_248, %eq3A_251 in 0 : vector<16x256xi1>, vector<16x256xi1> -> vector<32x256xi1>
      %convert_element_type3A_253 = arith.extui %concatenate3A_252 : vector<32x256xi1> to vector<32x256xi32>
      %convert_element_type3A_254 = arith.sitofp %convert_element_type3A_253 : vector<32x256xi32> to vector<32x256xf32>
      %reduce_sum3A_255 = arith.constant dense<0.000000e+00> : vector<32xf32>
      %reduce_sum3A_256 = vector.multi_reduction <add>, %convert_element_type3A_254, %reduce_sum3A_255 [1] : vector<32x256xf32> to vector<32xf32>
      %broadcast_in_dim3A_257 = vector.shape_cast %reduce_sum3A_256 : vector<32xf32> to vector<32x1xf32>
      %dot_general3A_258 = arith.constant dense<0.000000e+00> : vector<32x1xf32>
      %dot_general3A_259 = tpu.matmul %convert_element_type3A_68, %broadcast_in_dim3A_257, %dot_general3A_258 {dimension_numbers = #tpu.dot_dimension_numbers<[1], [0], [0], [1], [0, 0, 1, 1], [], []>, transpose_lhs_hint = false} : vector<32x32xf32>, vector<32x1xf32>, vector<32x1xf32> -> vector<32x1xf32>
      %dot_general3A_260 = arith.constant dense<0.000000e+00> : vector<32x256xf32>
      %dot_general3A_261 = tpu.matmul %convert_element_type3A_254, %convert_element_type3A_63, %dot_general3A_260 {dimension_numbers = #tpu.dot_dimension_numbers<[1], [0], [0], [1], [0, 0, 1, 1], [], []>, transpose_lhs_hint = false} : vector<32x256xf32>, vector<256x256xf32>, vector<32x256xf32> -> vector<32x256xf32>
      %reduce_sum3A_262 = vector.shape_cast %broadcast_in_dim3A_257 : vector<32x1xf32> to vector<1x32x1xf32>
      %reduce_sum3A_263 = arith.constant dense<0.000000e+00> : vector<1xf32>
      %reduce_sum3A_264 = vector.multi_reduction <add>, %reduce_sum3A_262, %reduce_sum3A_263 [1, 2] : vector<1x32x1xf32> to vector<1xf32>
      %reduce_sum3A_265 = vector.shape_cast %reduce_sum3A_264 : vector<1xf32> to vector<1x1x1xf32>
      %reduce_sum3A_266 = vector.extract %reduce_sum3A_265[0, 0, 0] : f32 from vector<1x1x1xf32>
      %div3A_267 = arith.constant 2.560000e+02 : f32
      %div3A_268 = arith.divf %reduce_sum3A_266, %div3A_267 : f32
      %ceil3A_269 = math.ceil %div3A_268 : f32
      %mul3A_270 = arith.constant 2.560000e+02 : f32
      %mul3A_271 = arith.mulf %ceil3A_269, %mul3A_270 : f32
      %gt3A_272 = arith.constant 0.000000e+00 : f32
      %gt3A_273 = vector.broadcast %gt3A_272 : f32 to vector<32x256xf32>
      %gt3A_274 = arith.cmpf ogt, %convert_element_type3A_254, %gt3A_273 : vector<32x256xf32>
      %add3A_275 = vector.broadcast %add3A_237 : f32 to vector<32x1xf32>
      %add3A_276 = arith.addf %add3A_275, %dot_general3A_259 : vector<32x1xf32>
      %add3A_277 = vector.broadcast %add3A_276 : vector<32x1xf32> to vector<32x256xf32>
      %add3A_278 = arith.addf %add3A_277, %dot_general3A_261 : vector<32x256xf32>
      %select_n3A_279 = arith.select %gt3A_274, %add3A_278, %select_n3A_236 : vector<32x256xi1>, vector<32x256xf32>
      %add3A_280 = arith.addf %add3A_237, %mul3A_271 : f32
      %ge3A_281 = vector.broadcast %add3A_280 : f32 to vector<1x256xf32>
      %ge3A_282 = arith.cmpf oge, %convert_element_type3A_72, %ge3A_281 : vector<1x256xf32>
      %jit3A_283 = arith.constant 1 : i32
      %jit3A_284 = arith.constant 0 : i32
      %broadcast_in_dim3A_285 = vector.broadcast %jit3A_283 : i32 to vector<1x256xi32>
      %broadcast_in_dim3A_286 = vector.broadcast %jit3A_284 : i32 to vector<1x256xi32>
      %select_n3A_287 = arith.select %ge3A_282, %broadcast_in_dim3A_285, %broadcast_in_dim3A_286 : vector<1x256xi1>, vector<1x256xi32>
      %add3A_288 = arith.addi %add3A_245, %select_n3A_287 : vector<1x256xi32>
      %eq3A_289 = arith.constant 5 : i32
      %eq3A_290 = vector.broadcast %eq3A_289 : i32 to vector<16x256xi32>
      %eq3A_291 = arith.cmpi eq, %get3A_56, %eq3A_290 : vector<16x256xi32>
      %eq3A_292 = arith.constant 5 : i32
      %eq3A_293 = vector.broadcast %eq3A_292 : i32 to vector<16x256xi32>
      %eq3A_294 = arith.cmpi eq, %get3A_59, %eq3A_293 : vector<16x256xi32>
      %concatenate3A_295 = tpu.concatenate %eq3A_291, %eq3A_294 in 0 : vector<16x256xi1>, vector<16x256xi1> -> vector<32x256xi1>
      %convert_element_type3A_296 = arith.extui %concatenate3A_295 : vector<32x256xi1> to vector<32x256xi32>
      %convert_element_type3A_297 = arith.sitofp %convert_element_type3A_296 : vector<32x256xi32> to vector<32x256xf32>
      %reduce_sum3A_298 = arith.constant dense<0.000000e+00> : vector<32xf32>
      %reduce_sum3A_299 = vector.multi_reduction <add>, %convert_element_type3A_297, %reduce_sum3A_298 [1] : vector<32x256xf32> to vector<32xf32>
      %broadcast_in_dim3A_300 = vector.shape_cast %reduce_sum3A_299 : vector<32xf32> to vector<32x1xf32>
      %dot_general3A_301 = arith.constant dense<0.000000e+00> : vector<32x1xf32>
      %dot_general3A_302 = tpu.matmul %convert_element_type3A_68, %broadcast_in_dim3A_300, %dot_general3A_301 {dimension_numbers = #tpu.dot_dimension_numbers<[1], [0], [0], [1], [0, 0, 1, 1], [], []>, transpose_lhs_hint = false} : vector<32x32xf32>, vector<32x1xf32>, vector<32x1xf32> -> vector<32x1xf32>
      %dot_general3A_303 = arith.constant dense<0.000000e+00> : vector<32x256xf32>
      %dot_general3A_304 = tpu.matmul %convert_element_type3A_297, %convert_element_type3A_63, %dot_general3A_303 {dimension_numbers = #tpu.dot_dimension_numbers<[1], [0], [0], [1], [0, 0, 1, 1], [], []>, transpose_lhs_hint = false} : vector<32x256xf32>, vector<256x256xf32>, vector<32x256xf32> -> vector<32x256xf32>
      %reduce_sum3A_305 = vector.shape_cast %broadcast_in_dim3A_300 : vector<32x1xf32> to vector<1x32x1xf32>
      %reduce_sum3A_306 = arith.constant dense<0.000000e+00> : vector<1xf32>
      %reduce_sum3A_307 = vector.multi_reduction <add>, %reduce_sum3A_305, %reduce_sum3A_306 [1, 2] : vector<1x32x1xf32> to vector<1xf32>
      %reduce_sum3A_308 = vector.shape_cast %reduce_sum3A_307 : vector<1xf32> to vector<1x1x1xf32>
      %reduce_sum3A_309 = vector.extract %reduce_sum3A_308[0, 0, 0] : f32 from vector<1x1x1xf32>
      %div3A_310 = arith.constant 2.560000e+02 : f32
      %div3A_311 = arith.divf %reduce_sum3A_309, %div3A_310 : f32
      %ceil3A_312 = math.ceil %div3A_311 : f32
      %mul3A_313 = arith.constant 2.560000e+02 : f32
      %mul3A_314 = arith.mulf %ceil3A_312, %mul3A_313 : f32
      %gt3A_315 = arith.constant 0.000000e+00 : f32
      %gt3A_316 = vector.broadcast %gt3A_315 : f32 to vector<32x256xf32>
      %gt3A_317 = arith.cmpf ogt, %convert_element_type3A_297, %gt3A_316 : vector<32x256xf32>
      %add3A_318 = vector.broadcast %add3A_280 : f32 to vector<32x1xf32>
      %add3A_319 = arith.addf %add3A_318, %dot_general3A_302 : vector<32x1xf32>
      %add3A_320 = vector.broadcast %add3A_319 : vector<32x1xf32> to vector<32x256xf32>
      %add3A_321 = arith.addf %add3A_320, %dot_general3A_304 : vector<32x256xf32>
      %select_n3A_322 = arith.select %gt3A_317, %add3A_321, %select_n3A_279 : vector<32x256xi1>, vector<32x256xf32>
      %add3A_323 = arith.addf %add3A_280, %mul3A_314 : f32
      %ge3A_324 = vector.broadcast %add3A_323 : f32 to vector<1x256xf32>
      %ge3A_325 = arith.cmpf oge, %convert_element_type3A_72, %ge3A_324 : vector<1x256xf32>
      %jit3A_326 = arith.constant 1 : i32
      %jit3A_327 = arith.constant 0 : i32
      %broadcast_in_dim3A_328 = vector.broadcast %jit3A_326 : i32 to vector<1x256xi32>
      %broadcast_in_dim3A_329 = vector.broadcast %jit3A_327 : i32 to vector<1x256xi32>
      %select_n3A_330 = arith.select %ge3A_325, %broadcast_in_dim3A_328, %broadcast_in_dim3A_329 : vector<1x256xi1>, vector<1x256xi32>
      %add3A_331 = arith.addi %add3A_288, %select_n3A_330 : vector<1x256xi32>
      %eq3A_332 = arith.constant 6 : i32
      %eq3A_333 = vector.broadcast %eq3A_332 : i32 to vector<16x256xi32>
      %eq3A_334 = arith.cmpi eq, %get3A_56, %eq3A_333 : vector<16x256xi32>
      %eq3A_335 = arith.constant 6 : i32
      %eq3A_336 = vector.broadcast %eq3A_335 : i32 to vector<16x256xi32>
      %eq3A_337 = arith.cmpi eq, %get3A_59, %eq3A_336 : vector<16x256xi32>
      %concatenate3A_338 = tpu.concatenate %eq3A_334, %eq3A_337 in 0 : vector<16x256xi1>, vector<16x256xi1> -> vector<32x256xi1>
      %convert_element_type3A_339 = arith.extui %concatenate3A_338 : vector<32x256xi1> to vector<32x256xi32>
      %convert_element_type3A_340 = arith.sitofp %convert_element_type3A_339 : vector<32x256xi32> to vector<32x256xf32>
      %reduce_sum3A_341 = arith.constant dense<0.000000e+00> : vector<32xf32>
      %reduce_sum3A_342 = vector.multi_reduction <add>, %convert_element_type3A_340, %reduce_sum3A_341 [1] : vector<32x256xf32> to vector<32xf32>
      %broadcast_in_dim3A_343 = vector.shape_cast %reduce_sum3A_342 : vector<32xf32> to vector<32x1xf32>
      %dot_general3A_344 = arith.constant dense<0.000000e+00> : vector<32x1xf32>
      %dot_general3A_345 = tpu.matmul %convert_element_type3A_68, %broadcast_in_dim3A_343, %dot_general3A_344 {dimension_numbers = #tpu.dot_dimension_numbers<[1], [0], [0], [1], [0, 0, 1, 1], [], []>, transpose_lhs_hint = false} : vector<32x32xf32>, vector<32x1xf32>, vector<32x1xf32> -> vector<32x1xf32>
      %dot_general3A_346 = arith.constant dense<0.000000e+00> : vector<32x256xf32>
      %dot_general3A_347 = tpu.matmul %convert_element_type3A_340, %convert_element_type3A_63, %dot_general3A_346 {dimension_numbers = #tpu.dot_dimension_numbers<[1], [0], [0], [1], [0, 0, 1, 1], [], []>, transpose_lhs_hint = false} : vector<32x256xf32>, vector<256x256xf32>, vector<32x256xf32> -> vector<32x256xf32>
      %reduce_sum3A_348 = vector.shape_cast %broadcast_in_dim3A_343 : vector<32x1xf32> to vector<1x32x1xf32>
      %reduce_sum3A_349 = arith.constant dense<0.000000e+00> : vector<1xf32>
      %reduce_sum3A_350 = vector.multi_reduction <add>, %reduce_sum3A_348, %reduce_sum3A_349 [1, 2] : vector<1x32x1xf32> to vector<1xf32>
      %reduce_sum3A_351 = vector.shape_cast %reduce_sum3A_350 : vector<1xf32> to vector<1x1x1xf32>
      %reduce_sum3A_352 = vector.extract %reduce_sum3A_351[0, 0, 0] : f32 from vector<1x1x1xf32>
      %div3A_353 = arith.constant 2.560000e+02 : f32
      %div3A_354 = arith.divf %reduce_sum3A_352, %div3A_353 : f32
      %ceil3A_355 = math.ceil %div3A_354 : f32
      %mul3A_356 = arith.constant 2.560000e+02 : f32
      %mul3A_357 = arith.mulf %ceil3A_355, %mul3A_356 : f32
      %gt3A_358 = arith.constant 0.000000e+00 : f32
      %gt3A_359 = vector.broadcast %gt3A_358 : f32 to vector<32x256xf32>
      %gt3A_360 = arith.cmpf ogt, %convert_element_type3A_340, %gt3A_359 : vector<32x256xf32>
      %add3A_361 = vector.broadcast %add3A_323 : f32 to vector<32x1xf32>
      %add3A_362 = arith.addf %add3A_361, %dot_general3A_345 : vector<32x1xf32>
      %add3A_363 = vector.broadcast %add3A_362 : vector<32x1xf32> to vector<32x256xf32>
      %add3A_364 = arith.addf %add3A_363, %dot_general3A_347 : vector<32x256xf32>
      %select_n3A_365 = arith.select %gt3A_360, %add3A_364, %select_n3A_322 : vector<32x256xi1>, vector<32x256xf32>
      %add3A_366 = arith.addf %add3A_323, %mul3A_357 : f32
      %ge3A_367 = vector.broadcast %add3A_366 : f32 to vector<1x256xf32>
      %ge3A_368 = arith.cmpf oge, %convert_element_type3A_72, %ge3A_367 : vector<1x256xf32>
      %jit3A_369 = arith.constant 1 : i32
      %jit3A_370 = arith.constant 0 : i32
      %broadcast_in_dim3A_371 = vector.broadcast %jit3A_369 : i32 to vector<1x256xi32>
      %broadcast_in_dim3A_372 = vector.broadcast %jit3A_370 : i32 to vector<1x256xi32>
      %select_n3A_373 = arith.select %ge3A_368, %broadcast_in_dim3A_371, %broadcast_in_dim3A_372 : vector<1x256xi1>, vector<1x256xi32>
      %add3A_374 = arith.addi %add3A_331, %select_n3A_373 : vector<1x256xi32>
      %eq3A_375 = arith.constant 7 : i32
      %eq3A_376 = vector.broadcast %eq3A_375 : i32 to vector<16x256xi32>
      %eq3A_377 = arith.cmpi eq, %get3A_56, %eq3A_376 : vector<16x256xi32>
      %eq3A_378 = arith.constant 7 : i32
      %eq3A_379 = vector.broadcast %eq3A_378 : i32 to vector<16x256xi32>
      %eq3A_380 = arith.cmpi eq, %get3A_59, %eq3A_379 : vector<16x256xi32>
      %concatenate3A_381 = tpu.concatenate %eq3A_377, %eq3A_380 in 0 : vector<16x256xi1>, vector<16x256xi1> -> vector<32x256xi1>
      %convert_element_type3A_382 = arith.extui %concatenate3A_381 : vector<32x256xi1> to vector<32x256xi32>
      %convert_element_type3A_383 = arith.sitofp %convert_element_type3A_382 : vector<32x256xi32> to vector<32x256xf32>
      %reduce_sum3A_384 = arith.constant dense<0.000000e+00> : vector<32xf32>
      %reduce_sum3A_385 = vector.multi_reduction <add>, %convert_element_type3A_383, %reduce_sum3A_384 [1] : vector<32x256xf32> to vector<32xf32>
      %broadcast_in_dim3A_386 = vector.shape_cast %reduce_sum3A_385 : vector<32xf32> to vector<32x1xf32>
      %dot_general3A_387 = arith.constant dense<0.000000e+00> : vector<32x1xf32>
      %dot_general3A_388 = tpu.matmul %convert_element_type3A_68, %broadcast_in_dim3A_386, %dot_general3A_387 {dimension_numbers = #tpu.dot_dimension_numbers<[1], [0], [0], [1], [0, 0, 1, 1], [], []>, transpose_lhs_hint = false} : vector<32x32xf32>, vector<32x1xf32>, vector<32x1xf32> -> vector<32x1xf32>
      %dot_general3A_389 = arith.constant dense<0.000000e+00> : vector<32x256xf32>
      %dot_general3A_390 = tpu.matmul %convert_element_type3A_383, %convert_element_type3A_63, %dot_general3A_389 {dimension_numbers = #tpu.dot_dimension_numbers<[1], [0], [0], [1], [0, 0, 1, 1], [], []>, transpose_lhs_hint = false} : vector<32x256xf32>, vector<256x256xf32>, vector<32x256xf32> -> vector<32x256xf32>
      %reduce_sum3A_391 = vector.shape_cast %broadcast_in_dim3A_386 : vector<32x1xf32> to vector<1x32x1xf32>
      %reduce_sum3A_392 = arith.constant dense<0.000000e+00> : vector<1xf32>
      %reduce_sum3A_393 = vector.multi_reduction <add>, %reduce_sum3A_391, %reduce_sum3A_392 [1, 2] : vector<1x32x1xf32> to vector<1xf32>
      %reduce_sum3A_394 = vector.shape_cast %reduce_sum3A_393 : vector<1xf32> to vector<1x1x1xf32>
      %reduce_sum3A_395 = vector.extract %reduce_sum3A_394[0, 0, 0] : f32 from vector<1x1x1xf32>
      %div3A_396 = arith.constant 2.560000e+02 : f32
      %div3A_397 = arith.divf %reduce_sum3A_395, %div3A_396 : f32
      %ceil3A_398 = math.ceil %div3A_397 : f32
      %mul3A_399 = arith.constant 2.560000e+02 : f32
      %mul3A_400 = arith.mulf %ceil3A_398, %mul3A_399 : f32
      %gt3A_401 = arith.constant 0.000000e+00 : f32
      %gt3A_402 = vector.broadcast %gt3A_401 : f32 to vector<32x256xf32>
      %gt3A_403 = arith.cmpf ogt, %convert_element_type3A_383, %gt3A_402 : vector<32x256xf32>
      %add3A_404 = vector.broadcast %add3A_366 : f32 to vector<32x1xf32>
      %add3A_405 = arith.addf %add3A_404, %dot_general3A_388 : vector<32x1xf32>
      %add3A_406 = vector.broadcast %add3A_405 : vector<32x1xf32> to vector<32x256xf32>
      %add3A_407 = arith.addf %add3A_406, %dot_general3A_390 : vector<32x256xf32>
      %select_n3A_408 = arith.select %gt3A_403, %add3A_407, %select_n3A_365 : vector<32x256xi1>, vector<32x256xf32>
      %add3A_409 = arith.addf %add3A_366, %mul3A_400 : f32
      %ge3A_410 = vector.broadcast %add3A_409 : f32 to vector<1x256xf32>
      %ge3A_411 = arith.cmpf oge, %convert_element_type3A_72, %ge3A_410 : vector<1x256xf32>
      %jit3A_412 = arith.constant 1 : i32
      %jit3A_413 = arith.constant 0 : i32
      %broadcast_in_dim3A_414 = vector.broadcast %jit3A_412 : i32 to vector<1x256xi32>
      %broadcast_in_dim3A_415 = vector.broadcast %jit3A_413 : i32 to vector<1x256xi32>
      %select_n3A_416 = arith.select %ge3A_411, %broadcast_in_dim3A_414, %broadcast_in_dim3A_415 : vector<1x256xi1>, vector<1x256xi32>
      %add3A_417 = arith.addi %add3A_374, %select_n3A_416 : vector<1x256xi32>
      %convert_element_type3A_418 = arith.fptosi %select_n3A_408 : vector<32x256xf32> to vector<32x256xi32>
      %swap3A_419 = arith.constant 0 : index
      %swap3A_420 = arith.constant 0 : index
      %swap3A_421 = vector.load %arg6[%swap3A_419, %swap3A_420] : memref<32x256xi32, #tpu.memory_space<vmem>>, vector<32x256xi32>
      tpu.vector_store %arg6[%swap3A_419, %swap3A_420], %convert_element_type3A_418 {strides = array<i32>} : memref<32x256xi32, #tpu.memory_space<vmem>>, vector<32x256xi32>,
      %min3A = arith.constant 7 : i32
      %min3A_422 = vector.broadcast %min3A : i32 to vector<1x256xi32>
      %min3A_423 = arith.minsi %add3A_417, %min3A_422 : vector<1x256xi32>
      %swap3A_424 = arith.constant 0 : index
      %swap3A_425 = arith.constant 0 : index
      %swap3A_426 = vector.load %arg7[%swap3A_424, %swap3A_425] : memref<1x256xi32, #tpu.memory_space<vmem>>, vector<1x256xi32>
      tpu.vector_store %arg7[%swap3A_424, %swap3A_425], %min3A_423 {strides = array<i32>} : memref<1x256xi32, #tpu.memory_space<vmem>>, vector<1x256xi32>,
    } else {
    }
    return
  }
  func.func @transform_0(%arg0: i32) -> (i32, i32) {
    %c0_i32 = arith.constant 0 : i32
    %c0_i32_0 = arith.constant 0 : i32
    return %arg0, %c0_i32 : i32, i32
  }
  func.func @transform_1(%arg0: i32) -> (i32, i32) {
    %c0_i32 = arith.constant 0 : i32
    %c0_i32_0 = arith.constant 0 : i32
    %c0_i32_1 = arith.constant 0 : i32
    return %c0_i32, %c0_i32_0 : i32, i32
  }
  func.func @transform_2(%arg0: i32) -> (i32, i32) {
    %c0_i32 = arith.constant 0 : i32
    %c0_i32_0 = arith.constant 0 : i32
    %c0_i32_1 = arith.constant 0 : i32
    return %c0_i32, %c0_i32_0 : i32, i32
  }
  func.func @transform_3(%arg0: i32) -> (i32, i32, i32) {
    %c0_i32 = arith.constant 0 : i32
    %c0_i32_0 = arith.constant 0 : i32
    %c0_i32_1 = arith.constant 0 : i32
    return %arg0, %c0_i32, %c0_i32_0 : i32, i32, i32
  }
  func.func @transform_4(%arg0: i32) -> (i32, i32, i32) {
    %c0_i32 = arith.constant 0 : i32
    %c0_i32_0 = arith.constant 0 : i32
    %c0_i32_1 = arith.constant 0 : i32
    return %arg0, %c0_i32, %c0_i32_0 : i32, i32, i32
  }
  func.func @transform_5(%arg0: i32) -> (i32, i32) {
    %c0_i32 = arith.constant 0 : i32
    %c0_i32_0 = arith.constant 0 : i32
    %c0_i32_1 = arith.constant 0 : i32
    return %c0_i32, %c0_i32_0 : i32, i32
  }
  func.func @transform_6(%arg0: i32) -> (i32, i32) {
    %c0_i32 = arith.constant 0 : i32
    %c0_i32_0 = arith.constant 0 : i32
    %c0_i32_1 = arith.constant 0 : i32
    return %c0_i32, %c0_i32_0 : i32, i32
  }
}

module attributes {stable_mosaic.version = 14 : i64} {
  func.func @_expert_kernel(%arg0: i32, %arg1: memref<40xi32, #tpu.memory_space<smem>>, %arg2: memref<256x1024xf32, #tpu.memory_space<vmem>>, %arg3: memref<1x1024x2048xbf16, #tpu.memory_space<vmem>>, %arg4: memref<1x1x2048xf32, #tpu.memory_space<vmem>>, %arg5: memref<1x2048x1024xbf16, #tpu.memory_space<vmem>>, %arg6: memref<1x1x1024xf32, #tpu.memory_space<vmem>>, %arg7: memref<256x1024xf32, #tpu.memory_space<vmem>>) attributes {dimension_semantics = [#tpu.dimension_semantics<arbitrary>], iteration_bounds = array<i64: 40>, scalar_prefetch = 1 : i64, scratch_operands = 0 : i64, tpu.core_type = #tpu.core_type<tc>, window_params = [{transform_indices = @transform_0, window_bounds = array<i64: 256, 1024>}, {transform_indices = @transform_1, window_bounds = array<i64: 1, 1024, 2048>}, {transform_indices = @transform_2, window_bounds = array<i64: 1, 1, 2048>}, {transform_indices = @transform_3, window_bounds = array<i64: 1, 2048, 1024>}, {transform_indices = @transform_4, window_bounds = array<i64: 1, 1, 1024>}, {transform_indices = @transform_5, window_bounds = array<i64: 256, 1024>}]} {
    %get3A = arith.constant 0 : index
    %get3A_0 = arith.constant 0 : index
    %get3A_1 = vector.load %arg2[%get3A, %get3A_0] : memref<256x1024xf32, #tpu.memory_space<vmem>>, vector<256x1024xf32>
    %convert_element_type3A = arith.truncf %get3A_1 : vector<256x1024xf32> to vector<256x1024xbf16>
    %get3A_2 = arith.constant 0 : index
    %get3A_3 = arith.constant 0 : index
    %get3A_4 = arith.constant 0 : index
    %get3A_5 = vector.load %arg3[%get3A_2, %get3A_3, %get3A_4] : memref<1x1024x2048xbf16, #tpu.memory_space<vmem>>, vector<1x1024x2048xbf16>
    %get3A_6 = vector.shape_cast %get3A_5 : vector<1x1024x2048xbf16> to vector<1024x2048xbf16>
    %dot_general3A = arith.constant dense<0.000000e+00> : vector<256x2048xf32>
    %dot_general3A_7 = tpu.matmul %convert_element_type3A, %get3A_6, %dot_general3A {dimension_numbers = #tpu.dot_dimension_numbers<[1], [0], [0], [1], [0, 0, 1, 1], [], []>, transpose_lhs_hint = false} : vector<256x1024xbf16>, vector<1024x2048xbf16>, vector<256x2048xf32> -> vector<256x2048xf32>
    %get3A_8 = arith.constant 0 : index
    %get3A_9 = arith.constant 0 : index
    %get3A_10 = arith.constant 0 : index
    %get3A_11 = vector.load %arg4[%get3A_8, %get3A_9, %get3A_10] : memref<1x1x2048xf32, #tpu.memory_space<vmem>>, vector<1x1x2048xf32>
    %get3A_12 = vector.shape_cast %get3A_11 : vector<1x1x2048xf32> to vector<1x2048xf32>
    %add3A = vector.broadcast %get3A_12 : vector<1x2048xf32> to vector<256x2048xf32>
    %add3A_13 = arith.addf %dot_general3A_7, %add3A : vector<256x2048xf32>
    %mul3A = arith.constant 5.000000e-01 : f32
    %mul3A_14 = vector.broadcast %mul3A : f32 to vector<256x2048xf32>
    %mul3A_15 = arith.mulf %mul3A_14, %add3A_13 : vector<256x2048xf32>
    %mul3A_16 = arith.constant 0.707106769 : f32
    %mul3A_17 = vector.broadcast %mul3A_16 : f32 to vector<256x2048xf32>
    %mul3A_18 = arith.mulf %add3A_13, %mul3A_17 : vector<256x2048xf32>
    %erf3A = math.erf %mul3A_18 : vector<256x2048xf32>
    %add3A_19 = arith.constant 1.000000e+00 : f32
    %add3A_20 = vector.broadcast %add3A_19 : f32 to vector<256x2048xf32>
    %add3A_21 = arith.addf %add3A_20, %erf3A : vector<256x2048xf32>
    %mul3A_22 = arith.mulf %mul3A_15, %add3A_21 : vector<256x2048xf32>
    %convert_element_type3A_23 = arith.truncf %mul3A_22 : vector<256x2048xf32> to vector<256x2048xbf16>
    %get3A_24 = arith.constant 0 : index
    %get3A_25 = arith.constant 0 : index
    %get3A_26 = arith.constant 0 : index
    %get3A_27 = vector.load %arg5[%get3A_24, %get3A_25, %get3A_26] : memref<1x2048x1024xbf16, #tpu.memory_space<vmem>>, vector<1x2048x1024xbf16>
    %get3A_28 = vector.shape_cast %get3A_27 : vector<1x2048x1024xbf16> to vector<2048x1024xbf16>
    %dot_general3A_29 = arith.constant dense<0.000000e+00> : vector<256x1024xf32>
    %dot_general3A_30 = tpu.matmul %convert_element_type3A_23, %get3A_28, %dot_general3A_29 {dimension_numbers = #tpu.dot_dimension_numbers<[1], [0], [0], [1], [0, 0, 1, 1], [], []>, transpose_lhs_hint = false} : vector<256x2048xbf16>, vector<2048x1024xbf16>, vector<256x1024xf32> -> vector<256x1024xf32>
    %get3A_31 = arith.constant 0 : index
    %get3A_32 = arith.constant 0 : index
    %get3A_33 = arith.constant 0 : index
    %get3A_34 = vector.load %arg6[%get3A_31, %get3A_32, %get3A_33] : memref<1x1x1024xf32, #tpu.memory_space<vmem>>, vector<1x1x1024xf32>
    %get3A_35 = vector.shape_cast %get3A_34 : vector<1x1x1024xf32> to vector<1x1024xf32>
    %add3A_36 = vector.broadcast %get3A_35 : vector<1x1024xf32> to vector<256x1024xf32>
    %add3A_37 = arith.addf %dot_general3A_30, %add3A_36 : vector<256x1024xf32>
    %swap3A = arith.constant 0 : index
    %swap3A_38 = arith.constant 0 : index
    %swap3A_39 = vector.load %arg7[%swap3A, %swap3A_38] : memref<256x1024xf32, #tpu.memory_space<vmem>>, vector<256x1024xf32>
    tpu.vector_store %arg7[%swap3A, %swap3A_38], %add3A_37 {strides = array<i32>} : memref<256x1024xf32, #tpu.memory_space<vmem>>, vector<256x1024xf32>,
    return
  }
  func.func @transform_0(%arg0: i32, %arg1: memref<40xi32, #tpu.memory_space<smem>>) -> (i32, i32) {
    %c0_i32 = arith.constant 0 : i32
    %c0_i32_0 = arith.constant 0 : i32
    return %arg0, %c0_i32 : i32, i32
  }
  func.func @transform_1(%arg0: i32, %arg1: memref<40xi32, #tpu.memory_space<smem>>) -> (i32, i32, i32) {
    %get3A = arith.index_cast %arg0 : i32 to index
    %get3A_0 = memref.load %arg1[%get3A] : memref<40xi32, #tpu.memory_space<smem>>
    %c0_i32 = arith.constant 0 : i32
    %c0_i32_1 = arith.constant 0 : i32
    %c0_i32_2 = arith.constant 0 : i32
    return %get3A_0, %c0_i32, %c0_i32_1 : i32, i32, i32
  }
  func.func @transform_2(%arg0: i32, %arg1: memref<40xi32, #tpu.memory_space<smem>>) -> (i32, i32, i32) {
    %get3A = arith.index_cast %arg0 : i32 to index
    %get3A_0 = memref.load %arg1[%get3A] : memref<40xi32, #tpu.memory_space<smem>>
    %c0_i32 = arith.constant 0 : i32
    %c0_i32_1 = arith.constant 0 : i32
    %c0_i32_2 = arith.constant 0 : i32
    return %get3A_0, %c0_i32, %c0_i32_1 : i32, i32, i32
  }
  func.func @transform_3(%arg0: i32, %arg1: memref<40xi32, #tpu.memory_space<smem>>) -> (i32, i32, i32) {
    %get3A = arith.index_cast %arg0 : i32 to index
    %get3A_0 = memref.load %arg1[%get3A] : memref<40xi32, #tpu.memory_space<smem>>
    %c0_i32 = arith.constant 0 : i32
    %c0_i32_1 = arith.constant 0 : i32
    %c0_i32_2 = arith.constant 0 : i32
    return %get3A_0, %c0_i32, %c0_i32_1 : i32, i32, i32
  }
  func.func @transform_4(%arg0: i32, %arg1: memref<40xi32, #tpu.memory_space<smem>>) -> (i32, i32, i32) {
    %get3A = arith.index_cast %arg0 : i32 to index
    %get3A_0 = memref.load %arg1[%get3A] : memref<40xi32, #tpu.memory_space<smem>>
    %c0_i32 = arith.constant 0 : i32
    %c0_i32_1 = arith.constant 0 : i32
    %c0_i32_2 = arith.constant 0 : i32
    return %get3A_0, %c0_i32, %c0_i32_1 : i32, i32, i32
  }
  func.func @transform_5(%arg0: i32, %arg1: memref<40xi32, #tpu.memory_space<smem>>) -> (i32, i32) {
    %c0_i32 = arith.constant 0 : i32
    %c0_i32_0 = arith.constant 0 : i32
    return %arg0, %c0_i32 : i32, i32
  }
}

module attributes {stable_mosaic.version = 14 : i64} {
  func.func @_shared_kernel(%arg0: i32, %arg1: memref<256x1024xf32, #tpu.memory_space<vmem>>, %arg2: memref<1024x2048xbf16, #tpu.memory_space<vmem>>, %arg3: memref<1x2048xf32, #tpu.memory_space<vmem>>, %arg4: memref<2048x1024xbf16, #tpu.memory_space<vmem>>, %arg5: memref<1x1024xf32, #tpu.memory_space<vmem>>, %arg6: memref<256x1024xf32, #tpu.memory_space<vmem>>, %arg7: memref<256x1024xf32, #tpu.memory_space<vmem>>, %arg8: memref<256x1xf32, #tpu.memory_space<vmem>>, %arg9: memref<256x1xf32, #tpu.memory_space<vmem>>, %arg10: memref<256x1024xf32, #tpu.memory_space<vmem>>) attributes {dimension_semantics = [#tpu.dimension_semantics<arbitrary>], iteration_bounds = array<i64: 16>, scalar_prefetch = 0 : i64, scratch_operands = 0 : i64, tpu.core_type = #tpu.core_type<tc>, window_params = [{transform_indices = @transform_0, window_bounds = array<i64: 256, 1024>}, {pipeline_mode = #tpu.pipeline_mode<synchronous>, transform_indices = @transform_1, window_bounds = array<i64: 1024, 2048>}, {pipeline_mode = #tpu.pipeline_mode<synchronous>, transform_indices = @transform_2, window_bounds = array<i64: 1, 2048>}, {pipeline_mode = #tpu.pipeline_mode<synchronous>, transform_indices = @transform_3, window_bounds = array<i64: 2048, 1024>}, {pipeline_mode = #tpu.pipeline_mode<synchronous>, transform_indices = @transform_4, window_bounds = array<i64: 1, 1024>}, {transform_indices = @transform_5, window_bounds = array<i64: 256, 1024>}, {transform_indices = @transform_6, window_bounds = array<i64: 256, 1024>}, {transform_indices = @transform_7, window_bounds = array<i64: 256, 1>}, {transform_indices = @transform_8, window_bounds = array<i64: 256, 1>}, {transform_indices = @transform_9, window_bounds = array<i64: 256, 1024>}]} {
    %get3A = arith.constant 0 : index
    %get3A_0 = arith.constant 0 : index
    %get3A_1 = vector.load %arg1[%get3A, %get3A_0] : memref<256x1024xf32, #tpu.memory_space<vmem>>, vector<256x1024xf32>
    %convert_element_type3A = arith.truncf %get3A_1 : vector<256x1024xf32> to vector<256x1024xbf16>
    %get3A_2 = arith.constant 0 : index
    %get3A_3 = arith.constant 0 : index
    %get3A_4 = vector.load %arg2[%get3A_2, %get3A_3] : memref<1024x2048xbf16, #tpu.memory_space<vmem>>, vector<1024x2048xbf16>
    %dot_general3A = arith.constant dense<0.000000e+00> : vector<256x2048xf32>
    %dot_general3A_5 = tpu.matmul %convert_element_type3A, %get3A_4, %dot_general3A {dimension_numbers = #tpu.dot_dimension_numbers<[1], [0], [0], [1], [0, 0, 1, 1], [], []>, transpose_lhs_hint = false} : vector<256x1024xbf16>, vector<1024x2048xbf16>, vector<256x2048xf32> -> vector<256x2048xf32>
    %get3A_6 = arith.constant 0 : index
    %get3A_7 = arith.constant 0 : index
    %get3A_8 = vector.load %arg3[%get3A_6, %get3A_7] : memref<1x2048xf32, #tpu.memory_space<vmem>>, vector<1x2048xf32>
    %add3A = vector.broadcast %get3A_8 : vector<1x2048xf32> to vector<256x2048xf32>
    %add3A_9 = arith.addf %dot_general3A_5, %add3A : vector<256x2048xf32>
    %mul3A = arith.constant 5.000000e-01 : f32
    %mul3A_10 = vector.broadcast %mul3A : f32 to vector<256x2048xf32>
    %mul3A_11 = arith.mulf %mul3A_10, %add3A_9 : vector<256x2048xf32>
    %mul3A_12 = arith.constant 0.707106769 : f32
    %mul3A_13 = vector.broadcast %mul3A_12 : f32 to vector<256x2048xf32>
    %mul3A_14 = arith.mulf %add3A_9, %mul3A_13 : vector<256x2048xf32>
    %erf3A = math.erf %mul3A_14 : vector<256x2048xf32>
    %add3A_15 = arith.constant 1.000000e+00 : f32
    %add3A_16 = vector.broadcast %add3A_15 : f32 to vector<256x2048xf32>
    %add3A_17 = arith.addf %add3A_16, %erf3A : vector<256x2048xf32>
    %mul3A_18 = arith.mulf %mul3A_11, %add3A_17 : vector<256x2048xf32>
    %convert_element_type3A_19 = arith.truncf %mul3A_18 : vector<256x2048xf32> to vector<256x2048xbf16>
    %get3A_20 = arith.constant 0 : index
    %get3A_21 = arith.constant 0 : index
    %get3A_22 = vector.load %arg4[%get3A_20, %get3A_21] : memref<2048x1024xbf16, #tpu.memory_space<vmem>>, vector<2048x1024xbf16>
    %dot_general3A_23 = arith.constant dense<0.000000e+00> : vector<256x1024xf32>
    %dot_general3A_24 = tpu.matmul %convert_element_type3A_19, %get3A_22, %dot_general3A_23 {dimension_numbers = #tpu.dot_dimension_numbers<[1], [0], [0], [1], [0, 0, 1, 1], [], []>, transpose_lhs_hint = false} : vector<256x2048xbf16>, vector<2048x1024xbf16>, vector<256x1024xf32> -> vector<256x1024xf32>
    %get3A_25 = arith.constant 0 : index
    %get3A_26 = arith.constant 0 : index
    %get3A_27 = vector.load %arg5[%get3A_25, %get3A_26] : memref<1x1024xf32, #tpu.memory_space<vmem>>, vector<1x1024xf32>
    %add3A_28 = vector.broadcast %get3A_27 : vector<1x1024xf32> to vector<256x1024xf32>
    %add3A_29 = arith.addf %dot_general3A_24, %add3A_28 : vector<256x1024xf32>
    %get3A_30 = arith.constant 0 : index
    %get3A_31 = arith.constant 0 : index
    %get3A_32 = vector.load %arg8[%get3A_30, %get3A_31] : memref<256x1xf32, #tpu.memory_space<vmem>>, vector<256x1xf32>
    %get3A_33 = arith.constant 0 : index
    %get3A_34 = arith.constant 0 : index
    %get3A_35 = vector.load %arg6[%get3A_33, %get3A_34] : memref<256x1024xf32, #tpu.memory_space<vmem>>, vector<256x1024xf32>
    %mul3A_36 = vector.broadcast %get3A_32 : vector<256x1xf32> to vector<256x1024xf32>
    %mul3A_37 = arith.mulf %mul3A_36, %get3A_35 : vector<256x1024xf32>
    %add3A_38 = arith.addf %add3A_29, %mul3A_37 : vector<256x1024xf32>
    %get3A_39 = arith.constant 0 : index
    %get3A_40 = arith.constant 0 : index
    %get3A_41 = vector.load %arg9[%get3A_39, %get3A_40] : memref<256x1xf32, #tpu.memory_space<vmem>>, vector<256x1xf32>
    %get3A_42 = arith.constant 0 : index
    %get3A_43 = arith.constant 0 : index
    %get3A_44 = vector.load %arg7[%get3A_42, %get3A_43] : memref<256x1024xf32, #tpu.memory_space<vmem>>, vector<256x1024xf32>
    %mul3A_45 = vector.broadcast %get3A_41 : vector<256x1xf32> to vector<256x1024xf32>
    %mul3A_46 = arith.mulf %mul3A_45, %get3A_44 : vector<256x1024xf32>
    %add3A_47 = arith.addf %add3A_38, %mul3A_46 : vector<256x1024xf32>
    %swap3A = arith.constant 0 : index
    %swap3A_48 = arith.constant 0 : index
    %swap3A_49 = vector.load %arg10[%swap3A, %swap3A_48] : memref<256x1024xf32, #tpu.memory_space<vmem>>, vector<256x1024xf32>
    tpu.vector_store %arg10[%swap3A, %swap3A_48], %add3A_47 {strides = array<i32>} : memref<256x1024xf32, #tpu.memory_space<vmem>>, vector<256x1024xf32>,
    return
  }
  func.func @transform_0(%arg0: i32) -> (i32, i32) {
    %c0_i32 = arith.constant 0 : i32
    %c0_i32_0 = arith.constant 0 : i32
    return %arg0, %c0_i32 : i32, i32
  }
  func.func @transform_1(%arg0: i32) -> (i32, i32) {
    %c0_i32 = arith.constant 0 : i32
    %c0_i32_0 = arith.constant 0 : i32
    %c0_i32_1 = arith.constant 0 : i32
    return %c0_i32, %c0_i32_0 : i32, i32
  }
  func.func @transform_2(%arg0: i32) -> (i32, i32) {
    %c0_i32 = arith.constant 0 : i32
    %c0_i32_0 = arith.constant 0 : i32
    %c0_i32_1 = arith.constant 0 : i32
    return %c0_i32, %c0_i32_0 : i32, i32
  }
  func.func @transform_3(%arg0: i32) -> (i32, i32) {
    %c0_i32 = arith.constant 0 : i32
    %c0_i32_0 = arith.constant 0 : i32
    %c0_i32_1 = arith.constant 0 : i32
    return %c0_i32, %c0_i32_0 : i32, i32
  }
  func.func @transform_4(%arg0: i32) -> (i32, i32) {
    %c0_i32 = arith.constant 0 : i32
    %c0_i32_0 = arith.constant 0 : i32
    %c0_i32_1 = arith.constant 0 : i32
    return %c0_i32, %c0_i32_0 : i32, i32
  }
  func.func @transform_5(%arg0: i32) -> (i32, i32) {
    %c0_i32 = arith.constant 0 : i32
    %c0_i32_0 = arith.constant 0 : i32
    return %arg0, %c0_i32 : i32, i32
  }
  func.func @transform_6(%arg0: i32) -> (i32, i32) {
    %c0_i32 = arith.constant 0 : i32
    %c0_i32_0 = arith.constant 0 : i32
    return %arg0, %c0_i32 : i32, i32
  }
  func.func @transform_7(%arg0: i32) -> (i32, i32) {
    %c0_i32 = arith.constant 0 : i32
    %c0_i32_0 = arith.constant 0 : i32
    return %arg0, %c0_i32 : i32, i32
  }
  func.func @transform_8(%arg0: i32) -> (i32, i32) {
    %c0_i32 = arith.constant 0 : i32
    %c0_i32_0 = arith.constant 0 : i32
    return %arg0, %c0_i32 : i32, i32
  }
  func.func @transform_9(%arg0: i32) -> (i32, i32) {
    %c0_i32 = arith.constant 0 : i32
    %c0_i32_0 = arith.constant 0 : i32
    return %arg0, %c0_i32 : i32, i32
  }
}

</mosaic_0001>

<sc_bundles>
// kernel: kernel.10.cloned.1.call-start
scs
__scs_entry_jumppad:
0x0: {  	(pc) =	sbr.rel $0x88, $3  }
0x1: {  	(tag) =	ssettag $0x0;
	lr =	simm.s32 $0x1  }
0x2: {  	[smem:$0x3F96] =	sst lr;
	_ =	strace $0xD0000000  }
0x3: {  	_ = 	snop  }
0x4: {  	_ = 	snop  }
0x5: {  	_ = 	snop  }
0x6: {  	_ = 	snop  }
0x7: {  	_ = 	snop  }
__scs_overlays_trampoline_lowered:
0x8: {  	[smem:$0x3FA5] =	sst s0  }
0x9: {  	[smem:$0x3FA6] =	sst s1  }
0xa: {  	[smem:$0x3FA7] =	sst s2  }
0xb: {  	[smem:$0x3FA8] =	sst s3  }
0xc: {  	[smem:$0x3FA9] =	sst s4  }
0xd: {  	[smem:$0x3FAA] =	sst s5  }
0xe: {  	[smem:$0x3FAB] =	sst s6  }
0xf: {  	[smem:$0x3FAC] =	sst s7  }
0x10: {  	[smem:$0x3FAD] =	sst s8  }
0x11: {  	[smem:$0x3FAE] =	sst s9;
	s0 =	simm.s32 @!p0 $0x0  }
0x12: {  	s1 =	sld [smem:$0x3F94];
	s0 =	simm.s32 @p0 $0x1  }
0x13: {  	[smem:$0x3FAF] =	sst s0;
	s0 =	simm.s32 @!p1 $0x0  }
0x14: {  	s2 =	sld [smem:$0x3F93];
	s0 =	simm.s32 @p1 $0x1  }
0x15: {  	[smem:$0x3FB0] =	sst s0;
	s0 =	simm.s32 @!p2 $0x0  }
0x16: {  	s3 =	sld [smem:$0x3FDB];
	s0 =	simm.s32 @p2 $0x1  }
0x17: {  	s4 =	simm.s32 $0x1BF5;
	[smem:$0x3FB2] =	sst s0  }
0x18: {  	s0 =	sld [smem:$0x3F95];
	_ =	swait.ge [sflag:s4], $0x0  }
0x19: {  	s7 =	sld [smem:$0x3F96]  }
0x1a: {  	s8 =	sadd.s32 $0xFFFFE003, lr  }
0x1b: {  	s9 =	sadd.s32 $0xFFFFFEF7, lr;
	s5 =	simm.s32 $0xFFFFFFFF;
	p2 =	slt.u32 s8, $0xFFFFF086  }
0x1c: {  	p1 =	slt.u32 s9, $0xF7A;
	s5 =	simm.s32 @!p2 $0x0  }
0x1d: {  	s5 =	simm.s32 @p1 $0x1;
	p0 =	seq.s32 s7, s2  }
0x1e: {  	s7 =	smul.u32 @!p0 $0xF7A, s2;
	p2 =	seq.s32 @!p0 s5, $0x0  }
0x1f: {  	s9 =	smul.u32 $0xF7A, s1;
	s8 =	simm.s32 @!p0 $0x1BF5;
	p2 =	por !p2, p0  }
0x20: {  	[sflag:s8] =	ssyncset.s32 @!p0 $0xFFFFF086;
	s6 =	sadd.s32 @!p0 s3, s7;
	s7 =	simm.s32 @!p0 $0x108  }
0x21: {  	s3 =	sadd.s32 s3, s9;
	s6 =	sadd.s32 @!p0 $0x88, s6;
	s7 =	simm.s32 @p2 $0x1082  }
0x22: {  	[simem:s7], [sflag:s8] =	dma.local @!p0 [hbm:s6], $0xF7A  }
0x23: {  	s9 =	sor.u32 $0xD0000000, s2;
	s6 =	simm.s32 $0x108;
	_ =	swait.ge @!p0 [sflag:s8], $0x0  }
0x24: {  	s3 =	sadd.s32 $0x88, s3;
	s6 =	simm.s32 @!p1 $0x1082;
	[sflag:s4] =	ssyncset.s32 $0xFFFFF086  }
0x25: {  	[simem:s6], [sflag:s4] =	dma.local [hbm:s3], $0xF7A  }
0x26: {  	[smem:$0x3F96] =	sst s1;
	(tag) =	ssettag s2;
	_ =	strace s9  }
0x27: {  	s1 =	sld [smem:$0x3FA6]  }
0x28: {  	s2 =	sld [smem:$0x3FA7]  }
0x29: {  	s4 =	sld [smem:$0x3FA9]  }
0x2a: {  	p0 =	seq.s32 s5, $0x0;
	s5 =	sld [smem:$0x3FAA]  }
0x2b: {  	s6 =	sld [smem:$0x3FAB]  }
0x2c: {  	s7 =	sld [smem:$0x3FAC]  }
0x2d: {  	s3 =	simm.s32 $0x108;
	s8 =	sld [smem:$0x3FAD]  }
0x2e: {  	s3 =	simm.s32 @!p0 $0x1082;
	s9 =	sld [smem:$0x3FAE]  }
0x2f: {  	lr =	sadd.s32 s0, s3;
	s0 =	sld [smem:$0x3FA5]  }
0x30: {  	s3 =	sld [smem:$0x3FA8]  }
0x31: {  	[smem:$0x3FB1] =	sst s10  }
0x32: {  	s10 =	sld [smem:$0x3FAF];
	_ =	sdelay $0x3  }
0x33: {  	p0 =	seq.s32 s10, $0x1;
	s10 =	sld [smem:$0x3FB1];
	_ =	sdelay $0x3  }
0x34: {  	[smem:$0x3FB1] =	sst s10  }
0x35: {  	s10 =	sld [smem:$0x3FB0];
	_ =	sdelay $0x3  }
0x36: {  	p1 =	seq.s32 s10, $0x1;
	s10 =	sld [smem:$0x3FB1];
	_ =	sdelay $0x3  }
0x37: {  	[smem:$0x3FB1] =	sst s10  }
0x38: {  	s10 =	sld [smem:$0x3FB2]  }
0x39: {  	_ = 	snop;
	(pc) =	sbr.ind lr, $3  }
0x3a: {  	_ = 	snop  }
0x3b: {  	_ = 	snop  }
0x3c: {  	p2 =	seq.s32 s10, $0x1;
	s10 =	sld [smem:$0x3FB1]  }
0x3d: {  	_ =	shalt  }
0x3e: {  	_ =	shalt  }
0x3f: {  	_ =	shalt  }
0x40: {  	_ =	shalt  }
0x41: {  	_ =	shalt  }
0x42: {  	_ =	shalt  }
0x43: {  	_ =	shalt  }
0x44: {  	_ =	shalt  }
0x45: {  	_ =	shalt  }
0x46: {  	_ =	shalt  }
0x47: {  	_ =	shalt  }
0x48: {  	_ =	shalt  }
0x49: {  	_ =	shalt  }
0x4a: {  	_ =	shalt  }
0x4b: {  	_ =	shalt  }
0x4c: {  	_ =	shalt  }
0x4d: {  	_ =	shalt  }
0x4e: {  	_ =	shalt  }
0x4f: {  	_ =	shalt  }
0x50: {  	_ =	shalt  }
0x51: {  	_ =	shalt  }
0x52: {  	_ =	shalt  }
0x53: {  	_ =	shalt  }
0x54: {  	_ =	shalt  }
0x55: {  	_ =	shalt  }
0x56: {  	_ =	shalt  }
0x57: {  	_ =	shalt  }
0x58: {  	_ =	shalt  }
0x59: {  	_ =	shalt  }
0x5a: {  	_ =	shalt  }
0x5b: {  	_ =	shalt  }
0x5c: {  	_ =	shalt  }
0x5d: {  	_ =	shalt  }
0x5e: {  	_ =	shalt  }
0x5f: {  	_ =	shalt  }
0x60: {  	_ =	shalt  }
0x61: {  	_ =	shalt  }
0x62: {  	_ =	shalt  }
0x63: {  	_ =	shalt  }
0x64: {  	_ =	shalt  }
0x65: {  	_ =	shalt  }
0x66: {  	_ =	shalt  }
0x67: {  	_ =	shalt  }
0x68: {  	_ =	shalt  }
0x69: {  	_ =	shalt  }
0x6a: {  	_ =	shalt  }
0x6b: {  	_ =	shalt  }
0x6c: {  	_ =	shalt  }
0x6d: {  	_ =	shalt  }
0x6e: {  	_ =	shalt  }
0x6f: {  	_ =	shalt  }
0x70: {  	_ =	shalt  }
0x71: {  	_ =	shalt  }
0x72: {  	_ =	shalt  }
0x73: {  	_ =	shalt  }
0x74: {  	_ =	shalt  }
0x75: {  	_ =	shalt  }
0x76: {  	_ =	shalt  }
0x77: {  	_ =	shalt  }
0x78: {  	_ =	shalt  }
0x79: {  	_ =	shalt  }
0x7a: {  	_ =	shalt  }
0x7b: {  	_ =	shalt  }
0x7c: {  	_ =	shalt  }
0x7d: {  	_ =	shalt  }
0x7e: {  	_ =	shalt  }
0x7f: {  	_ =	shalt  }
0x80: {  	_ =	shalt  }
0x81: {  	_ =	shalt  }
0x82: {  	_ =	shalt  }
0x83: {  	_ =	shalt  }
0x84: {  	_ =	shalt  }
0x85: {  	_ =	shalt  }
0x86: {  	_ =	shalt  }
0x87: {  	_ =	shalt  }
.Lfunc_end0:
.L_simem_size_0:
called_computation.1_lowered:
.L_overlay_start_0:
0x88: {  	s2 =	sld [smem:$0x3FD9]  }
0x89: {  	s3 =	sld [smem:$0x3FFE];
	_ =	sdelay $0x1  }
0x8a: {  	s1 =	srdreg.scid  }
0x8b: {  	s0 =	sand.u32 $0x1, s1  }
0x8c: {  	s17 =	sshll.u32 s0, $0xA;
	s2 =	sadd.s32 s3, s2  }
0x8d: {  	s2 =	sadd.s32 s2, s17  }
0x8e: {  	[smem:$0x3FBD] =	sst s2  }
0x8f: {  	_ = 	snop  }
0x90: {  	s2 =	sld [smem:$0x3FD0];
	(tm) =	ssettm $0x1  }
0x91: {  	s18 =	sld [smem:$0x3FFB];
	_ =	sdelay $0x3  }
0x92: {  	_ =	strace s18  }
0x93: {  	s3 =	sld [smem:$0x3FFC];
	_ =	sdelay $0x3  }
0x94: {  	_ =	strace s3  }
0x95: {  	s3 =	sld [smem:$0x3FFD];
	_ =	sdelay $0x3  }
0x96: {  	_ =	strace s3  }
0x97: {  	_ =	strace $0x8FFFFFFF  }
0x98: {  	s19 =	sld [smem:$0x3FDB];
	_ =	sdelay $0x1  }
0x99: {  	s4 =	simm.s32 $_scs_section_size  }
0x9a: {  	s5 =	simm.s32 $_size__tile_overlayer_lowered;
	s6 =	simm.s32 $_tile_overlayer_lowered  }
0x9b: {  	s22 =	simm.s32 $0x1BFF;
	s21 =	sshll.u32 s6, $0x1;
	s3 =	sadd.s32 s4, s19  }
0x9c: {  	s7 =	simm.s32 $0x0;
	s20 =	sshll.u32 s5, $0x1;
	s5 =	sadd.s32 s21, s3  }
0x9d: {  	[timem:s7], [sflag:s22] =	dma.local [hbm:s5], s20  }
0x9e: {  	_ =	swait.ge [sflag:s22], s20  }
0x9f: {  	s4 =	ssub.s32 $0x0, s20;
	[sflag:s22] =	ssyncset.done $0x0  }
0xa0: {  	[sflag:s22] =	ssyncadd.s32 s4;
	_ =	sdelay $0x1  }
0xa1: {  	s23 =	simm.s32 $0x1B8B  }
0xa2: {  	_ =	swait.ge [sflag:s23], $0x1  }
0xa3: {  	[sflag:s23] =	ssyncset.done $0x0  }
0xa4: {  	s25 =	simm.s32 $0x1B8E;
	s24 =	sld [smem:$0x3FFE];
	[sflag:s23] =	ssyncadd.s32 $0xFFFFFFFF  }
0xa5: {  	s26 =	simm.s32 $execute0_lowered;
	[smem:$0x3FD2] =	sst s25  }
0xa6: {  	s5 =	sshll.u32 s26, $0x1;
	_ =	strace $0x80000049;
	[dreg:$0x1] =	wrdreg $0xFFFFFFFF  }
0xa7: {  	s28 =	simm.s32 $_size_execute0_lowered;
	s3 =	sadd.s32 s3, s5;
	[dreg:$0x0] =	wrdreg $0x0  }
0xa8: {  	s5 =	sshll.u32 s28, $0x1;
	[dreg:$0x2] =	wrdreg s3  }
0xa9: {  	[dreg:$0x3] =	wrdreg s5  }
0xaa: {  	[dreg:$0x4] =	wrdreg $0xC0  }
0xab: {  	_ =	task [dreg:s7], $0x5FFFF  }
0xac: {  	[dreg:$0x1] =	wrdreg $0xFFFFFFFF  }
0xad: {  	[dreg:$0x0] =	wrdreg $0x60  }
0xae: {  	[dreg:$0x2] =	wrdreg s24  }
0xaf: {  	[dreg:$0x3] =	wrdreg s2  }
0xb0: {  	[dreg:$0x4] =	wrdreg $0x9  }
0xb1: {  	_ =	task.clear_ibuf [dreg:s7], $0x5FFFF;
	_ =	strace $0x90000049  }
0xb2: {  	s29 =	simm.s32 $0x9;
	_ =	strace $0x8000004B  }
0xb3: {  	_ =	swait.ge [sflag:s29], $0x1  }
0xb4: {  	[sflag:s29] =	ssyncadd.s32 $0xFFFFFFFF  }
0xb5: {  	_ =	strace $0x9000004B  }
0xb6: {  	_ =	sfence  }
0xb7: {  	s30 =	sld [smem:$0x0];
	_ =	sdelay $0x2  }
0xb8: {  	s31 =	sshll.u32 s1, $0xD;
	s1 =	sshrl.u32 s1, $0x2  }
0xb9: {  	s3 =	sand.u32 $0x4000, s31;
	s1 =	sadd.s32 s1, s30  }
0xba: {  	s0 =	sor.u32 s3, s0;
	s1 =	sshll.u32 s1, $0x11  }
0xbb: {  	s0 =	sor.u32 s1, s0  }
0xbc: {  	s0 =	sadd.s32 $0x8F2B, s0  }
0xbd: {  	[sflag:s0] =	ssyncadd.remote.s32 $0x1  }
0xbe: {  	_ =	sfence.sel $0xFFFF  }
0xbf: {  	[dreg:$0x0] =	wrdreg $0xFFFFFFFF;
	(pc) =	sbr.abs _section_cstart, $3  }
0xc0: {  	[dreg:$0x1] =	wrdreg $0xFFFFFFFF  }
0xc1: {  	_ =	task.clear_ibuf [dreg:s7], $0x2FFFF;
	_ =	strace $0x9FFFFFFF  }
0xc2: {  	(tm) =	ssettm $0x7FFFFFFF  }
0xc3: {  	_ =	shalt  }
tec
execute0_lowered:
.L_overlay_start_1:
0x0: {  	(tag) =	ssettag $0x1  }
0x1: {  	s1 =	srdreg.scid;
	s2 =	stileid.u32  }
0x2: {  	s0 =	rddreg [dreg:$0x0];
	s1 =	sand.u32 $0x1, s1;
	s4 =	sshll.u32 s2, $0x1  }
0x3: {  	s3 =	rddreg [dreg:$0x1];
	s2 =	simm.s32 $0x0;
	s4 =	sor.u32 s1, s4  }
0x4: {  	s16 =	sadd.s32 $0x3800, s0;
	s7 =	sadd.s32 $0x83800, s0;
	s6 =	sshll.u32 s4, $0xE  }
0x5: {  	[smem:$0x7FF] =	sst s2;
	s5 =	sshll.u32 s4, $0x7;
	s4 =	sadd.s32 s16, s6  }
0x6: {  	_ =	strace $0x8000004A;
	s17 =	sadd.s32 s7, s6;
	[dreg:$0x4] =	wrdreg s4  }
0x7: {  	s10 =	sadd.s32 s3, s5;
	[dreg:$0x5] =	wrdreg s17  }
0x8: {  	s28 =	simm.s32 $0x8000;
	s5 =	sadd.s32 $0x10, s10;
	[dreg:$0x12] =	wrdreg s10  }
0x9: {  	s1 =	ssub.s32 $0x2, s1;
	s18 =	sadd.s32 $0x20, s10;
	[dreg:$0x3] =	wrdreg s5  }
0xa: {  	s20 =	sor.u32 $0x1000, s6;
	s19 =	sadd.s32 $0x30, s10;
	[dreg:$0x6] =	wrdreg s18  }
0xb: {  	s9 =	sshrl.u32 s1, $0x1;
	s21 =	sadd.s32 s16, s20;
	[dreg:$0x7] =	wrdreg s19  }
0xc: {  	s8 =	sor.u32 $0x2000, s6;
	s22 =	sadd.s32 $0x40, s10;
	[dreg:$0x8] =	wrdreg s21  }
0xd: {  	s1 =	ssub.s32 s1, s9;
	s23 =	sadd.s32 $0x50, s10;
	[dreg:$0xa] =	wrdreg s22  }
0xe: {  	s30 =	sor.u32 $0x3000, s6;
	s24 =	sadd.s32 s16, s8;
	[dreg:$0xb] =	wrdreg s23  }
0xf: {  	s6 =	sadd.s32 $0x343A00, s0;
	s25 =	sadd.s32 s7, s8;
	[dreg:$0xc] =	wrdreg s24  }
0x10: {  	s4 =	sadd.s32 $0x343800, s0;
	s26 =	sadd.s32 $0x60, s10;
	[dreg:$0xd] =	wrdreg s25  }
0x11: {  	s29 =	sadd.s32 $0x70, s10;
	s3 =	sadd.s32 s16, s30;
	[dreg:$0xe] =	wrdreg s26  }
0x12: {  	s31 =	sadd.s32 s7, s30;
	s8 =	smax.u32 s1, $0x1;
	[dreg:$0xf] =	wrdreg s29  }
0x13: {  	v2 =	vlaneseq.u32;
	s10 =	simm.s32 $0x3;
	s5 =	sadd.s32 s7, s20;
	[dreg:$0x10] =	wrdreg s3  }
0x14: {  	vm0 =	vmmov $0xffff;
	v1 =	vshrl.u32 v2, $0x3;
	s7 =	sadd.s32 $0x343B00, s0;
	[dreg:$0x11] =	wrdreg s31;
	s19 =	simm.s32 $0x1  }
0x15: {  	v0 =	vand.u32 $0x7, v2;
	v2 =	vor.u32 $0x8, v2;
	v1 =	vmul.u32 $0x8, v1;
	s20 =	simm.s32 $0x2;
	[dreg:$0x9] =	wrdreg s5;
	s5 =	sadd.s32 $0x343900, s0  }
.LBB2_1:
0x16: {  	s21 =	rddreg [dreg:$0x12];
	s0 =	simm.s32 $0x10000  }
0x17: {  	[tilespmem:s0], [sflag:$0x3] =	stream.linear.gather [hbm4b:s21+s2], $0x80, $0x38;
	[tilespmem:$0x10100] =	vst v63  }
0x18: {  	_ =	swait.ge [sflag:s10], $0x80  }
0x19: {  	[sflag:s10] =	ssyncset.done $0x0  }
0x1a: {  	s30 =	simm.s32 $0x10080;
	s29 =	rddreg [dreg:$0x3];
	[sflag:s10] =	ssyncadd.s32 $0xFFFFFF80  }
0x1b: {  	[tilespmem:s30], [sflag:$0x3] =	stream.linear.gather [hbm4b:s29+s2], $0x80, $0x38;
	[tilespmem:$0x10100] =	vst v63  }
0x1c: {  	_ =	swait.ge [sflag:s10], $0x80  }
0x1d: {  	[sflag:s10] =	ssyncset.done $0x0  }
0x1e: {  	[sflag:s10] =	ssyncadd.s32 $0xFFFFFF80  }
0x1f: {  	v3 =	vld [tilespmem:$0x10000];
	_ =	sdelay $0x4  }
0x20: {  	v4 =	vshll.u32 v3, $0x3  }
0x21: {  	v3 =	vand.u32 $0x7, v3;
	v4 =	vand.u32 $0xFFFFFFC0, v4  }
0x22: {  	v3 =	vor.u32 v3, v4  }
0x23: {  	v4 =	vperm.xlane v3, v0;
	_ =	sdelay $0x1  }
0x24: {  	v4 =	vadd.s32 v1, v4;
	_ =	sdelay $0x4  }
0x25: {  	[tilespmem:s2], [sflag:$0x1] =	stream.indirect_vreg.gather [hbm4b:s4+s2], $0x80, v4, vm0, $0xb8;
	[tilespmem:$0x10100] =	vst v63  }
0x26: {  	s31 =	simm.s32 $0x800;
	v3 =	vperm.xlane v3, v2  }
0x27: {  	[tilespmem:s31], [sflag:$0x1] =	stream.indirect_vreg.gather [hbm4b:s5+s2], $0x80, v4, vm0, $0xb8;
	[tilespmem:$0x10100] =	vst v63  }
0x28: {  	s1 =	simm.s32 $0x1000;
	v3 =	vadd.s32 v1, v3  }
0x29: {  	[tilespmem:s1], [sflag:$0x1] =	stream.indirect_vreg.gather [hbm4b:s6+s2], $0x80, v4, vm0, $0xb8;
	[tilespmem:$0x10100] =	vst v63  }
0x2a: {  	s3 =	simm.s32 $0x1800  }
0x2b: {  	[tilespmem:s3], [sflag:$0x1] =	stream.indirect_vreg.gather [hbm4b:s7+s2], $0x80, v4, vm0, $0xb8;
	[tilespmem:$0x10100] =	vst v63  }
0x2c: {  	s9 =	simm.s32 $0x2000  }
0x2d: {  	[tilespmem:s9], [sflag:$0x1] =	stream.indirect_vreg.gather [hbm4b:s4+s2], $0x80, v3, vm0, $0xb8;
	[tilespmem:$0x10100] =	vst v63  }
0x2e: {  	s11 =	simm.s32 $0x2800  }
0x2f: {  	[tilespmem:s11], [sflag:$0x1] =	stream.indirect_vreg.gather [hbm4b:s5+s2], $0x80, v3, vm0, $0xb8;
	[tilespmem:$0x10100] =	vst v63  }
0x30: {  	s12 =	simm.s32 $0x3000  }
0x31: {  	[tilespmem:s12], [sflag:$0x1] =	stream.indirect_vreg.gather [hbm4b:s6+s2], $0x80, v3, vm0, $0xb8;
	[tilespmem:$0x10100] =	vst v63  }
0x32: {  	s13 =	simm.s32 $0x3800  }
0x33: {  	[tilespmem:s13], [sflag:$0x1] =	stream.indirect_vreg.gather [hbm4b:s7+s2], $0x80, v3, vm0, $0xb8;
	[tilespmem:$0x10100] =	vst v63  }
0x34: {  	v3 =	vld [tilespmem:$0x10010];
	_ =	sdelay $0x4  }
0x35: {  	v49 =	vshll.u32 v3, $0x3  }
0x36: {  	v3 =	vand.u32 $0x7, v3;
	v4 =	vand.u32 $0xFFFFFFC0, v49  }
0x37: {  	v3 =	vor.u32 v3, v4  }
0x38: {  	v4 =	vperm.xlane v3, v0;
	_ =	sdelay $0x1  }
0x39: {  	v4 =	vadd.s32 v1, v4;
	_ =	sdelay $0x3  }
0x3a: {  	s17 =	simm.s32 $0x4000  }
0x3b: {  	[tilespmem:s17], [sflag:$0x1] =	stream.indirect_vreg.gather [hbm4b:s4+s2], $0x80, v4, vm0, $0xb8;
	[tilespmem:$0x10100] =	vst v63  }
0x3c: {  	s18 =	simm.s32 $0x4800;
	v3 =	vperm.xlane v3, v2  }
0x3d: {  	[tilespmem:s18], [sflag:$0x1] =	stream.indirect_vreg.gather [hbm4b:s5+s2], $0x80, v4, vm0, $0xb8;
	[tilespmem:$0x10100] =	vst v63  }
0x3e: {  	s21 =	simm.s32 $0x5000;
	v3 =	vadd.s32 v1, v3  }
0x3f: {  	[tilespmem:s21], [sflag:$0x1] =	stream.indirect_vreg.gather [hbm4b:s6+s2], $0x80, v4, vm0, $0xb8;
	[tilespmem:$0x10100] =	vst v63  }
0x40: {  	s22 =	simm.s32 $0x5800  }
0x41: {  	[tilespmem:s22], [sflag:$0x1] =	stream.indirect_vreg.gather [hbm4b:s7+s2], $0x80, v4, vm0, $0xb8;
	[tilespmem:$0x10100] =	vst v63  }
0x42: {  	s23 =	simm.s32 $0x6000  }
0x43: {  	[tilespmem:s23], [sflag:$0x1] =	stream.indirect_vreg.gather [hbm4b:s4+s2], $0x80, v3, vm0, $0xb8;
	[tilespmem:$0x10100] =	vst v63  }
0x44: {  	s24 =	simm.s32 $0x6800  }
0x45: {  	[tilespmem:s24], [sflag:$0x1] =	stream.indirect_vreg.gather [hbm4b:s5+s2], $0x80, v3, vm0, $0xb8;
	[tilespmem:$0x10100] =	vst v63  }
0x46: {  	s25 =	simm.s32 $0x7000  }
0x47: {  	[tilespmem:s25], [sflag:$0x1] =	stream.indirect_vreg.gather [hbm4b:s6+s2], $0x80, v3, vm0, $0xb8;
	[tilespmem:$0x10100] =	vst v63  }
0x48: {  	s26 =	simm.s32 $0x7800  }
0x49: {  	[tilespmem:s26], [sflag:$0x1] =	stream.indirect_vreg.gather [hbm4b:s7+s2], $0x80, v3, vm0, $0xb8;
	[tilespmem:$0x10100] =	vst v63  }
0x4a: {  	v3 =	vld [tilespmem:$0x10080];
	_ =	sdelay $0x4  }
0x4b: {  	v50 =	vshll.u32 v3, $0x3  }
0x4c: {  	v3 =	vand.u32 $0x7, v3;
	v4 =	vand.u32 $0xFFFFFFC0, v50  }
0x4d: {  	v3 =	vor.u32 v3, v4  }
0x4e: {  	v4 =	vperm.xlane v3, v0;
	_ =	sdelay $0x1  }
0x4f: {  	v4 =	vadd.s32 v1, v4;
	_ =	sdelay $0x4  }
0x50: {  	[tilespmem:s28], [sflag:$0x2] =	stream.indirect_vreg.gather [hbm4b:s4+s2], $0x80, v4, vm0, $0xb8;
	[tilespmem:$0x10100] =	vst v63  }
0x51: {  	s29 =	simm.s32 $0x8800;
	v3 =	vperm.xlane v3, v2  }
0x52: {  	[tilespmem:s29], [sflag:$0x2] =	stream.indirect_vreg.gather [hbm4b:s5+s2], $0x80, v4, vm0, $0xb8;
	[tilespmem:$0x10100] =	vst v63  }
0x53: {  	s30 =	simm.s32 $0x9000;
	v3 =	vadd.s32 v1, v3  }
0x54: {  	[tilespmem:s30], [sflag:$0x2] =	stream.indirect_vreg.gather [hbm4b:s6+s2], $0x80, v4, vm0, $0xb8;
	[tilespmem:$0x10100] =	vst v63  }
0x55: {  	s31 =	simm.s32 $0x9800  }
0x56: {  	[tilespmem:s31], [sflag:$0x2] =	stream.indirect_vreg.gather [hbm4b:s7+s2], $0x80, v4, vm0, $0xb8;
	[tilespmem:$0x10100] =	vst v63  }
0x57: {  	s17 =	simm.s32 $0xA000  }
0x58: {  	[tilespmem:s17], [sflag:$0x2] =	stream.indirect_vreg.gather [hbm4b:s4+s2], $0x80, v3, vm0, $0xb8;
	[tilespmem:$0x10100] =	vst v63  }
0x59: {  	s18 =	simm.s32 $0xA800  }
0x5a: {  	[tilespmem:s18], [sflag:$0x2] =	stream.indirect_vreg.gather [hbm4b:s5+s2], $0x80, v3, vm0, $0xb8;
	[tilespmem:$0x10100] =	vst v63  }
0x5b: {  	s22 =	simm.s32 $0xB000  }
0x5c: {  	[tilespmem:s22], [sflag:$0x2] =	stream.indirect_vreg.gather [hbm4b:s6+s2], $0x80, v3, vm0, $0xb8;
	[tilespmem:$0x10100] =	vst v63  }
0x5d: {  	s23 =	simm.s32 $0xB800  }
0x5e: {  	[tilespmem:s23], [sflag:$0x2] =	stream.indirect_vreg.gather [hbm4b:s7+s2], $0x80, v3, vm0, $0xb8;
	[tilespmem:$0x10100] =	vst v63  }
0x5f: {  	v3 =	vld [tilespmem:$0x10090];
	_ =	sdelay $0x4  }
0x60: {  	v51 =	vshll.u32 v3, $0x3  }
0x61: {  	v3 =	vand.u32 $0x7, v3;
	v4 =	vand.u32 $0xFFFFFFC0, v51  }
0x62: {  	v3 =	vor.u32 v3, v4  }
0x63: {  	v4 =	vperm.xlane v3, v0;
	_ =	sdelay $0x1  }
0x64: {  	v4 =	vadd.s32 v1, v4;
	_ =	sdelay $0x3  }
0x65: {  	s25 =	simm.s32 $0xC000  }
0x66: {  	[tilespmem:s25], [sflag:$0x2] =	stream.indirect_vreg.gather [hbm4b:s4+s2], $0x80, v4, vm0, $0xb8;
	[tilespmem:$0x10100] =	vst v63  }
0x67: {  	s31 =	simm.s32 $0xC800;
	v3 =	vperm.xlane v3, v2  }
0x68: {  	[tilespmem:s31], [sflag:$0x2] =	stream.indirect_vreg.gather [hbm4b:s5+s2], $0x80, v4, vm0, $0xb8;
	[tilespmem:$0x10100] =	vst v63  }
0x69: {  	s0 =	simm.s32 $0xD000;
	v3 =	vadd.s32 v1, v3  }
0x6a: {  	[tilespmem:s0], [sflag:$0x2] =	stream.indirect_vreg.gather [hbm4b:s6+s2], $0x80, v4, vm0, $0xb8;
	[tilespmem:$0x10100] =	vst v63  }
0x6b: {  	s23 =	simm.s32 $0xD800  }
0x6c: {  	[tilespmem:s23], [sflag:$0x2] =	stream.indirect_vreg.gather [hbm4b:s7+s2], $0x80, v4, vm0, $0xb8;
	[tilespmem:$0x10100] =	vst v63  }
0x6d: {  	s25 =	simm.s32 $0xE000  }
0x6e: {  	[tilespmem:s25], [sflag:$0x2] =	stream.indirect_vreg.gather [hbm4b:s4+s2], $0x80, v3, vm0, $0xb8;
	[tilespmem:$0x10100] =	vst v63  }
0x6f: {  	s31 =	simm.s32 $0xE800  }
0x70: {  	[tilespmem:s31], [sflag:$0x2] =	stream.indirect_vreg.gather [hbm4b:s5+s2], $0x80, v3, vm0, $0xb8;
	[tilespmem:$0x10100] =	vst v63  }
0x71: {  	s0 =	simm.s32 $0xF000  }
0x72: {  	[tilespmem:s0], [sflag:$0x2] =	stream.indirect_vreg.gather [hbm4b:s6+s2], $0x80, v3, vm0, $0xb8;
	[tilespmem:$0x10100] =	vst v63  }
0x73: {  	s23 =	simm.s32 $0xF800  }
0x74: {  	[tilespmem:s23], [sflag:$0x2] =	stream.indirect_vreg.gather [hbm4b:s7+s2], $0x80, v3, vm0, $0xb8;
	[tilespmem:$0x10100] =	vst v63  }
0x75: {  	_ =	swait.ge [sflag:s19], $0x8000  }
0x76: {  	[sflag:s19] =	ssyncset.done $0x0  }
0x77: {  	[sflag:s19] =	ssyncadd.s32 $0xFFFF8000  }
0x78: {  	_ =	swait.ge [sflag:s20], $0x8000  }
0x79: {  	[sflag:s20] =	ssyncset.done $0x0  }
0x7a: {  	s25 =	rddreg [dreg:$0x4];
	[sflag:s20] =	ssyncadd.s32 $0xFFFF8000  }
0x7b: {  	[hbm4b:s25+s2] =	stream.linear.scatter [tilespmem:s2], [sflag:$0x3], $0x8000, $0x38;
	[tilespmem:$0x10100] =	vst v63  }
0x7c: {  	_ =	swait.ge [sflag:s10], $0x8000  }
0x7d: {  	[sflag:s10] =	ssyncset.done $0x0  }
0x7e: {  	s31 =	rddreg [dreg:$0x5];
	[sflag:s10] =	ssyncadd.s32 $0xFFFF8000  }
0x7f: {  	[hbm4b:s31+s2] =	stream.linear.scatter [tilespmem:s28], [sflag:$0x3], $0x8000, $0x38;
	[tilespmem:$0x10100] =	vst v63  }
0x80: {  	_ =	swait.ge [sflag:s10], $0x8000  }
0x81: {  	[sflag:s10] =	ssyncset.done $0x0  }
0x82: {  	s16 =	simm.s32 $0x10000;
	s0 =	rddreg [dreg:$0x6];
	[sflag:s10] =	ssyncadd.s32 $0xFFFF8000  }
0x83: {  	[tilespmem:s16], [sflag:$0x3] =	stream.linear.gather [hbm4b:s0+s2], $0x80, $0x38;
	[tilespmem:$0x10100] =	vst v63  }
0x84: {  	_ =	swait.ge [sflag:s10], $0x80  }
0x85: {  	[sflag:s10] =	ssyncset.done $0x0  }
0x86: {  	s14 =	simm.s32 $0x10080;
	s16 =	rddreg [dreg:$0x7];
	[sflag:s10] =	ssyncadd.s32 $0xFFFFFF80  }
0x87: {  	[tilespmem:s14], [sflag:$0x3] =	stream.linear.gather [hbm4b:s16+s2], $0x80, $0x38;
	[tilespmem:$0x10100] =	vst v63  }
0x88: {  	_ =	swait.ge [sflag:s10], $0x80  }
0x89: {  	[sflag:s10] =	ssyncset.done $0x0  }
0x8a: {  	[sflag:s10] =	ssyncadd.s32 $0xFFFFFF80  }
0x8b: {  	v3 =	vld [tilespmem:$0x10000];
	_ =	sdelay $0x4  }
0x8c: {  	v52 =	vshll.u32 v3, $0x3  }
0x8d: {  	v3 =	vand.u32 $0x7, v3;
	v4 =	vand.u32 $0xFFFFFFC0, v52  }
0x8e: {  	v3 =	vor.u32 v3, v4  }
0x8f: {  	v4 =	vperm.xlane v3, v0;
	_ =	sdelay $0x1  }
0x90: {  	v4 =	vadd.s32 v1, v4;
	_ =	sdelay $0x4  }
0x91: {  	[tilespmem:s2], [sflag:$0x1] =	stream.indirect_vreg.gather [hbm4b:s4+s2], $0x80, v4, vm0, $0xb8;
	[tilespmem:$0x10100] =	vst v63  }
0x92: {  	s15 =	simm.s32 $0x800;
	v3 =	vperm.xlane v3, v2  }
0x93: {  	[tilespmem:s15], [sflag:$0x1] =	stream.indirect_vreg.gather [hbm4b:s5+s2], $0x80, v4, vm0, $0xb8;
	[tilespmem:$0x10100] =	vst v63  }
0x94: {  	s1 =	simm.s32 $0x1000;
	v3 =	vadd.s32 v1, v3  }
0x95: {  	[tilespmem:s1], [sflag:$0x1] =	stream.indirect_vreg.gather [hbm4b:s6+s2], $0x80, v4, vm0, $0xb8;
	[tilespmem:$0x10100] =	vst v63  }
0x96: {  	s3 =	simm.s32 $0x1800  }
0x97: {  	[tilespmem:s3], [sflag:$0x1] =	stream.indirect_vreg.gather [hbm4b:s7+s2], $0x80, v4, vm0, $0xb8;
	[tilespmem:$0x10100] =	vst v63  }
0x98: {  	s9 =	simm.s32 $0x2000  }
0x99: {  	[tilespmem:s9], [sflag:$0x1] =	stream.indirect_vreg.gather [hbm4b:s4+s2], $0x80, v3, vm0, $0xb8;
	[tilespmem:$0x10100] =	vst v63  }
0x9a: {  	s11 =	simm.s32 $0x2800  }
0x9b: {  	[tilespmem:s11], [sflag:$0x1] =	stream.indirect_vreg.gather [hbm4b:s5+s2], $0x80, v3, vm0, $0xb8;
	[tilespmem:$0x10100] =	vst v63  }
0x9c: {  	s12 =	simm.s32 $0x3000  }
0x9d: {  	[tilespmem:s12], [sflag:$0x1] =	stream.indirect_vreg.gather [hbm4b:s6+s2], $0x80, v3, vm0, $0xb8;
	[tilespmem:$0x10100] =	vst v63  }
0x9e: {  	s13 =	simm.s32 $0x3800  }
0x9f: {  	[tilespmem:s13], [sflag:$0x1] =	stream.indirect_vreg.gather [hbm4b:s7+s2], $0x80, v3, vm0, $0xb8;
	[tilespmem:$0x10100] =	vst v63  }
0xa0: {  	v3 =	vld [tilespmem:$0x10010];
	_ =	sdelay $0x4  }
0xa1: {  	v53 =	vshll.u32 v3, $0x3  }
0xa2: {  	v3 =	vand.u32 $0x7, v3;
	v4 =	vand.u32 $0xFFFFFFC0, v53  }
0xa3: {  	v3 =	vor.u32 v3, v4  }
0xa4: {  	v4 =	vperm.xlane v3, v0;
	_ =	sdelay $0x1  }
0xa5: {  	v4 =	vadd.s32 v1, v4;
	_ =	sdelay $0x3  }
0xa6: {  	s13 =	simm.s32 $0x4000  }
0xa7: {  	[tilespmem:s13], [sflag:$0x1] =	stream.indirect_vreg.gather [hbm4b:s4+s2], $0x80, v4, vm0, $0xb8;
	[tilespmem:$0x10100] =	vst v63  }
0xa8: {  	s14 =	simm.s32 $0x4800;
	v3 =	vperm.xlane v3, v2  }
0xa9: {  	[tilespmem:s14], [sflag:$0x1] =	stream.indirect_vreg.gather [hbm4b:s5+s2], $0x80, v4, vm0, $0xb8;
	[tilespmem:$0x10100] =	vst v63  }
0xaa: {  	s0 =	simm.s32 $0x5000;
	v3 =	vadd.s32 v1, v3  }
0xab: {  	[tilespmem:s0], [sflag:$0x1] =	stream.indirect_vreg.gather [hbm4b:s6+s2], $0x80, v4, vm0, $0xb8;
	[tilespmem:$0x10100] =	vst v63  }
0xac: {  	s1 =	simm.s32 $0x5800  }
0xad: {  	[tilespmem:s1], [sflag:$0x1] =	stream.indirect_vreg.gather [hbm4b:s7+s2], $0x80, v4, vm0, $0xb8;
	[tilespmem:$0x10100] =	vst v63  }
0xae: {  	s3 =	simm.s32 $0x6000  }
0xaf: {  	[tilespmem:s3], [sflag:$0x1] =	stream.indirect_vreg.gather [hbm4b:s4+s2], $0x80, v3, vm0, $0xb8;
	[tilespmem:$0x10100] =	vst v63  }
0xb0: {  	s9 =	simm.s32 $0x6800  }
0xb1: {  	[tilespmem:s9], [sflag:$0x1] =	stream.indirect_vreg.gather [hbm4b:s5+s2], $0x80, v3, vm0, $0xb8;
	[tilespmem:$0x10100] =	vst v63  }
0xb2: {  	s11 =	simm.s32 $0x7000  }
0xb3: {  	[tilespmem:s11], [sflag:$0x1] =	stream.indirect_vreg.gather [hbm4b:s6+s2], $0x80, v3, vm0, $0xb8;
	[tilespmem:$0x10100] =	vst v63  }
0xb4: {  	s15 =	simm.s32 $0x7800  }
0xb5: {  	[tilespmem:s15], [sflag:$0x1] =	stream.indirect_vreg.gather [hbm4b:s7+s2], $0x80, v3, vm0, $0xb8;
	[tilespmem:$0x10100] =	vst v63  }
0xb6: {  	v3 =	vld [tilespmem:$0x10080];
	_ =	sdelay $0x4  }
0xb7: {  	v54 =	vshll.u32 v3, $0x3  }
0xb8: {  	v3 =	vand.u32 $0x7, v3;
	v4 =	vand.u32 $0xFFFFFFC0, v54  }
0xb9: {  	v3 =	vor.u32 v3, v4  }
0xba: {  	v4 =	vperm.xlane v3, v0;
	_ =	sdelay $0x1  }
0xbb: {  	v4 =	vadd.s32 v1, v4;
	_ =	sdelay $0x4  }
0xbc: {  	[tilespmem:s28], [sflag:$0x2] =	stream.indirect_vreg.gather [hbm4b:s4+s2], $0x80, v4, vm0, $0xb8;
	[tilespmem:$0x10100] =	vst v63  }
0xbd: {  	s16 =	simm.s32 $0x8800;
	v3 =	vperm.xlane v3, v2  }
0xbe: {  	[tilespmem:s16], [sflag:$0x2] =	stream.indirect_vreg.gather [hbm4b:s5+s2], $0x80, v4, vm0, $0xb8;
	[tilespmem:$0x10100] =	vst v63  }
0xbf: {  	s12 =	simm.s32 $0x9000;
	v3 =	vadd.s32 v1, v3  }
0xc0: {  	[tilespmem:s12], [sflag:$0x2] =	stream.indirect_vreg.gather [hbm4b:s6+s2], $0x80, v4, vm0, $0xb8;
	[tilespmem:$0x10100] =	vst v63  }
0xc1: {  	s24 =	simm.s32 $0x9800  }
0xc2: {  	[tilespmem:s24], [sflag:$0x2] =	stream.indirect_vreg.gather [hbm4b:s7+s2], $0x80, v4, vm0, $0xb8;
	[tilespmem:$0x10100] =	vst v63  }
0xc3: {  	s29 =	simm.s32 $0xA000  }
0xc4: {  	[tilespmem:s29], [sflag:$0x2] =	stream.indirect_vreg.gather [hbm4b:s4+s2], $0x80, v3, vm0, $0xb8;
	[tilespmem:$0x10100] =	vst v63  }
0xc5: {  	s30 =	simm.s32 $0xA800  }
0xc6: {  	[tilespmem:s30], [sflag:$0x2] =	stream.indirect_vreg.gather [hbm4b:s5+s2], $0x80, v3, vm0, $0xb8;
	[tilespmem:$0x10100] =	vst v63  }
0xc7: {  	s26 =	simm.s32 $0xB000  }
0xc8: {  	[tilespmem:s26], [sflag:$0x2] =	stream.indirect_vreg.gather [hbm4b:s6+s2], $0x80, v3, vm0, $0xb8;
	[tilespmem:$0x10100] =	vst v63  }
0xc9: {  	s17 =	simm.s32 $0xB800  }
0xca: {  	[tilespmem:s17], [sflag:$0x2] =	stream.indirect_vreg.gather [hbm4b:s7+s2], $0x80, v3, vm0, $0xb8;
	[tilespmem:$0x10100] =	vst v63  }
0xcb: {  	v3 =	vld [tilespmem:$0x10090];
	_ =	sdelay $0x4  }
0xcc: {  	v55 =	vshll.u32 v3, $0x3  }
0xcd: {  	v3 =	vand.u32 $0x7, v3;
	v4 =	vand.u32 $0xFFFFFFC0, v55  }
0xce: {  	v3 =	vor.u32 v3, v4  }
0xcf: {  	v4 =	vperm.xlane v3, v0;
	_ =	sdelay $0x1  }
0xd0: {  	v4 =	vadd.s32 v1, v4;
	_ =	sdelay $0x3  }
0xd1: {  	s18 =	simm.s32 $0xC000  }
0xd2: {  	[tilespmem:s18], [sflag:$0x2] =	stream.indirect_vreg.gather [hbm4b:s4+s2], $0x80, v4, vm0, $0xb8;
	[tilespmem:$0x10100] =	vst v63  }
0xd3: {  	s22 =	simm.s32 $0xC800;
	v3 =	vperm.xlane v3, v2  }
0xd4: {  	[tilespmem:s22], [sflag:$0x2] =	stream.indirect_vreg.gather [hbm4b:s5+s2], $0x80, v4, vm0, $0xb8;
	[tilespmem:$0x10100] =	vst v63  }
0xd5: {  	v3 =	vadd.s32 v1, v3;
	s18 =	simm.s32 $0xD000  }
0xd6: {  	[tilespmem:s18], [sflag:$0x2] =	stream.indirect_vreg.gather [hbm4b:s6+s2], $0x80, v4, vm0, $0xb8;
	[tilespmem:$0x10100] =	vst v63  }
0xd7: {  	s21 =	simm.s32 $0xD800  }
0xd8: {  	[tilespmem:s21], [sflag:$0x2] =	stream.indirect_vreg.gather [hbm4b:s7+s2], $0x80, v4, vm0, $0xb8;
	[tilespmem:$0x10100] =	vst v63  }
0xd9: {  	s22 =	simm.s32 $0xE000  }
0xda: {  	[tilespmem:s22], [sflag:$0x2] =	stream.indirect_vreg.gather [hbm4b:s4+s2], $0x80, v3, vm0, $0xb8;
	[tilespmem:$0x10100] =	vst v63  }
0xdb: {  	s29 =	simm.s32 $0xE800  }
0xdc: {  	[tilespmem:s29], [sflag:$0x2] =	stream.indirect_vreg.gather [hbm4b:s5+s2], $0x80, v3, vm0, $0xb8;
	[tilespmem:$0x10100] =	vst v63  }
0xdd: {  	s21 =	simm.s32 $0xF000  }
0xde: {  	[tilespmem:s21], [sflag:$0x2] =	stream.indirect_vreg.gather [hbm4b:s6+s2], $0x80, v3, vm0, $0xb8;
	[tilespmem:$0x10100] =	vst v63  }
0xdf: {  	s23 =	simm.s32 $0xF800  }
0xe0: {  	[tilespmem:s23], [sflag:$0x2] =	stream.indirect_vreg.gather [hbm4b:s7+s2], $0x80, v3, vm0, $0xb8;
	[tilespmem:$0x10100] =	vst v63  }
0xe1: {  	_ =	swait.ge [sflag:s19], $0x8000  }
0xe2: {  	[sflag:s19] =	ssyncset.done $0x0  }
0xe3: {  	[sflag:s19] =	ssyncadd.s32 $0xFFFF8000  }
0xe4: {  	_ =	swait.ge [sflag:s20], $0x8000  }
0xe5: {  	[sflag:s20] =	ssyncset.done $0x0  }
0xe6: {  	s23 =	rddreg [dreg:$0x8];
	[sflag:s20] =	ssyncadd.s32 $0xFFFF8000  }
0xe7: {  	[hbm4b:s23+s2] =	stream.linear.scatter [tilespmem:s2], [sflag:$0x3], $0x8000, $0x38;
	[tilespmem:$0x10100] =	vst v63  }
0xe8: {  	_ =	swait.ge [sflag:s10], $0x8000  }
0xe9: {  	[sflag:s10] =	ssyncset.done $0x0  }
0xea: {  	s23 =	rddreg [dreg:$0x9];
	[sflag:s10] =	ssyncadd.s32 $0xFFFF8000  }
0xeb: {  	[hbm4b:s23+s2] =	stream.linear.scatter [tilespmem:s28], [sflag:$0x3], $0x8000, $0x38;
	[tilespmem:$0x10100] =	vst v63  }
0xec: {  	_ =	swait.ge [sflag:s10], $0x8000  }
0xed: {  	[sflag:s10] =	ssyncset.done $0x0  }
0xee: {  	s23 =	simm.s32 $0x10000;
	s21 =	rddreg [dreg:$0xa];
	[sflag:s10] =	ssyncadd.s32 $0xFFFF8000  }
0xef: {  	[tilespmem:s23], [sflag:$0x3] =	stream.linear.gather [hbm4b:s21+s2], $0x80, $0x38;
	[tilespmem:$0x10100] =	vst v63  }
0xf0: {  	_ =	swait.ge [sflag:s10], $0x80  }
0xf1: {  	[sflag:s10] =	ssyncset.done $0x0  }
0xf2: {  	s23 =	simm.s32 $0x10080;
	s21 =	rddreg [dreg:$0xb];
	[sflag:s10] =	ssyncadd.s32 $0xFFFFFF80  }
0xf3: {  	[tilespmem:s23], [sflag:$0x3] =	stream.linear.gather [hbm4b:s21+s2], $0x80, $0x38;
	[tilespmem:$0x10100] =	vst v63  }
0xf4: {  	_ =	swait.ge [sflag:s10], $0x80  }
0xf5: {  	[sflag:s10] =	ssyncset.done $0x0  }
0xf6: {  	[sflag:s10] =	ssyncadd.s32 $0xFFFFFF80  }
0xf7: {  	v3 =	vld [tilespmem:$0x10000];
	_ =	sdelay $0x4  }
0xf8: {  	v56 =	vshll.u32 v3, $0x3  }
0xf9: {  	v3 =	vand.u32 $0x7, v3;
	v4 =	vand.u32 $0xFFFFFFC0, v56  }
0xfa: {  	v3 =	vor.u32 v3, v4  }
0xfb: {  	v4 =	vperm.xlane v3, v0;
	_ =	sdelay $0x1  }
0xfc: {  	v4 =	vadd.s32 v1, v4;
	_ =	sdelay $0x4  }
0xfd: {  	[tilespmem:s2], [sflag:$0x1] =	stream.indirect_vreg.gather [hbm4b:s4+s2], $0x80, v4, vm0, $0xb8;
	[tilespmem:$0x10100] =	vst v63  }
0xfe: {  	s23 =	simm.s32 $0x800;
	v3 =	vperm.xlane v3, v2  }
0xff: {  	[tilespmem:s23], [sflag:$0x1] =	stream.indirect_vreg.gather [hbm4b:s5+s2], $0x80, v4, vm0, $0xb8;
	[tilespmem:$0x10100] =	vst v63  }
0x100: {  	v3 =	vadd.s32 v1, v3;
	s23 =	simm.s32 $0x1000  }
0x101: {  	[tilespmem:s23], [sflag:$0x1] =	stream.indirect_vreg.gather [hbm4b:s6+s2], $0x80, v4, vm0, $0xb8;
	[tilespmem:$0x10100] =	vst v63  }
0x102: {  	s23 =	simm.s32 $0x1800  }
0x103: {  	[tilespmem:s23], [sflag:$0x1] =	stream.indirect_vreg.gather [hbm4b:s7+s2], $0x80, v4, vm0, $0xb8;
	[tilespmem:$0x10100] =	vst v63  }
0x104: {  	s23 =	simm.s32 $0x2000  }
0x105: {  	[tilespmem:s23], [sflag:$0x1] =	stream.indirect_vreg.gather [hbm4b:s4+s2], $0x80, v3, vm0, $0xb8;
	[tilespmem:$0x10100] =	vst v63  }
0x106: {  	s23 =	simm.s32 $0x2800  }
0x107: {  	[tilespmem:s23], [sflag:$0x1] =	stream.indirect_vreg.gather [hbm4b:s5+s2], $0x80, v3, vm0, $0xb8;
	[tilespmem:$0x10100] =	vst v63  }
0x108: {  	s23 =	simm.s32 $0x3000  }
0x109: {  	[tilespmem:s23], [sflag:$0x1] =	stream.indirect_vreg.gather [hbm4b:s6+s2], $0x80, v3, vm0, $0xb8;
	[tilespmem:$0x10100] =	vst v63  }
0x10a: {  	s23 =	simm.s32 $0x3800  }
0x10b: {  	[tilespmem:s23], [sflag:$0x1] =	stream.indirect_vreg.gather [hbm4b:s7+s2], $0x80, v3, vm0, $0xb8;
	[tilespmem:$0x10100] =	vst v63  }
0x10c: {  	v3 =	vld [tilespmem:$0x10010];
	_ =	sdelay $0x4  }
0x10d: {  	v57 =	vshll.u32 v3, $0x3  }
0x10e: {  	v3 =	vand.u32 $0x7, v3;
	v4 =	vand.u32 $0xFFFFFFC0, v57  }
0x10f: {  	v3 =	vor.u32 v3, v4  }
0x110: {  	v4 =	vperm.xlane v3, v0;
	_ =	sdelay $0x1  }
0x111: {  	v4 =	vadd.s32 v1, v4;
	_ =	sdelay $0x4  }
0x112: {  	[tilespmem:s13], [sflag:$0x1] =	stream.indirect_vreg.gather [hbm4b:s4+s2], $0x80, v4, vm0, $0xb8;
	[tilespmem:$0x10100] =	vst v63  }
0x113: {  	v3 =	vperm.xlane v3, v2  }
0x114: {  	[tilespmem:s14], [sflag:$0x1] =	stream.indirect_vreg.gather [hbm4b:s5+s2], $0x80, v4, vm0, $0xb8;
	[tilespmem:$0x10100] =	vst v63  }
0x115: {  	v3 =	vadd.s32 v1, v3  }
0x116: {  	[tilespmem:s0], [sflag:$0x1] =	stream.indirect_vreg.gather [hbm4b:s6+s2], $0x80, v4, vm0, $0xb8;
	[tilespmem:$0x10100] =	vst v63  }
0x117: {  	_ = 	snop  }
0x118: {  	[tilespmem:s1], [sflag:$0x1] =	stream.indirect_vreg.gather [hbm4b:s7+s2], $0x80, v4, vm0, $0xb8;
	[tilespmem:$0x10100] =	vst v63  }
0x119: {  	_ = 	snop  }
0x11a: {  	[tilespmem:s3], [sflag:$0x1] =	stream.indirect_vreg.gather [hbm4b:s4+s2], $0x80, v3, vm0, $0xb8;
	[tilespmem:$0x10100] =	vst v63  }
0x11b: {  	_ = 	snop  }
0x11c: {  	[tilespmem:s9], [sflag:$0x1] =	stream.indirect_vreg.gather [hbm4b:s5+s2], $0x80, v3, vm0, $0xb8;
	[tilespmem:$0x10100] =	vst v63  }
0x11d: {  	_ = 	snop  }
0x11e: {  	[tilespmem:s11], [sflag:$0x1] =	stream.indirect_vreg.gather [hbm4b:s6+s2], $0x80, v3, vm0, $0xb8;
	[tilespmem:$0x10100] =	vst v63  }
0x11f: {  	_ = 	snop  }
0x120: {  	[tilespmem:s15], [sflag:$0x1] =	stream.indirect_vreg.gather [hbm4b:s7+s2], $0x80, v3, vm0, $0xb8;
	[tilespmem:$0x10100] =	vst v63  }
0x121: {  	v3 =	vld [tilespmem:$0x10080];
	_ =	sdelay $0x4  }
0x122: {  	v58 =	vshll.u32 v3, $0x3  }
0x123: {  	v3 =	vand.u32 $0x7, v3;
	v4 =	vand.u32 $0xFFFFFFC0, v58  }
0x124: {  	v3 =	vor.u32 v3, v4  }
0x125: {  	v4 =	vperm.xlane v3, v0;
	_ =	sdelay $0x1  }
0x126: {  	v4 =	vadd.s32 v1, v4;
	_ =	sdelay $0x4  }
0x127: {  	[tilespmem:s28], [sflag:$0x2] =	stream.indirect_vreg.gather [hbm4b:s4+s2], $0x80, v4, vm0, $0xb8;
	[tilespmem:$0x10100] =	vst v63  }
0x128: {  	v3 =	vperm.xlane v3, v2  }
0x129: {  	[tilespmem:s16], [sflag:$0x2] =	stream.indirect_vreg.gather [hbm4b:s5+s2], $0x80, v4, vm0, $0xb8;
	[tilespmem:$0x10100] =	vst v63  }
0x12a: {  	v3 =	vadd.s32 v1, v3  }
0x12b: {  	[tilespmem:s12], [sflag:$0x2] =	stream.indirect_vreg.gather [hbm4b:s6+s2], $0x80, v4, vm0, $0xb8;
	[tilespmem:$0x10100] =	vst v63  }
0x12c: {  	s31 =	simm.s32 $0x9800  }
0x12d: {  	[tilespmem:s31], [sflag:$0x2] =	stream.indirect_vreg.gather [hbm4b:s7+s2], $0x80, v4, vm0, $0xb8;
	[tilespmem:$0x10100] =	vst v63  }
0x12e: {  	s24 =	simm.s32 $0xA000  }
0x12f: {  	[tilespmem:s24], [sflag:$0x2] =	stream.indirect_vreg.gather [hbm4b:s4+s2], $0x80, v3, vm0, $0xb8;
	[tilespmem:$0x10100] =	vst v63  }
0x130: {  	s25 =	simm.s32 $0xA800  }
0x131: {  	[tilespmem:s25], [sflag:$0x2] =	stream.indirect_vreg.gather [hbm4b:s5+s2], $0x80, v3, vm0, $0xb8;
	[tilespmem:$0x10100] =	vst v63  }
0x132: {  	s26 =	simm.s32 $0xB000  }
0x133: {  	[tilespmem:s26], [sflag:$0x2] =	stream.indirect_vreg.gather [hbm4b:s6+s2], $0x80, v3, vm0, $0xb8;
	[tilespmem:$0x10100] =	vst v63  }
0x134: {  	s0 =	simm.s32 $0xB800  }
0x135: {  	[tilespmem:s0], [sflag:$0x2] =	stream.indirect_vreg.gather [hbm4b:s7+s2], $0x80, v3, vm0, $0xb8;
	[tilespmem:$0x10100] =	vst v63  }
0x136: {  	v3 =	vld [tilespmem:$0x10090];
	_ =	sdelay $0x4  }
0x137: {  	v59 =	vshll.u32 v3, $0x3  }
0x138: {  	v3 =	vand.u32 $0x7, v3;
	v4 =	vand.u32 $0xFFFFFFC0, v59  }
0x139: {  	v3 =	vor.u32 v3, v4  }
0x13a: {  	v4 =	vperm.xlane v3, v0;
	_ =	sdelay $0x1  }
0x13b: {  	v4 =	vadd.s32 v1, v4;
	_ =	sdelay $0x3  }
0x13c: {  	s26 =	simm.s32 $0xC000  }
0x13d: {  	[tilespmem:s26], [sflag:$0x2] =	stream.indirect_vreg.gather [hbm4b:s4+s2], $0x80, v4, vm0, $0xb8;
	[tilespmem:$0x10100] =	vst v63  }
0x13e: {  	s0 =	simm.s32 $0xC800;
	v3 =	vperm.xlane v3, v2  }
0x13f: {  	[tilespmem:s0], [sflag:$0x2] =	stream.indirect_vreg.gather [hbm4b:s5+s2], $0x80, v4, vm0, $0xb8;
	[tilespmem:$0x10100] =	vst v63  }
0x140: {  	s30 =	simm.s32 $0xD000;
	v3 =	vadd.s32 v1, v3  }
0x141: {  	[tilespmem:s30], [sflag:$0x2] =	stream.indirect_vreg.gather [hbm4b:s6+s2], $0x80, v4, vm0, $0xb8;
	[tilespmem:$0x10100] =	vst v63  }
0x142: {  	s18 =	simm.s32 $0xD800  }
0x143: {  	[tilespmem:s18], [sflag:$0x2] =	stream.indirect_vreg.gather [hbm4b:s7+s2], $0x80, v4, vm0, $0xb8;
	[tilespmem:$0x10100] =	vst v63  }
0x144: {  	s22 =	simm.s32 $0xE000  }
0x145: {  	[tilespmem:s22], [sflag:$0x2] =	stream.indirect_vreg.gather [hbm4b:s4+s2], $0x80, v3, vm0, $0xb8;
	[tilespmem:$0x10100] =	vst v63  }
0x146: {  	s29 =	simm.s32 $0xE800  }
0x147: {  	[tilespmem:s29], [sflag:$0x2] =	stream.indirect_vreg.gather [hbm4b:s5+s2], $0x80, v3, vm0, $0xb8;
	[tilespmem:$0x10100] =	vst v63  }
0x148: {  	s17 =	simm.s32 $0xF000  }
0x149: {  	[tilespmem:s17], [sflag:$0x2] =	stream.indirect_vreg.gather [hbm4b:s6+s2], $0x80, v3, vm0, $0xb8;
	[tilespmem:$0x10100] =	vst v63  }
0x14a: {  	s21 =	simm.s32 $0xF800  }
0x14b: {  	[tilespmem:s21], [sflag:$0x2] =	stream.indirect_vreg.gather [hbm4b:s7+s2], $0x80, v3, vm0, $0xb8;
	[tilespmem:$0x10100] =	vst v63  }
0x14c: {  	_ =	swait.ge [sflag:s19], $0x8000  }
0x14d: {  	[sflag:s19] =	ssyncset.done $0x0  }
0x14e: {  	[sflag:s19] =	ssyncadd.s32 $0xFFFF8000  }
0x14f: {  	_ =	swait.ge [sflag:s20], $0x8000  }
0x150: {  	[sflag:s20] =	ssyncset.done $0x0  }
0x151: {  	s0 =	rddreg [dreg:$0xc];
	[sflag:s20] =	ssyncadd.s32 $0xFFFF8000  }
0x152: {  	[hbm4b:s0+s2] =	stream.linear.scatter [tilespmem:s2], [sflag:$0x3], $0x8000, $0x38;
	[tilespmem:$0x10100] =	vst v63  }
0x153: {  	_ =	swait.ge [sflag:s10], $0x8000  }
0x154: {  	[sflag:s10] =	ssyncset.done $0x0  }
0x155: {  	s0 =	rddreg [dreg:$0xd];
	[sflag:s10] =	ssyncadd.s32 $0xFFFF8000  }
0x156: {  	[hbm4b:s0+s2] =	stream.linear.scatter [tilespmem:s28], [sflag:$0x3], $0x8000, $0x38;
	[tilespmem:$0x10100] =	vst v63  }
0x157: {  	_ =	swait.ge [sflag:s10], $0x8000  }
0x158: {  	[sflag:s10] =	ssyncset.done $0x0  }
0x159: {  	s0 =	simm.s32 $0x10000;
	s21 =	rddreg [dreg:$0xe];
	[sflag:s10] =	ssyncadd.s32 $0xFFFF8000  }
0x15a: {  	[tilespmem:s0], [sflag:$0x3] =	stream.linear.gather [hbm4b:s21+s2], $0x80, $0x38;
	[tilespmem:$0x10100] =	vst v63  }
0x15b: {  	_ =	swait.ge [sflag:s10], $0x80  }
0x15c: {  	[sflag:s10] =	ssyncset.done $0x0  }
0x15d: {  	s0 =	simm.s32 $0x10080;
	s21 =	rddreg [dreg:$0xf];
	[sflag:s10] =	ssyncadd.s32 $0xFFFFFF80  }
0x15e: {  	[tilespmem:s0], [sflag:$0x3] =	stream.linear.gather [hbm4b:s21+s2], $0x80, $0x38;
	[tilespmem:$0x10100] =	vst v63  }
0x15f: {  	_ =	swait.ge [sflag:s10], $0x80  }
0x160: {  	[sflag:s10] =	ssyncset.done $0x0  }
0x161: {  	[sflag:s10] =	ssyncadd.s32 $0xFFFFFF80  }
0x162: {  	v3 =	vld [tilespmem:$0x10000];
	_ =	sdelay $0x4  }
0x163: {  	v60 =	vshll.u32 v3, $0x3  }
0x164: {  	v3 =	vand.u32 $0x7, v3;
	v4 =	vand.u32 $0xFFFFFFC0, v60  }
0x165: {  	v3 =	vor.u32 v3, v4  }
0x166: {  	v4 =	vperm.xlane v3, v0;
	_ =	sdelay $0x1  }
0x167: {  	v4 =	vadd.s32 v1, v4;
	_ =	sdelay $0x4  }
0x168: {  	[tilespmem:s2], [sflag:$0x1] =	stream.indirect_vreg.gather [hbm4b:s4+s2], $0x80, v4, vm0, $0xb8;
	[tilespmem:$0x10100] =	vst v63  }
0x169: {  	s21 =	simm.s32 $0x800;
	v3 =	vperm.xlane v3, v2  }
0x16a: {  	[tilespmem:s21], [sflag:$0x1] =	stream.indirect_vreg.gather [hbm4b:s5+s2], $0x80, v4, vm0, $0xb8;
	[tilespmem:$0x10100] =	vst v63  }
0x16b: {  	s0 =	simm.s32 $0x1000;
	v3 =	vadd.s32 v1, v3  }
0x16c: {  	[tilespmem:s0], [sflag:$0x1] =	stream.indirect_vreg.gather [hbm4b:s6+s2], $0x80, v4, vm0, $0xb8;
	[tilespmem:$0x10100] =	vst v63  }
0x16d: {  	s0 =	simm.s32 $0x1800  }
0x16e: {  	[tilespmem:s0], [sflag:$0x1] =	stream.indirect_vreg.gather [hbm4b:s7+s2], $0x80, v4, vm0, $0xb8;
	[tilespmem:$0x10100] =	vst v63  }
0x16f: {  	s0 =	simm.s32 $0x2000  }
0x170: {  	[tilespmem:s0], [sflag:$0x1] =	stream.indirect_vreg.gather [hbm4b:s4+s2], $0x80, v3, vm0, $0xb8;
	[tilespmem:$0x10100] =	vst v63  }
0x171: {  	s0 =	simm.s32 $0x2800  }
0x172: {  	[tilespmem:s0], [sflag:$0x1] =	stream.indirect_vreg.gather [hbm4b:s5+s2], $0x80, v3, vm0, $0xb8;
	[tilespmem:$0x10100] =	vst v63  }
0x173: {  	s0 =	simm.s32 $0x3000  }
0x174: {  	[tilespmem:s0], [sflag:$0x1] =	stream.indirect_vreg.gather [hbm4b:s6+s2], $0x80, v3, vm0, $0xb8;
	[tilespmem:$0x10100] =	vst v63  }
0x175: {  	s0 =	simm.s32 $0x3800  }
0x176: {  	[tilespmem:s0], [sflag:$0x1] =	stream.indirect_vreg.gather [hbm4b:s7+s2], $0x80, v3, vm0, $0xb8;
	[tilespmem:$0x10100] =	vst v63  }
0x177: {  	v3 =	vld [tilespmem:$0x10010];
	_ =	sdelay $0x4  }
0x178: {  	v61 =	vshll.u32 v3, $0x3  }
0x179: {  	v3 =	vand.u32 $0x7, v3;
	v4 =	vand.u32 $0xFFFFFFC0, v61  }
0x17a: {  	v3 =	vor.u32 v3, v4  }
0x17b: {  	v4 =	vperm.xlane v3, v0;
	_ =	sdelay $0x1  }
0x17c: {  	v4 =	vadd.s32 v1, v4;
	_ =	sdelay $0x3  }
0x17d: {  	s13 =	simm.s32 $0x4000  }
0x17e: {  	[tilespmem:s13], [sflag:$0x1] =	stream.indirect_vreg.gather [hbm4b:s4+s2], $0x80, v4, vm0, $0xb8;
	[tilespmem:$0x10100] =	vst v63  }
0x17f: {  	s14 =	simm.s32 $0x4800;
	v3 =	vperm.xlane v3, v2  }
0x180: {  	[tilespmem:s14], [sflag:$0x1] =	stream.indirect_vreg.gather [hbm4b:s5+s2], $0x80, v4, vm0, $0xb8;
	[tilespmem:$0x10100] =	vst v63  }
0x181: {  	s21 =	simm.s32 $0x5000;
	v3 =	vadd.s32 v1, v3  }
0x182: {  	[tilespmem:s21], [sflag:$0x1] =	stream.indirect_vreg.gather [hbm4b:s6+s2], $0x80, v4, vm0, $0xb8;
	[tilespmem:$0x10100] =	vst v63  }
0x183: {  	s1 =	simm.s32 $0x5800  }
0x184: {  	[tilespmem:s1], [sflag:$0x1] =	stream.indirect_vreg.gather [hbm4b:s7+s2], $0x80, v4, vm0, $0xb8;
	[tilespmem:$0x10100] =	vst v63  }
0x185: {  	s3 =	simm.s32 $0x6000  }
0x186: {  	[tilespmem:s3], [sflag:$0x1] =	stream.indirect_vreg.gather [hbm4b:s4+s2], $0x80, v3, vm0, $0xb8;
	[tilespmem:$0x10100] =	vst v63  }
0x187: {  	s9 =	simm.s32 $0x6800  }
0x188: {  	[tilespmem:s9], [sflag:$0x1] =	stream.indirect_vreg.gather [hbm4b:s5+s2], $0x80, v3, vm0, $0xb8;
	[tilespmem:$0x10100] =	vst v63  }
0x189: {  	s11 =	simm.s32 $0x7000  }
0x18a: {  	[tilespmem:s11], [sflag:$0x1] =	stream.indirect_vreg.gather [hbm4b:s6+s2], $0x80, v3, vm0, $0xb8;
	[tilespmem:$0x10100] =	vst v63  }
0x18b: {  	s15 =	simm.s32 $0x7800  }
0x18c: {  	[tilespmem:s15], [sflag:$0x1] =	stream.indirect_vreg.gather [hbm4b:s7+s2], $0x80, v3, vm0, $0xb8;
	[tilespmem:$0x10100] =	vst v63  }
0x18d: {  	v3 =	vld [tilespmem:$0x10080];
	_ =	sdelay $0x4  }
0x18e: {  	v62 =	vshll.u32 v3, $0x3  }
0x18f: {  	v3 =	vand.u32 $0x7, v3;
	v4 =	vand.u32 $0xFFFFFFC0, v62  }
0x190: {  	v3 =	vor.u32 v3, v4  }
0x191: {  	v4 =	vperm.xlane v3, v0;
	_ =	sdelay $0x1  }
0x192: {  	v4 =	vadd.s32 v1, v4;
	_ =	sdelay $0x4  }
0x193: {  	[tilespmem:s28], [sflag:$0x2] =	stream.indirect_vreg.gather [hbm4b:s4+s2], $0x80, v4, vm0, $0xb8;
	[tilespmem:$0x10100] =	vst v63  }
0x194: {  	s16 =	simm.s32 $0x8800;
	v3 =	vperm.xlane v3, v2  }
0x195: {  	[tilespmem:s16], [sflag:$0x2] =	stream.indirect_vreg.gather [hbm4b:s5+s2], $0x80, v4, vm0, $0xb8;
	[tilespmem:$0x10100] =	vst v63  }
0x196: {  	s12 =	simm.s32 $0x9000;
	v3 =	vadd.s32 v1, v3  }
0x197: {  	[tilespmem:s12], [sflag:$0x2] =	stream.indirect_vreg.gather [hbm4b:s6+s2], $0x80, v4, vm0, $0xb8;
	[tilespmem:$0x10100] =	vst v63  }
0x198: {  	s31 =	simm.s32 $0x9800  }
0x199: {  	[tilespmem:s31], [sflag:$0x2] =	stream.indirect_vreg.gather [hbm4b:s7+s2], $0x80, v4, vm0, $0xb8;
	[tilespmem:$0x10100] =	vst v63  }
0x19a: {  	s23 =	simm.s32 $0xA000  }
0x19b: {  	[tilespmem:s23], [sflag:$0x2] =	stream.indirect_vreg.gather [hbm4b:s4+s2], $0x80, v3, vm0, $0xb8;
	[tilespmem:$0x10100] =	vst v63  }
0x19c: {  	s24 =	simm.s32 $0xA800  }
0x19d: {  	[tilespmem:s24], [sflag:$0x2] =	stream.indirect_vreg.gather [hbm4b:s5+s2], $0x80, v3, vm0, $0xb8;
	[tilespmem:$0x10100] =	vst v63  }
0x19e: {  	s25 =	simm.s32 $0xB000  }
0x19f: {  	[tilespmem:s25], [sflag:$0x2] =	stream.indirect_vreg.gather [hbm4b:s6+s2], $0x80, v3, vm0, $0xb8;
	[tilespmem:$0x10100] =	vst v63  }
0x1a0: {  	s23 =	simm.s32 $0xB800  }
0x1a1: {  	[tilespmem:s23], [sflag:$0x2] =	stream.indirect_vreg.gather [hbm4b:s7+s2], $0x80, v3, vm0, $0xb8;
	[tilespmem:$0x10100] =	vst v63  }
0x1a2: {  	v3 =	vld [tilespmem:$0x10090];
	_ =	sdelay $0x4  }
0x1a3: {  	v63 =	vshll.u32 v3, $0x3  }
0x1a4: {  	v3 =	vand.u32 $0x7, v3;
	v4 =	vand.u32 $0xFFFFFFC0, v63  }
0x1a5: {  	v3 =	vor.u32 v3, v4  }
0x1a6: {  	v4 =	vperm.xlane v3, v0;
	_ =	sdelay $0x1  }
0x1a7: {  	v4 =	vadd.s32 v1, v4;
	_ =	sdelay $0x3  }
0x1a8: {  	s24 =	simm.s32 $0xC000  }
0x1a9: {  	[tilespmem:s24], [sflag:$0x2] =	stream.indirect_vreg.gather [hbm4b:s4+s2], $0x80, v4, vm0, $0xb8;
	[tilespmem:$0x10100] =	vst v63  }
0x1aa: {  	s25 =	simm.s32 $0xC800;
	v3 =	vperm.xlane v3, v2  }
0x1ab: {  	[tilespmem:s25], [sflag:$0x2] =	stream.indirect_vreg.gather [hbm4b:s5+s2], $0x80, v4, vm0, $0xb8;
	[tilespmem:$0x10100] =	vst v63  }
0x1ac: {  	s30 =	simm.s32 $0xD000;
	v3 =	vadd.s32 v1, v3  }
0x1ad: {  	[tilespmem:s30], [sflag:$0x2] =	stream.indirect_vreg.gather [hbm4b:s6+s2], $0x80, v4, vm0, $0xb8;
	[tilespmem:$0x10100] =	vst v63  }
0x1ae: {  	s18 =	simm.s32 $0xD800  }
0x1af: {  	[tilespmem:s18], [sflag:$0x2] =	stream.indirect_vreg.gather [hbm4b:s7+s2], $0x80, v4, vm0, $0xb8;
	[tilespmem:$0x10100] =	vst v63  }
0x1b0: {  	s22 =	simm.s32 $0xE000  }
0x1b1: {  	[tilespmem:s22], [sflag:$0x2] =	stream.indirect_vreg.gather [hbm4b:s4+s2], $0x80, v3, vm0, $0xb8;
	[tilespmem:$0x10100] =	vst v63  }
0x1b2: {  	s29 =	simm.s32 $0xE800  }
0x1b3: {  	[tilespmem:s29], [sflag:$0x2] =	stream.indirect_vreg.gather [hbm4b:s5+s2], $0x80, v3, vm0, $0xb8;
	[tilespmem:$0x10100] =	vst v63  }
0x1b4: {  	s26 =	simm.s32 $0xF000  }
0x1b5: {  	[tilespmem:s26], [sflag:$0x2] =	stream.indirect_vreg.gather [hbm4b:s6+s2], $0x80, v3, vm0, $0xb8;
	[tilespmem:$0x10100] =	vst v63  }
0x1b6: {  	s17 =	simm.s32 $0xF800  }
0x1b7: {  	[tilespmem:s17], [sflag:$0x2] =	stream.indirect_vreg.gather [hbm4b:s7+s2], $0x80, v3, vm0, $0xb8;
	[tilespmem:$0x10100] =	vst v63  }
0x1b8: {  	_ =	swait.ge [sflag:s19], $0x8000  }
0x1b9: {  	[sflag:s19] =	ssyncset.done $0x0  }
0x1ba: {  	[sflag:s19] =	ssyncadd.s32 $0xFFFF8000  }
0x1bb: {  	_ =	swait.ge [sflag:s20], $0x8000  }
0x1bc: {  	[sflag:s20] =	ssyncset.done $0x0  }
0x1bd: {  	s30 =	rddreg [dreg:$0x10];
	[sflag:s20] =	ssyncadd.s32 $0xFFFF8000  }
0x1be: {  	[hbm4b:s30+s2] =	stream.linear.scatter [tilespmem:s2], [sflag:$0x3], $0x8000, $0x38;
	[tilespmem:$0x10100] =	vst v63  }
0x1bf: {  	_ =	swait.ge [sflag:s10], $0x8000  }
0x1c0: {  	p0 =	sne.s32 s8, $0x1;
	[sflag:s10] =	ssyncset.done $0x0  }
.Ltmp0:
0x1c1: {  	s31 =	rddreg [dreg:$0x11];
	[sflag:s10] =	ssyncadd.s32 $0xFFFF8000;
	(pc) =	sbr.rel @p0 .LBB2_1-.Ltmp0, $4  }
0x1c2: {  	[hbm4b:s31+s2] =	stream.linear.scatter [tilespmem:s28], [sflag:$0x3], $0x8000, $0x38;
	[tilespmem:$0x10100] =	vst v63  }
0x1c3: {  	_ =	swait.ge [sflag:s10], $0x8000  }
0x1c4: {  	[sflag:s10] =	ssyncset.done $0x0  }
0x1c5: {  	s8 =	sadd.s32 $0xFFFFFFFF, s8;
	[sflag:s10] =	ssyncadd.s32 $0xFFFF8000  }
0x1c6: {  	_ =	sfence.sel $0x180000  }
0x1c7: {  	[bflag:$0x0] =	sbarrier.arrive $0xFFFF  }
0x1c8: {  	_ =	strace $0x9000004A  }
0x1c9: {  	s0 =	stileid.u32;
	[bflag:$0x2] =	sbarrier.arrive $0xFFFF  }
0x1ca: {  	p0 =	sne.s32 s0, $0x0;
	s0 =	rddreg [dreg:$0x2]  }
0x1cb: {  	s0 =	sadd.s32 @!p0 $0x100000, s0  }
0x1cc: {  	[sflag:s0] =	ssyncadd.tile.s32 @!p0 $0x1;
	_ =	shalt  }
.Lfunc_end2:
_tile_overlayer_lowered:
.L_overlay_start_2:
0x1cd: {  	(tag) =	ssettag $0x2  }
0x1ce: {  	s0 =	rddreg [dreg:$0x0];
	s2 =	stileid.u32  }
0x1cf: {  	s1 =	rddreg [dreg:$0x1];
	p0 =	sne.s32 s2, $0x0  }
0x1d0: {  	s3 =	rddreg [dreg:$0x2];
	[bflag:$0x3] =	sbarrier.arrive $0xFFFF;
	s2 =	simm.s32 @!p0 $0x1C03  }
0x1d1: {  	[timem:s3], [sflag:s2] =	dma.local @!p0 [hbm:s0], s1  }
0x1d2: {  	s0 =	simm.s32 @!p0 $0x3  }
0x1d3: {  	_ =	swait.ge @!p0 [sflag:s0], s1  }
0x1d4: {  	s1 =	ssub.s32 @!p0 $0x0, s1;
	[sflag:s0] =	ssyncset.done @!p0 $0x0  }
0x1d5: {  	[sflag:s0] =	ssyncadd.s32 @!p0 s1  }
0x1d6: {  	[bflag:$0x3] =	sbarrier.arrive $0xFFFF  }
0x1d7: {  	_ =	shalt  }

// kernel: kernel.7.cloned.1.call-start
scs
__scs_entry_jumppad:
0x0: {  	(pc) =	sbr.rel $0x88, $3  }
0x1: {  	(tag) =	ssettag $0x0;
	lr =	simm.s32 $0x1  }
0x2: {  	[smem:$0x3F96] =	sst lr;
	_ =	strace $0xD0000000  }
0x3: {  	_ = 	snop  }
0x4: {  	_ = 	snop  }
0x5: {  	_ = 	snop  }
0x6: {  	_ = 	snop  }
0x7: {  	_ = 	snop  }
__scs_overlays_trampoline_lowered:
0x8: {  	[smem:$0x3FA5] =	sst s0  }
0x9: {  	[smem:$0x3FA6] =	sst s1  }
0xa: {  	[smem:$0x3FA7] =	sst s2  }
0xb: {  	[smem:$0x3FA8] =	sst s3  }
0xc: {  	[smem:$0x3FA9] =	sst s4  }
0xd: {  	[smem:$0x3FAA] =	sst s5  }
0xe: {  	[smem:$0x3FAB] =	sst s6  }
0xf: {  	[smem:$0x3FAC] =	sst s7  }
0x10: {  	[smem:$0x3FAD] =	sst s8  }
0x11: {  	[smem:$0x3FAE] =	sst s9;
	s0 =	simm.s32 @!p0 $0x0  }
0x12: {  	s1 =	sld [smem:$0x3F94];
	s0 =	simm.s32 @p0 $0x1  }
0x13: {  	[smem:$0x3FAF] =	sst s0;
	s0 =	simm.s32 @!p1 $0x0  }
0x14: {  	s2 =	sld [smem:$0x3F93];
	s0 =	simm.s32 @p1 $0x1  }
0x15: {  	[smem:$0x3FB0] =	sst s0;
	s0 =	simm.s32 @!p2 $0x0  }
0x16: {  	s3 =	sld [smem:$0x3FDB];
	s0 =	simm.s32 @p2 $0x1  }
0x17: {  	s4 =	simm.s32 $0x1BF5;
	[smem:$0x3FB2] =	sst s0  }
0x18: {  	s0 =	sld [smem:$0x3F95];
	_ =	swait.ge [sflag:s4], $0x0  }
0x19: {  	s7 =	sld [smem:$0x3F96]  }
0x1a: {  	s8 =	sadd.s32 $0xFFFFE003, lr  }
0x1b: {  	s9 =	sadd.s32 $0xFFFFFEF7, lr;
	s5 =	simm.s32 $0xFFFFFFFF;
	p2 =	slt.u32 s8, $0xFFFFF086  }
0x1c: {  	p1 =	slt.u32 s9, $0xF7A;
	s5 =	simm.s32 @!p2 $0x0  }
0x1d: {  	s5 =	simm.s32 @p1 $0x1;
	p0 =	seq.s32 s7, s2  }
0x1e: {  	s7 =	smul.u32 @!p0 $0xF7A, s2;
	p2 =	seq.s32 @!p0 s5, $0x0  }
0x1f: {  	s9 =	smul.u32 $0xF7A, s1;
	s8 =	simm.s32 @!p0 $0x1BF5;
	p2 =	por !p2, p0  }
0x20: {  	[sflag:s8] =	ssyncset.s32 @!p0 $0xFFFFF086;
	s6 =	sadd.s32 @!p0 s3, s7;
	s7 =	simm.s32 @!p0 $0x108  }
0x21: {  	s3 =	sadd.s32 s3, s9;
	s6 =	sadd.s32 @!p0 $0x88, s6;
	s7 =	simm.s32 @p2 $0x1082  }
0x22: {  	[simem:s7], [sflag:s8] =	dma.local @!p0 [hbm:s6], $0xF7A  }
0x23: {  	s9 =	sor.u32 $0xD0000000, s2;
	s6 =	simm.s32 $0x108;
	_ =	swait.ge @!p0 [sflag:s8], $0x0  }
0x24: {  	s3 =	sadd.s32 $0x88, s3;
	s6 =	simm.s32 @!p1 $0x1082;
	[sflag:s4] =	ssyncset.s32 $0xFFFFF086  }
0x25: {  	[simem:s6], [sflag:s4] =	dma.local [hbm:s3], $0xF7A  }
0x26: {  	[smem:$0x3F96] =	sst s1;
	(tag) =	ssettag s2;
	_ =	strace s9  }
0x27: {  	s1 =	sld [smem:$0x3FA6]  }
0x28: {  	s2 =	sld [smem:$0x3FA7]  }
0x29: {  	s4 =	sld [smem:$0x3FA9]  }
0x2a: {  	p0 =	seq.s32 s5, $0x0;
	s5 =	sld [smem:$0x3FAA]  }
0x2b: {  	s6 =	sld [smem:$0x3FAB]  }
0x2c: {  	s7 =	sld [smem:$0x3FAC]  }
0x2d: {  	s3 =	simm.s32 $0x108;
	s8 =	sld [smem:$0x3FAD]  }
0x2e: {  	s3 =	simm.s32 @!p0 $0x1082;
	s9 =	sld [smem:$0x3FAE]  }
0x2f: {  	lr =	sadd.s32 s0, s3;
	s0 =	sld [smem:$0x3FA5]  }
0x30: {  	s3 =	sld [smem:$0x3FA8]  }
0x31: {  	[smem:$0x3FB1] =	sst s10  }
0x32: {  	s10 =	sld [smem:$0x3FAF];
	_ =	sdelay $0x3  }
0x33: {  	p0 =	seq.s32 s10, $0x1;
	s10 =	sld [smem:$0x3FB1];
	_ =	sdelay $0x3  }
0x34: {  	[smem:$0x3FB1] =	sst s10  }
0x35: {  	s10 =	sld [smem:$0x3FB0];
	_ =	sdelay $0x3  }
0x36: {  	p1 =	seq.s32 s10, $0x1;
	s10 =	sld [smem:$0x3FB1];
	_ =	sdelay $0x3  }
0x37: {  	[smem:$0x3FB1] =	sst s10  }
0x38: {  	s10 =	sld [smem:$0x3FB2]  }
0x39: {  	_ = 	snop;
	(pc) =	sbr.ind lr, $3  }
0x3a: {  	_ = 	snop  }
0x3b: {  	_ = 	snop  }
0x3c: {  	p2 =	seq.s32 s10, $0x1;
	s10 =	sld [smem:$0x3FB1]  }
0x3d: {  	_ =	shalt  }
0x3e: {  	_ =	shalt  }
0x3f: {  	_ =	shalt  }
0x40: {  	_ =	shalt  }
0x41: {  	_ =	shalt  }
0x42: {  	_ =	shalt  }
0x43: {  	_ =	shalt  }
0x44: {  	_ =	shalt  }
0x45: {  	_ =	shalt  }
0x46: {  	_ =	shalt  }
0x47: {  	_ =	shalt  }
0x48: {  	_ =	shalt  }
0x49: {  	_ =	shalt  }
0x4a: {  	_ =	shalt  }
0x4b: {  	_ =	shalt  }
0x4c: {  	_ =	shalt  }
0x4d: {  	_ =	shalt  }
0x4e: {  	_ =	shalt  }
0x4f: {  	_ =	shalt  }
0x50: {  	_ =	shalt  }
0x51: {  	_ =	shalt  }
0x52: {  	_ =	shalt  }
0x53: {  	_ =	shalt  }
0x54: {  	_ =	shalt  }
0x55: {  	_ =	shalt  }
0x56: {  	_ =	shalt  }
0x57: {  	_ =	shalt  }
0x58: {  	_ =	shalt  }
0x59: {  	_ =	shalt  }
0x5a: {  	_ =	shalt  }
0x5b: {  	_ =	shalt  }
0x5c: {  	_ =	shalt  }
0x5d: {  	_ =	shalt  }
0x5e: {  	_ =	shalt  }
0x5f: {  	_ =	shalt  }
0x60: {  	_ =	shalt  }
0x61: {  	_ =	shalt  }
0x62: {  	_ =	shalt  }
0x63: {  	_ =	shalt  }
0x64: {  	_ =	shalt  }
0x65: {  	_ =	shalt  }
0x66: {  	_ =	shalt  }
0x67: {  	_ =	shalt  }
0x68: {  	_ =	shalt  }
0x69: {  	_ =	shalt  }
0x6a: {  	_ =	shalt  }
0x6b: {  	_ =	shalt  }
0x6c: {  	_ =	shalt  }
0x6d: {  	_ =	shalt  }
0x6e: {  	_ =	shalt  }
0x6f: {  	_ =	shalt  }
0x70: {  	_ =	shalt  }
0x71: {  	_ =	shalt  }
0x72: {  	_ =	shalt  }
0x73: {  	_ =	shalt  }
0x74: {  	_ =	shalt  }
0x75: {  	_ =	shalt  }
0x76: {  	_ =	shalt  }
0x77: {  	_ =	shalt  }
0x78: {  	_ =	shalt  }
0x79: {  	_ =	shalt  }
0x7a: {  	_ =	shalt  }
0x7b: {  	_ =	shalt  }
0x7c: {  	_ =	shalt  }
0x7d: {  	_ =	shalt  }
0x7e: {  	_ =	shalt  }
0x7f: {  	_ =	shalt  }
0x80: {  	_ =	shalt  }
0x81: {  	_ =	shalt  }
0x82: {  	_ =	shalt  }
0x83: {  	_ =	shalt  }
0x84: {  	_ =	shalt  }
0x85: {  	_ =	shalt  }
0x86: {  	_ =	shalt  }
0x87: {  	_ =	shalt  }
.Lfunc_end0:
.L_simem_size_0:
called_computation_lowered:
.L_overlay_start_0:
0x88: {  	s2 =	sld [smem:$0x3FD9]  }
0x89: {  	s3 =	sld [smem:$0x3FFE];
	_ =	sdelay $0x1  }
0x8a: {  	s1 =	srdreg.scid  }
0x8b: {  	s0 =	sand.u32 $0x1, s1  }
0x8c: {  	s17 =	sshll.u32 s0, $0xA;
	s2 =	sadd.s32 s3, s2  }
0x8d: {  	s2 =	sadd.s32 s2, s17  }
0x8e: {  	[smem:$0x3FBD] =	sst s2  }
0x8f: {  	_ = 	snop  }
0x90: {  	s2 =	sld [smem:$0x3FC9]  }
0x91: {  	s18 =	sld [smem:$0x3FD0];
	(tm) =	ssettm $0x1  }
0x92: {  	s4 =	sld [smem:$0x3FFB];
	_ =	sdelay $0x3  }
0x93: {  	_ =	strace s4  }
0x94: {  	s4 =	sld [smem:$0x3FFC];
	_ =	sdelay $0x3  }
0x95: {  	_ =	strace s4  }
0x96: {  	s4 =	sld [smem:$0x3FFD];
	_ =	sdelay $0x3  }
0x97: {  	_ =	strace s4  }
0x98: {  	_ =	strace $0x8FFFFFFF  }
0x99: {  	s19 =	sld [smem:$0x3FDB];
	_ =	sdelay $0x1  }
0x9a: {  	s5 =	simm.s32 $_scs_section_size  }
0x9b: {  	s6 =	simm.s32 $_size__tile_overlayer_lowered;
	s7 =	simm.s32 $_tile_overlayer_lowered  }
0x9c: {  	s22 =	simm.s32 $0x1BFF;
	s21 =	sshll.u32 s7, $0x1;
	s4 =	sadd.s32 s5, s19  }
0x9d: {  	s8 =	simm.s32 $0x0;
	s20 =	sshll.u32 s6, $0x1;
	s6 =	sadd.s32 s21, s4  }
0x9e: {  	[timem:s8], [sflag:s22] =	dma.local [hbm:s6], s20  }
0x9f: {  	_ =	swait.ge [sflag:s22], s20  }
0xa0: {  	s5 =	ssub.s32 $0x0, s20;
	[sflag:s22] =	ssyncset.done $0x0  }
0xa1: {  	[sflag:s22] =	ssyncadd.s32 s5;
	_ =	sdelay $0x1  }
0xa2: {  	s23 =	simm.s32 $0x1B8B  }
0xa3: {  	_ =	swait.ge [sflag:s23], $0x1  }
0xa4: {  	[sflag:s23] =	ssyncset.done $0x0  }
0xa5: {  	s25 =	simm.s32 $0x1B8E;
	s24 =	sld [smem:$0x3FFE];
	[sflag:s23] =	ssyncadd.s32 $0xFFFFFFFF  }
0xa6: {  	s26 =	simm.s32 $execute0_lowered;
	[smem:$0x3FD2] =	sst s25  }
0xa7: {  	s6 =	sshll.u32 s26, $0x1;
	_ =	strace $0x80000046;
	[dreg:$0x1] =	wrdreg $0xFFFFFFFF  }
0xa8: {  	s28 =	simm.s32 $_size_execute0_lowered;
	s4 =	sadd.s32 s4, s6;
	[dreg:$0x0] =	wrdreg $0x0  }
0xa9: {  	s6 =	sshll.u32 s28, $0x1;
	[dreg:$0x2] =	wrdreg s4  }
0xaa: {  	[dreg:$0x3] =	wrdreg s6  }
0xab: {  	[dreg:$0x4] =	wrdreg $0xC0  }
0xac: {  	_ =	task [dreg:s8], $0x5FFFF  }
0xad: {  	[dreg:$0x1] =	wrdreg $0xFFFFFFFF  }
0xae: {  	[dreg:$0x0] =	wrdreg $0x60  }
0xaf: {  	[dreg:$0x2] =	wrdreg s2  }
0xb0: {  	[dreg:$0x3] =	wrdreg s18  }
0xb1: {  	[dreg:$0x4] =	wrdreg s24  }
0xb2: {  	[dreg:$0x5] =	wrdreg $0x9  }
0xb3: {  	_ =	task.clear_ibuf [dreg:s8], $0x6FFFF;
	_ =	strace $0x90000046  }
0xb4: {  	s29 =	simm.s32 $0x9;
	_ =	strace $0x80000048  }
0xb5: {  	_ =	swait.ge [sflag:s29], $0x1  }
0xb6: {  	[sflag:s29] =	ssyncadd.s32 $0xFFFFFFFF  }
0xb7: {  	_ =	strace $0x90000048  }
0xb8: {  	_ =	sfence  }
0xb9: {  	s30 =	sld [smem:$0x0];
	_ =	sdelay $0x2  }
0xba: {  	s31 =	sshll.u32 s1, $0xD;
	s1 =	sshrl.u32 s1, $0x2  }
0xbb: {  	s3 =	sand.u32 $0x4000, s31;
	s1 =	sadd.s32 s1, s30  }
0xbc: {  	s0 =	sor.u32 s3, s0;
	s1 =	sshll.u32 s1, $0x11  }
0xbd: {  	s0 =	sor.u32 s1, s0  }
0xbe: {  	s0 =	sadd.s32 $0x8F2B, s0  }
0xbf: {  	[sflag:s0] =	ssyncadd.remote.s32 $0x1  }
0xc0: {  	_ =	sfence.sel $0xFFFF  }
0xc1: {  	[dreg:$0x0] =	wrdreg $0xFFFFFFFF;
	(pc) =	sbr.abs _section_cstart, $3  }
0xc2: {  	[dreg:$0x1] =	wrdreg $0xFFFFFFFF  }
0xc3: {  	_ =	task.clear_ibuf [dreg:s8], $0x2FFFF;
	_ =	strace $0x9FFFFFFF  }
0xc4: {  	(tm) =	ssettm $0x7FFFFFFF  }
0xc5: {  	_ =	shalt  }
tec
execute0_lowered:
.L_overlay_start_1:
0x0: {  	(tag) =	ssettag $0x1  }
0x1: {  	s1 =	rddreg [dreg:$0x0];
	s2 =	srdreg.scid  }
0x2: {  	s0 =	stileid.u32;
	s3 =	rddreg [dreg:$0x1]  }
0x3: {  	s8 =	rddreg [dreg:$0x2];
	s12 =	simm.s32 $0x3;
	s13 =	simm.s32 $0x8000  }
0x4: {  	s14 =	simm.s32 $0x8080;
	s15 =	simm.s32 $0x800;
	s16 =	simm.s32 $0x1000  }
0x5: {  	s17 =	simm.s32 $0x1800;
	s28 =	simm.s32 $0x6800;
	s29 =	simm.s32 $0x7000  }
0x6: {  	s30 =	simm.s32 $0x7800;
	s6 =	sand.u32 $0x1, s2;
	s18 =	sshll.u32 s0, $0x1  }
0x7: {  	s31 =	simm.s32 $0x1;
	s2 =	simm.s32 $0x0;
	s4 =	sor.u32 s6, s18  }
0x8: {  	[smem:$0x7FF] =	sst s2;
	s6 =	ssub.s32 $0x2, s6;
	s18 =	simm.s32 $0x2000  }
0x9: {  	s5 =	sshll.u32 s4, $0x7;
	s4 =	sshll.u32 s4, $0xE;
	_ =	strace $0x80000047  }
0xa: {  	s7 =	sshrl.u32 s6, $0x1;
	s3 =	sadd.s32 s3, s5;
	s4 =	sadd.s32 s1, s4  }
0xb: {  	s5 =	sadd.s32 $0x3800, s8;
	s11 =	ssub.s32 s6, s7;
	s19 =	sadd.s32 $0x10, s3  }
0xc: {  	s6 =	sadd.s32 $0x3900, s8;
	s20 =	sadd.s32 $0x1000, s4;
	[dreg:$0x4] =	wrdreg s19  }
0xd: {  	s7 =	sadd.s32 $0x3A00, s8;
	s21 =	sadd.s32 $0x20, s3;
	[dreg:$0x5] =	wrdreg s20  }
0xe: {  	s8 =	sadd.s32 $0x3B00, s8;
	s22 =	sadd.s32 $0x30, s3;
	[dreg:$0x6] =	wrdreg s21  }
0xf: {  	s1 =	simm.s32 $0x2;
	s23 =	sadd.s32 $0x2000, s4;
	[dreg:$0x7] =	wrdreg s22  }
0x10: {  	s24 =	sadd.s32 $0x40, s3;
	s25 =	sadd.s32 $0x50, s3;
	[dreg:$0x8] =	wrdreg s23  }
0x11: {  	s26 =	sadd.s32 $0x3000, s4;
	s9 =	sadd.s32 $0x60, s3;
	[dreg:$0x9] =	wrdreg s24  }
0x12: {  	s10 =	sadd.s32 $0x70, s3;
	s11 =	smax.u32 s11, $0x1;
	[dreg:$0xa] =	wrdreg s25  }
0x13: {  	v2 =	vlaneseq.u32;
	[dreg:$0xb] =	wrdreg s26;
	s19 =	simm.s32 $0x2800;
	s20 =	simm.s32 $0x3000  }
0x14: {  	vm0 =	vmmov $0xffff;
	v1 =	vshrl.u32 v2, $0x3;
	s21 =	simm.s32 $0x3800;
	s22 =	simm.s32 $0x4000;
	s23 =	simm.s32 $0x4800  }
0x15: {  	v0 =	vand.u32 $0x7, v2;
	v2 =	vor.u32 $0x8, v2;
	v1 =	vmul.u32 $0x8, v1;
	s24 =	simm.s32 $0x5000;
	s25 =	simm.s32 $0x5800;
	s26 =	simm.s32 $0x6000  }
.LBB2_1:
0x16: {  	[tilespmem:s2], [sflag:$0x3] =	stream.linear.gather [hbm4b:s4+s2], $0x8000, $0x38;
	[tilespmem:$0x8100] =	vst v63  }
0x17: {  	_ =	swait.ge [sflag:s12], $0x8000  }
0x18: {  	[sflag:s12] =	ssyncset.done $0x0  }
0x19: {  	[sflag:s12] =	ssyncadd.s32 $0xFFFF8000  }
0x1a: {  	[tilespmem:s13], [sflag:$0x3] =	stream.linear.gather [hbm4b:s3+s2], $0x80, $0x38;
	[tilespmem:$0x8100] =	vst v63  }
0x1b: {  	_ =	swait.ge [sflag:s12], $0x80  }
0x1c: {  	[sflag:s12] =	ssyncset.done $0x0  }
0x1d: {  	s0 =	rddreg [dreg:$0x4];
	[sflag:s12] =	ssyncadd.s32 $0xFFFFFF80  }
0x1e: {  	[tilespmem:s14], [sflag:$0x3] =	stream.linear.gather [hbm4b:s0+s2], $0x80, $0x38;
	[tilespmem:$0x8100] =	vst v63  }
0x1f: {  	_ =	swait.ge [sflag:s12], $0x80  }
0x20: {  	[sflag:s12] =	ssyncset.done $0x0  }
0x21: {  	[sflag:s12] =	ssyncadd.s32 $0xFFFFFF80  }
0x22: {  	v3 =	vld [tilespmem:$0x8000];
	_ =	sdelay $0x4  }
0x23: {  	v4 =	vshll.u32 v3, $0x3  }
0x24: {  	v3 =	vand.u32 $0x7, v3;
	v4 =	vand.u32 $0xFFFFFFC0, v4  }
0x25: {  	v3 =	vor.u32 v3, v4  }
0x26: {  	v4 =	vperm.xlane v3, v0;
	_ =	sdelay $0x1  }
0x27: {  	v4 =	vadd.s32 v1, v4;
	_ =	sdelay $0x4  }
0x28: {  	[hbm4b:s5+s2] =	stream.indirect_vreg.scatter [tilespmem:s2], [sflag:$0x1], $0x80, v4, vm0, $0xb8;
	[tilespmem:$0x8100] =	vst v63  }
0x29: {  	v3 =	vperm.xlane v3, v2  }
0x2a: {  	[hbm4b:s6+s2] =	stream.indirect_vreg.scatter [tilespmem:s15], [sflag:$0x1], $0x80, v4, vm0, $0xb8;
	[tilespmem:$0x8100] =	vst v63  }
0x2b: {  	v3 =	vadd.s32 v1, v3  }
0x2c: {  	[hbm4b:s7+s2] =	stream.indirect_vreg.scatter [tilespmem:s16], [sflag:$0x1], $0x80, v4, vm0, $0xb8;
	[tilespmem:$0x8100] =	vst v63  }
0x2d: {  	_ = 	snop  }
0x2e: {  	[hbm4b:s8+s2] =	stream.indirect_vreg.scatter [tilespmem:s17], [sflag:$0x1], $0x80, v4, vm0, $0xb8;
	[tilespmem:$0x8100] =	vst v63  }
0x2f: {  	_ = 	snop  }
0x30: {  	[hbm4b:s5+s2] =	stream.indirect_vreg.scatter [tilespmem:s18], [sflag:$0x1], $0x80, v3, vm0, $0xb8;
	[tilespmem:$0x8100] =	vst v63  }
0x31: {  	_ = 	snop  }
0x32: {  	[hbm4b:s6+s2] =	stream.indirect_vreg.scatter [tilespmem:s19], [sflag:$0x1], $0x80, v3, vm0, $0xb8;
	[tilespmem:$0x8100] =	vst v63  }
0x33: {  	_ = 	snop  }
0x34: {  	[hbm4b:s7+s2] =	stream.indirect_vreg.scatter [tilespmem:s20], [sflag:$0x1], $0x80, v3, vm0, $0xb8;
	[tilespmem:$0x8100] =	vst v63  }
0x35: {  	_ = 	snop  }
0x36: {  	[hbm4b:s8+s2] =	stream.indirect_vreg.scatter [tilespmem:s21], [sflag:$0x1], $0x80, v3, vm0, $0xb8;
	[tilespmem:$0x8100] =	vst v63  }
0x37: {  	v3 =	vld [tilespmem:$0x8010];
	_ =	sdelay $0x4  }
0x38: {  	v49 =	vshll.u32 v3, $0x3  }
0x39: {  	v3 =	vand.u32 $0x7, v3;
	v4 =	vand.u32 $0xFFFFFFC0, v49  }
0x3a: {  	v3 =	vor.u32 v3, v4  }
0x3b: {  	v4 =	vperm.xlane v3, v0;
	_ =	sdelay $0x1  }
0x3c: {  	v4 =	vadd.s32 v1, v4;
	_ =	sdelay $0x4  }
0x3d: {  	[hbm4b:s5+s2] =	stream.indirect_vreg.scatter [tilespmem:s22], [sflag:$0x1], $0x80, v4, vm0, $0xb8;
	[tilespmem:$0x8100] =	vst v63  }
0x3e: {  	v3 =	vperm.xlane v3, v2  }
0x3f: {  	[hbm4b:s6+s2] =	stream.indirect_vreg.scatter [tilespmem:s23], [sflag:$0x1], $0x80, v4, vm0, $0xb8;
	[tilespmem:$0x8100] =	vst v63  }
0x40: {  	v3 =	vadd.s32 v1, v3  }
0x41: {  	[hbm4b:s7+s2] =	stream.indirect_vreg.scatter [tilespmem:s24], [sflag:$0x1], $0x80, v4, vm0, $0xb8;
	[tilespmem:$0x8100] =	vst v63  }
0x42: {  	_ = 	snop  }
0x43: {  	[hbm4b:s8+s2] =	stream.indirect_vreg.scatter [tilespmem:s25], [sflag:$0x1], $0x80, v4, vm0, $0xb8;
	[tilespmem:$0x8100] =	vst v63  }
0x44: {  	_ = 	snop  }
0x45: {  	[hbm4b:s5+s2] =	stream.indirect_vreg.scatter [tilespmem:s26], [sflag:$0x1], $0x80, v3, vm0, $0xb8;
	[tilespmem:$0x8100] =	vst v63  }
0x46: {  	_ = 	snop  }
0x47: {  	[hbm4b:s6+s2] =	stream.indirect_vreg.scatter [tilespmem:s28], [sflag:$0x1], $0x80, v3, vm0, $0xb8;
	[tilespmem:$0x8100] =	vst v63  }
0x48: {  	_ = 	snop  }
0x49: {  	[hbm4b:s7+s2] =	stream.indirect_vreg.scatter [tilespmem:s29], [sflag:$0x1], $0x80, v3, vm0, $0xb8;
	[tilespmem:$0x8100] =	vst v63  }
0x4a: {  	_ = 	snop  }
0x4b: {  	[hbm4b:s8+s2] =	stream.indirect_vreg.scatter [tilespmem:s30], [sflag:$0x1], $0x80, v3, vm0, $0xb8;
	[tilespmem:$0x8100] =	vst v63  }
0x4c: {  	v3 =	vld [tilespmem:$0x8080];
	_ =	sdelay $0x4  }
0x4d: {  	v50 =	vshll.u32 v3, $0x3  }
0x4e: {  	v3 =	vand.u32 $0x7, v3;
	v4 =	vand.u32 $0xFFFFFFC0, v50  }
0x4f: {  	v3 =	vor.u32 v3, v4  }
0x50: {  	v4 =	vperm.xlane v3, v0;
	_ =	sdelay $0x1  }
0x51: {  	v4 =	vadd.s32 v1, v4;
	_ =	sdelay $0x4  }
0x52: {  	[hbm4b:s5+s2] =	stream.indirect_vreg.scatter [tilespmem:s2], [sflag:$0x2], $0x80, v4, vm0, $0xb8;
	[tilespmem:$0x8100] =	vst v63  }
0x53: {  	v3 =	vperm.xlane v3, v2  }
0x54: {  	[hbm4b:s6+s2] =	stream.indirect_vreg.scatter [tilespmem:s15], [sflag:$0x2], $0x80, v4, vm0, $0xb8;
	[tilespmem:$0x8100] =	vst v63  }
0x55: {  	v3 =	vadd.s32 v1, v3  }
0x56: {  	[hbm4b:s7+s2] =	stream.indirect_vreg.scatter [tilespmem:s16], [sflag:$0x2], $0x80, v4, vm0, $0xb8;
	[tilespmem:$0x8100] =	vst v63  }
0x57: {  	_ = 	snop  }
0x58: {  	[hbm4b:s8+s2] =	stream.indirect_vreg.scatter [tilespmem:s17], [sflag:$0x2], $0x80, v4, vm0, $0xb8;
	[tilespmem:$0x8100] =	vst v63  }
0x59: {  	_ = 	snop  }
0x5a: {  	[hbm4b:s5+s2] =	stream.indirect_vreg.scatter [tilespmem:s18], [sflag:$0x2], $0x80, v3, vm0, $0xb8;
	[tilespmem:$0x8100] =	vst v63  }
0x5b: {  	_ = 	snop  }
0x5c: {  	[hbm4b:s6+s2] =	stream.indirect_vreg.scatter [tilespmem:s19], [sflag:$0x2], $0x80, v3, vm0, $0xb8;
	[tilespmem:$0x8100] =	vst v63  }
0x5d: {  	_ = 	snop  }
0x5e: {  	[hbm4b:s7+s2] =	stream.indirect_vreg.scatter [tilespmem:s20], [sflag:$0x2], $0x80, v3, vm0, $0xb8;
	[tilespmem:$0x8100] =	vst v63  }
0x5f: {  	_ = 	snop  }
0x60: {  	[hbm4b:s8+s2] =	stream.indirect_vreg.scatter [tilespmem:s21], [sflag:$0x2], $0x80, v3, vm0, $0xb8;
	[tilespmem:$0x8100] =	vst v63  }
0x61: {  	v3 =	vld [tilespmem:$0x8090];
	_ =	sdelay $0x4  }
0x62: {  	v51 =	vshll.u32 v3, $0x3  }
0x63: {  	v3 =	vand.u32 $0x7, v3;
	v4 =	vand.u32 $0xFFFFFFC0, v51  }
0x64: {  	v3 =	vor.u32 v3, v4  }
0x65: {  	v4 =	vperm.xlane v3, v0;
	_ =	sdelay $0x1  }
0x66: {  	v4 =	vadd.s32 v1, v4;
	_ =	sdelay $0x4  }
0x67: {  	[hbm4b:s5+s2] =	stream.indirect_vreg.scatter [tilespmem:s22], [sflag:$0x2], $0x80, v4, vm0, $0xb8;
	[tilespmem:$0x8100] =	vst v63  }
0x68: {  	v3 =	vperm.xlane v3, v2  }
0x69: {  	[hbm4b:s6+s2] =	stream.indirect_vreg.scatter [tilespmem:s23], [sflag:$0x2], $0x80, v4, vm0, $0xb8;
	[tilespmem:$0x8100] =	vst v63  }
0x6a: {  	v3 =	vadd.s32 v1, v3  }
0x6b: {  	[hbm4b:s7+s2] =	stream.indirect_vreg.scatter [tilespmem:s24], [sflag:$0x2], $0x80, v4, vm0, $0xb8;
	[tilespmem:$0x8100] =	vst v63  }
0x6c: {  	_ = 	snop  }
0x6d: {  	[hbm4b:s8+s2] =	stream.indirect_vreg.scatter [tilespmem:s25], [sflag:$0x2], $0x80, v4, vm0, $0xb8;
	[tilespmem:$0x8100] =	vst v63  }
0x6e: {  	_ = 	snop  }
0x6f: {  	[hbm4b:s5+s2] =	stream.indirect_vreg.scatter [tilespmem:s26], [sflag:$0x2], $0x80, v3, vm0, $0xb8;
	[tilespmem:$0x8100] =	vst v63  }
0x70: {  	_ = 	snop  }
0x71: {  	[hbm4b:s6+s2] =	stream.indirect_vreg.scatter [tilespmem:s28], [sflag:$0x2], $0x80, v3, vm0, $0xb8;
	[tilespmem:$0x8100] =	vst v63  }
0x72: {  	_ = 	snop  }
0x73: {  	[hbm4b:s7+s2] =	stream.indirect_vreg.scatter [tilespmem:s29], [sflag:$0x2], $0x80, v3, vm0, $0xb8;
	[tilespmem:$0x8100] =	vst v63  }
0x74: {  	_ = 	snop  }
0x75: {  	[hbm4b:s8+s2] =	stream.indirect_vreg.scatter [tilespmem:s30], [sflag:$0x2], $0x80, v3, vm0, $0xb8;
	[tilespmem:$0x8100] =	vst v63  }
0x76: {  	_ =	swait.ge [sflag:s31], $0x8000  }
0x77: {  	[sflag:s31] =	ssyncset.done $0x0  }
0x78: {  	[sflag:s31] =	ssyncadd.s32 $0xFFFF8000  }
0x79: {  	_ =	swait.ge [sflag:s1], $0x8000  }
0x7a: {  	[sflag:s1] =	ssyncset.done $0x0  }
0x7b: {  	s0 =	rddreg [dreg:$0x5];
	[sflag:s1] =	ssyncadd.s32 $0xFFFF8000  }
0x7c: {  	[tilespmem:s2], [sflag:$0x3] =	stream.linear.gather [hbm4b:s0+s2], $0x8000, $0x38;
	[tilespmem:$0x8100] =	vst v63  }
0x7d: {  	_ =	swait.ge [sflag:s12], $0x8000  }
0x7e: {  	[sflag:s12] =	ssyncset.done $0x0  }
0x7f: {  	s0 =	rddreg [dreg:$0x6];
	[sflag:s12] =	ssyncadd.s32 $0xFFFF8000  }
0x80: {  	[tilespmem:s13], [sflag:$0x3] =	stream.linear.gather [hbm4b:s0+s2], $0x80, $0x38;
	[tilespmem:$0x8100] =	vst v63  }
0x81: {  	_ =	swait.ge [sflag:s12], $0x80  }
0x82: {  	[sflag:s12] =	ssyncset.done $0x0  }
0x83: {  	s0 =	rddreg [dreg:$0x7];
	[sflag:s12] =	ssyncadd.s32 $0xFFFFFF80  }
0x84: {  	[tilespmem:s14], [sflag:$0x3] =	stream.linear.gather [hbm4b:s0+s2], $0x80, $0x38;
	[tilespmem:$0x8100] =	vst v63  }
0x85: {  	_ =	swait.ge [sflag:s12], $0x80  }
0x86: {  	[sflag:s12] =	ssyncset.done $0x0  }
0x87: {  	[sflag:s12] =	ssyncadd.s32 $0xFFFFFF80  }
0x88: {  	v3 =	vld [tilespmem:$0x8000];
	_ =	sdelay $0x4  }
0x89: {  	v52 =	vshll.u32 v3, $0x3  }
0x8a: {  	v3 =	vand.u32 $0x7, v3;
	v4 =	vand.u32 $0xFFFFFFC0, v52  }
0x8b: {  	v3 =	vor.u32 v3, v4  }
0x8c: {  	v4 =	vperm.xlane v3, v0;
	_ =	sdelay $0x1  }
0x8d: {  	v4 =	vadd.s32 v1, v4;
	_ =	sdelay $0x4  }
0x8e: {  	[hbm4b:s5+s2] =	stream.indirect_vreg.scatter [tilespmem:s2], [sflag:$0x1], $0x80, v4, vm0, $0xb8;
	[tilespmem:$0x8100] =	vst v63  }
0x8f: {  	v3 =	vperm.xlane v3, v2  }
0x90: {  	[hbm4b:s6+s2] =	stream.indirect_vreg.scatter [tilespmem:s15], [sflag:$0x1], $0x80, v4, vm0, $0xb8;
	[tilespmem:$0x8100] =	vst v63  }
0x91: {  	v3 =	vadd.s32 v1, v3  }
0x92: {  	[hbm4b:s7+s2] =	stream.indirect_vreg.scatter [tilespmem:s16], [sflag:$0x1], $0x80, v4, vm0, $0xb8;
	[tilespmem:$0x8100] =	vst v63  }
0x93: {  	_ = 	snop  }
0x94: {  	[hbm4b:s8+s2] =	stream.indirect_vreg.scatter [tilespmem:s17], [sflag:$0x1], $0x80, v4, vm0, $0xb8;
	[tilespmem:$0x8100] =	vst v63  }
0x95: {  	_ = 	snop  }
0x96: {  	[hbm4b:s5+s2] =	stream.indirect_vreg.scatter [tilespmem:s18], [sflag:$0x1], $0x80, v3, vm0, $0xb8;
	[tilespmem:$0x8100] =	vst v63  }
0x97: {  	_ = 	snop  }
0x98: {  	[hbm4b:s6+s2] =	stream.indirect_vreg.scatter [tilespmem:s19], [sflag:$0x1], $0x80, v3, vm0, $0xb8;
	[tilespmem:$0x8100] =	vst v63  }
0x99: {  	_ = 	snop  }
0x9a: {  	[hbm4b:s7+s2] =	stream.indirect_vreg.scatter [tilespmem:s20], [sflag:$0x1], $0x80, v3, vm0, $0xb8;
	[tilespmem:$0x8100] =	vst v63  }
0x9b: {  	_ = 	snop  }
0x9c: {  	[hbm4b:s8+s2] =	stream.indirect_vreg.scatter [tilespmem:s21], [sflag:$0x1], $0x80, v3, vm0, $0xb8;
	[tilespmem:$0x8100] =	vst v63  }
0x9d: {  	v3 =	vld [tilespmem:$0x8010];
	_ =	sdelay $0x4  }
0x9e: {  	v53 =	vshll.u32 v3, $0x3  }
0x9f: {  	v3 =	vand.u32 $0x7, v3;
	v4 =	vand.u32 $0xFFFFFFC0, v53  }
0xa0: {  	v3 =	vor.u32 v3, v4  }
0xa1: {  	v4 =	vperm.xlane v3, v0;
	_ =	sdelay $0x1  }
0xa2: {  	v4 =	vadd.s32 v1, v4;
	_ =	sdelay $0x4  }
0xa3: {  	[hbm4b:s5+s2] =	stream.indirect_vreg.scatter [tilespmem:s22], [sflag:$0x1], $0x80, v4, vm0, $0xb8;
	[tilespmem:$0x8100] =	vst v63  }
0xa4: {  	v3 =	vperm.xlane v3, v2  }
0xa5: {  	[hbm4b:s6+s2] =	stream.indirect_vreg.scatter [tilespmem:s23], [sflag:$0x1], $0x80, v4, vm0, $0xb8;
	[tilespmem:$0x8100] =	vst v63  }
0xa6: {  	v3 =	vadd.s32 v1, v3  }
0xa7: {  	[hbm4b:s7+s2] =	stream.indirect_vreg.scatter [tilespmem:s24], [sflag:$0x1], $0x80, v4, vm0, $0xb8;
	[tilespmem:$0x8100] =	vst v63  }
0xa8: {  	_ = 	snop  }
0xa9: {  	[hbm4b:s8+s2] =	stream.indirect_vreg.scatter [tilespmem:s25], [sflag:$0x1], $0x80, v4, vm0, $0xb8;
	[tilespmem:$0x8100] =	vst v63  }
0xaa: {  	_ = 	snop  }
0xab: {  	[hbm4b:s5+s2] =	stream.indirect_vreg.scatter [tilespmem:s26], [sflag:$0x1], $0x80, v3, vm0, $0xb8;
	[tilespmem:$0x8100] =	vst v63  }
0xac: {  	_ = 	snop  }
0xad: {  	[hbm4b:s6+s2] =	stream.indirect_vreg.scatter [tilespmem:s28], [sflag:$0x1], $0x80, v3, vm0, $0xb8;
	[tilespmem:$0x8100] =	vst v63  }
0xae: {  	_ = 	snop  }
0xaf: {  	[hbm4b:s7+s2] =	stream.indirect_vreg.scatter [tilespmem:s29], [sflag:$0x1], $0x80, v3, vm0, $0xb8;
	[tilespmem:$0x8100] =	vst v63  }
0xb0: {  	_ = 	snop  }
0xb1: {  	[hbm4b:s8+s2] =	stream.indirect_vreg.scatter [tilespmem:s30], [sflag:$0x1], $0x80, v3, vm0, $0xb8;
	[tilespmem:$0x8100] =	vst v63  }
0xb2: {  	v3 =	vld [tilespmem:$0x8080];
	_ =	sdelay $0x4  }
0xb3: {  	v54 =	vshll.u32 v3, $0x3  }
0xb4: {  	v3 =	vand.u32 $0x7, v3;
	v4 =	vand.u32 $0xFFFFFFC0, v54  }
0xb5: {  	v3 =	vor.u32 v3, v4  }
0xb6: {  	v4 =	vperm.xlane v3, v0;
	_ =	sdelay $0x1  }
0xb7: {  	v4 =	vadd.s32 v1, v4;
	_ =	sdelay $0x4  }
0xb8: {  	[hbm4b:s5+s2] =	stream.indirect_vreg.scatter [tilespmem:s2], [sflag:$0x2], $0x80, v4, vm0, $0xb8;
	[tilespmem:$0x8100] =	vst v63  }
0xb9: {  	v3 =	vperm.xlane v3, v2  }
0xba: {  	[hbm4b:s6+s2] =	stream.indirect_vreg.scatter [tilespmem:s15], [sflag:$0x2], $0x80, v4, vm0, $0xb8;
	[tilespmem:$0x8100] =	vst v63  }
0xbb: {  	v3 =	vadd.s32 v1, v3  }
0xbc: {  	[hbm4b:s7+s2] =	stream.indirect_vreg.scatter [tilespmem:s16], [sflag:$0x2], $0x80, v4, vm0, $0xb8;
	[tilespmem:$0x8100] =	vst v63  }
0xbd: {  	_ = 	snop  }
0xbe: {  	[hbm4b:s8+s2] =	stream.indirect_vreg.scatter [tilespmem:s17], [sflag:$0x2], $0x80, v4, vm0, $0xb8;
	[tilespmem:$0x8100] =	vst v63  }
0xbf: {  	_ = 	snop  }
0xc0: {  	[hbm4b:s5+s2] =	stream.indirect_vreg.scatter [tilespmem:s18], [sflag:$0x2], $0x80, v3, vm0, $0xb8;
	[tilespmem:$0x8100] =	vst v63  }
0xc1: {  	_ = 	snop  }
0xc2: {  	[hbm4b:s6+s2] =	stream.indirect_vreg.scatter [tilespmem:s19], [sflag:$0x2], $0x80, v3, vm0, $0xb8;
	[tilespmem:$0x8100] =	vst v63  }
0xc3: {  	_ = 	snop  }
0xc4: {  	[hbm4b:s7+s2] =	stream.indirect_vreg.scatter [tilespmem:s20], [sflag:$0x2], $0x80, v3, vm0, $0xb8;
	[tilespmem:$0x8100] =	vst v63  }
0xc5: {  	_ = 	snop  }
0xc6: {  	[hbm4b:s8+s2] =	stream.indirect_vreg.scatter [tilespmem:s21], [sflag:$0x2], $0x80, v3, vm0, $0xb8;
	[tilespmem:$0x8100] =	vst v63  }
0xc7: {  	v3 =	vld [tilespmem:$0x8090];
	_ =	sdelay $0x4  }
0xc8: {  	v55 =	vshll.u32 v3, $0x3  }
0xc9: {  	v3 =	vand.u32 $0x7, v3;
	v4 =	vand.u32 $0xFFFFFFC0, v55  }
0xca: {  	v3 =	vor.u32 v3, v4  }
0xcb: {  	v4 =	vperm.xlane v3, v0;
	_ =	sdelay $0x1  }
0xcc: {  	v4 =	vadd.s32 v1, v4;
	_ =	sdelay $0x4  }
0xcd: {  	[hbm4b:s5+s2] =	stream.indirect_vreg.scatter [tilespmem:s22], [sflag:$0x2], $0x80, v4, vm0, $0xb8;
	[tilespmem:$0x8100] =	vst v63  }
0xce: {  	v3 =	vperm.xlane v3, v2  }
0xcf: {  	[hbm4b:s6+s2] =	stream.indirect_vreg.scatter [tilespmem:s23], [sflag:$0x2], $0x80, v4, vm0, $0xb8;
	[tilespmem:$0x8100] =	vst v63  }
0xd0: {  	v3 =	vadd.s32 v1, v3  }
0xd1: {  	[hbm4b:s7+s2] =	stream.indirect_vreg.scatter [tilespmem:s24], [sflag:$0x2], $0x80, v4, vm0, $0xb8;
	[tilespmem:$0x8100] =	vst v63  }
0xd2: {  	_ = 	snop  }
0xd3: {  	[hbm4b:s8+s2] =	stream.indirect_vreg.scatter [tilespmem:s25], [sflag:$0x2], $0x80, v4, vm0, $0xb8;
	[tilespmem:$0x8100] =	vst v63  }
0xd4: {  	_ = 	snop  }
0xd5: {  	[hbm4b:s5+s2] =	stream.indirect_vreg.scatter [tilespmem:s26], [sflag:$0x2], $0x80, v3, vm0, $0xb8;
	[tilespmem:$0x8100] =	vst v63  }
0xd6: {  	_ = 	snop  }
0xd7: {  	[hbm4b:s6+s2] =	stream.indirect_vreg.scatter [tilespmem:s28], [sflag:$0x2], $0x80, v3, vm0, $0xb8;
	[tilespmem:$0x8100] =	vst v63  }
0xd8: {  	_ = 	snop  }
0xd9: {  	[hbm4b:s7+s2] =	stream.indirect_vreg.scatter [tilespmem:s29], [sflag:$0x2], $0x80, v3, vm0, $0xb8;
	[tilespmem:$0x8100] =	vst v63  }
0xda: {  	_ = 	snop  }
0xdb: {  	[hbm4b:s8+s2] =	stream.indirect_vreg.scatter [tilespmem:s30], [sflag:$0x2], $0x80, v3, vm0, $0xb8;
	[tilespmem:$0x8100] =	vst v63  }
0xdc: {  	_ =	swait.ge [sflag:s31], $0x8000  }
0xdd: {  	[sflag:s31] =	ssyncset.done $0x0  }
0xde: {  	[sflag:s31] =	ssyncadd.s32 $0xFFFF8000  }
0xdf: {  	_ =	swait.ge [sflag:s1], $0x8000  }
0xe0: {  	[sflag:s1] =	ssyncset.done $0x0  }
0xe1: {  	s0 =	rddreg [dreg:$0x8];
	[sflag:s1] =	ssyncadd.s32 $0xFFFF8000  }
0xe2: {  	[tilespmem:s2], [sflag:$0x3] =	stream.linear.gather [hbm4b:s0+s2], $0x8000, $0x38;
	[tilespmem:$0x8100] =	vst v63  }
0xe3: {  	_ =	swait.ge [sflag:s12], $0x8000  }
0xe4: {  	[sflag:s12] =	ssyncset.done $0x0  }
0xe5: {  	s0 =	rddreg [dreg:$0x9];
	[sflag:s12] =	ssyncadd.s32 $0xFFFF8000  }
0xe6: {  	[tilespmem:s13], [sflag:$0x3] =	stream.linear.gather [hbm4b:s0+s2], $0x80, $0x38;
	[tilespmem:$0x8100] =	vst v63  }
0xe7: {  	_ =	swait.ge [sflag:s12], $0x80  }
0xe8: {  	[sflag:s12] =	ssyncset.done $0x0  }
0xe9: {  	s0 =	rddreg [dreg:$0xa];
	[sflag:s12] =	ssyncadd.s32 $0xFFFFFF80  }
0xea: {  	[tilespmem:s14], [sflag:$0x3] =	stream.linear.gather [hbm4b:s0+s2], $0x80, $0x38;
	[tilespmem:$0x8100] =	vst v63  }
0xeb: {  	_ =	swait.ge [sflag:s12], $0x80  }
0xec: {  	[sflag:s12] =	ssyncset.done $0x0  }
0xed: {  	[sflag:s12] =	ssyncadd.s32 $0xFFFFFF80  }
0xee: {  	v3 =	vld [tilespmem:$0x8000];
	_ =	sdelay $0x4  }
0xef: {  	v56 =	vshll.u32 v3, $0x3  }
0xf0: {  	v3 =	vand.u32 $0x7, v3;
	v4 =	vand.u32 $0xFFFFFFC0, v56  }
0xf1: {  	v3 =	vor.u32 v3, v4  }
0xf2: {  	v4 =	vperm.xlane v3, v0;
	_ =	sdelay $0x1  }
0xf3: {  	v4 =	vadd.s32 v1, v4;
	_ =	sdelay $0x4  }
0xf4: {  	[hbm4b:s5+s2] =	stream.indirect_vreg.scatter [tilespmem:s2], [sflag:$0x1], $0x80, v4, vm0, $0xb8;
	[tilespmem:$0x8100] =	vst v63  }
0xf5: {  	v3 =	vperm.xlane v3, v2  }
0xf6: {  	[hbm4b:s6+s2] =	stream.indirect_vreg.scatter [tilespmem:s15], [sflag:$0x1], $0x80, v4, vm0, $0xb8;
	[tilespmem:$0x8100] =	vst v63  }
0xf7: {  	v3 =	vadd.s32 v1, v3  }
0xf8: {  	[hbm4b:s7+s2] =	stream.indirect_vreg.scatter [tilespmem:s16], [sflag:$0x1], $0x80, v4, vm0, $0xb8;
	[tilespmem:$0x8100] =	vst v63  }
0xf9: {  	_ = 	snop  }
0xfa: {  	[hbm4b:s8+s2] =	stream.indirect_vreg.scatter [tilespmem:s17], [sflag:$0x1], $0x80, v4, vm0, $0xb8;
	[tilespmem:$0x8100] =	vst v63  }
0xfb: {  	_ = 	snop  }
0xfc: {  	[hbm4b:s5+s2] =	stream.indirect_vreg.scatter [tilespmem:s18], [sflag:$0x1], $0x80, v3, vm0, $0xb8;
	[tilespmem:$0x8100] =	vst v63  }
0xfd: {  	_ = 	snop  }
0xfe: {  	[hbm4b:s6+s2] =	stream.indirect_vreg.scatter [tilespmem:s19], [sflag:$0x1], $0x80, v3, vm0, $0xb8;
	[tilespmem:$0x8100] =	vst v63  }
0xff: {  	_ = 	snop  }
0x100: {  	[hbm4b:s7+s2] =	stream.indirect_vreg.scatter [tilespmem:s20], [sflag:$0x1], $0x80, v3, vm0, $0xb8;
	[tilespmem:$0x8100] =	vst v63  }
0x101: {  	_ = 	snop  }
0x102: {  	[hbm4b:s8+s2] =	stream.indirect_vreg.scatter [tilespmem:s21], [sflag:$0x1], $0x80, v3, vm0, $0xb8;
	[tilespmem:$0x8100] =	vst v63  }
0x103: {  	v3 =	vld [tilespmem:$0x8010];
	_ =	sdelay $0x4  }
0x104: {  	v57 =	vshll.u32 v3, $0x3  }
0x105: {  	v3 =	vand.u32 $0x7, v3;
	v4 =	vand.u32 $0xFFFFFFC0, v57  }
0x106: {  	v3 =	vor.u32 v3, v4  }
0x107: {  	v4 =	vperm.xlane v3, v0;
	_ =	sdelay $0x1  }
0x108: {  	v4 =	vadd.s32 v1, v4;
	_ =	sdelay $0x4  }
0x109: {  	[hbm4b:s5+s2] =	stream.indirect_vreg.scatter [tilespmem:s22], [sflag:$0x1], $0x80, v4, vm0, $0xb8;
	[tilespmem:$0x8100] =	vst v63  }
0x10a: {  	v3 =	vperm.xlane v3, v2  }
0x10b: {  	[hbm4b:s6+s2] =	stream.indirect_vreg.scatter [tilespmem:s23], [sflag:$0x1], $0x80, v4, vm0, $0xb8;
	[tilespmem:$0x8100] =	vst v63  }
0x10c: {  	v3 =	vadd.s32 v1, v3  }
0x10d: {  	[hbm4b:s7+s2] =	stream.indirect_vreg.scatter [tilespmem:s24], [sflag:$0x1], $0x80, v4, vm0, $0xb8;
	[tilespmem:$0x8100] =	vst v63  }
0x10e: {  	_ = 	snop  }
0x10f: {  	[hbm4b:s8+s2] =	stream.indirect_vreg.scatter [tilespmem:s25], [sflag:$0x1], $0x80, v4, vm0, $0xb8;
	[tilespmem:$0x8100] =	vst v63  }
0x110: {  	_ = 	snop  }
0x111: {  	[hbm4b:s5+s2] =	stream.indirect_vreg.scatter [tilespmem:s26], [sflag:$0x1], $0x80, v3, vm0, $0xb8;
	[tilespmem:$0x8100] =	vst v63  }
0x112: {  	_ = 	snop  }
0x113: {  	[hbm4b:s6+s2] =	stream.indirect_vreg.scatter [tilespmem:s28], [sflag:$0x1], $0x80, v3, vm0, $0xb8;
	[tilespmem:$0x8100] =	vst v63  }
0x114: {  	_ = 	snop  }
0x115: {  	[hbm4b:s7+s2] =	stream.indirect_vreg.scatter [tilespmem:s29], [sflag:$0x1], $0x80, v3, vm0, $0xb8;
	[tilespmem:$0x8100] =	vst v63  }
0x116: {  	_ = 	snop  }
0x117: {  	[hbm4b:s8+s2] =	stream.indirect_vreg.scatter [tilespmem:s30], [sflag:$0x1], $0x80, v3, vm0, $0xb8;
	[tilespmem:$0x8100] =	vst v63  }
0x118: {  	v3 =	vld [tilespmem:$0x8080];
	_ =	sdelay $0x4  }
0x119: {  	v58 =	vshll.u32 v3, $0x3  }
0x11a: {  	v3 =	vand.u32 $0x7, v3;
	v4 =	vand.u32 $0xFFFFFFC0, v58  }
0x11b: {  	v3 =	vor.u32 v3, v4  }
0x11c: {  	v4 =	vperm.xlane v3, v0;
	_ =	sdelay $0x1  }
0x11d: {  	v4 =	vadd.s32 v1, v4;
	_ =	sdelay $0x4  }
0x11e: {  	[hbm4b:s5+s2] =	stream.indirect_vreg.scatter [tilespmem:s2], [sflag:$0x2], $0x80, v4, vm0, $0xb8;
	[tilespmem:$0x8100] =	vst v63  }
0x11f: {  	v3 =	vperm.xlane v3, v2  }
0x120: {  	[hbm4b:s6+s2] =	stream.indirect_vreg.scatter [tilespmem:s15], [sflag:$0x2], $0x80, v4, vm0, $0xb8;
	[tilespmem:$0x8100] =	vst v63  }
0x121: {  	v3 =	vadd.s32 v1, v3  }
0x122: {  	[hbm4b:s7+s2] =	stream.indirect_vreg.scatter [tilespmem:s16], [sflag:$0x2], $0x80, v4, vm0, $0xb8;
	[tilespmem:$0x8100] =	vst v63  }
0x123: {  	_ = 	snop  }
0x124: {  	[hbm4b:s8+s2] =	stream.indirect_vreg.scatter [tilespmem:s17], [sflag:$0x2], $0x80, v4, vm0, $0xb8;
	[tilespmem:$0x8100] =	vst v63  }
0x125: {  	_ = 	snop  }
0x126: {  	[hbm4b:s5+s2] =	stream.indirect_vreg.scatter [tilespmem:s18], [sflag:$0x2], $0x80, v3, vm0, $0xb8;
	[tilespmem:$0x8100] =	vst v63  }
0x127: {  	_ = 	snop  }
0x128: {  	[hbm4b:s6+s2] =	stream.indirect_vreg.scatter [tilespmem:s19], [sflag:$0x2], $0x80, v3, vm0, $0xb8;
	[tilespmem:$0x8100] =	vst v63  }
0x129: {  	_ = 	snop  }
0x12a: {  	[hbm4b:s7+s2] =	stream.indirect_vreg.scatter [tilespmem:s20], [sflag:$0x2], $0x80, v3, vm0, $0xb8;
	[tilespmem:$0x8100] =	vst v63  }
0x12b: {  	_ = 	snop  }
0x12c: {  	[hbm4b:s8+s2] =	stream.indirect_vreg.scatter [tilespmem:s21], [sflag:$0x2], $0x80, v3, vm0, $0xb8;
	[tilespmem:$0x8100] =	vst v63  }
0x12d: {  	v3 =	vld [tilespmem:$0x8090];
	_ =	sdelay $0x4  }
0x12e: {  	v59 =	vshll.u32 v3, $0x3  }
0x12f: {  	v3 =	vand.u32 $0x7, v3;
	v4 =	vand.u32 $0xFFFFFFC0, v59  }
0x130: {  	v3 =	vor.u32 v3, v4  }
0x131: {  	v4 =	vperm.xlane v3, v0;
	_ =	sdelay $0x1  }
0x132: {  	v4 =	vadd.s32 v1, v4;
	_ =	sdelay $0x4  }
0x133: {  	[hbm4b:s5+s2] =	stream.indirect_vreg.scatter [tilespmem:s22], [sflag:$0x2], $0x80, v4, vm0, $0xb8;
	[tilespmem:$0x8100] =	vst v63  }
0x134: {  	v3 =	vperm.xlane v3, v2  }
0x135: {  	[hbm4b:s6+s2] =	stream.indirect_vreg.scatter [tilespmem:s23], [sflag:$0x2], $0x80, v4, vm0, $0xb8;
	[tilespmem:$0x8100] =	vst v63  }
0x136: {  	v3 =	vadd.s32 v1, v3  }
0x137: {  	[hbm4b:s7+s2] =	stream.indirect_vreg.scatter [tilespmem:s24], [sflag:$0x2], $0x80, v4, vm0, $0xb8;
	[tilespmem:$0x8100] =	vst v63  }
0x138: {  	_ = 	snop  }
0x139: {  	[hbm4b:s8+s2] =	stream.indirect_vreg.scatter [tilespmem:s25], [sflag:$0x2], $0x80, v4, vm0, $0xb8;
	[tilespmem:$0x8100] =	vst v63  }
0x13a: {  	_ = 	snop  }
0x13b: {  	[hbm4b:s5+s2] =	stream.indirect_vreg.scatter [tilespmem:s26], [sflag:$0x2], $0x80, v3, vm0, $0xb8;
	[tilespmem:$0x8100] =	vst v63  }
0x13c: {  	_ = 	snop  }
0x13d: {  	[hbm4b:s6+s2] =	stream.indirect_vreg.scatter [tilespmem:s28], [sflag:$0x2], $0x80, v3, vm0, $0xb8;
	[tilespmem:$0x8100] =	vst v63  }
0x13e: {  	_ = 	snop  }
0x13f: {  	[hbm4b:s7+s2] =	stream.indirect_vreg.scatter [tilespmem:s29], [sflag:$0x2], $0x80, v3, vm0, $0xb8;
	[tilespmem:$0x8100] =	vst v63  }
0x140: {  	_ = 	snop  }
0x141: {  	[hbm4b:s8+s2] =	stream.indirect_vreg.scatter [tilespmem:s30], [sflag:$0x2], $0x80, v3, vm0, $0xb8;
	[tilespmem:$0x8100] =	vst v63  }
0x142: {  	_ =	swait.ge [sflag:s31], $0x8000  }
0x143: {  	[sflag:s31] =	ssyncset.done $0x0  }
0x144: {  	[sflag:s31] =	ssyncadd.s32 $0xFFFF8000  }
0x145: {  	_ =	swait.ge [sflag:s1], $0x8000  }
0x146: {  	[sflag:s1] =	ssyncset.done $0x0  }
0x147: {  	s0 =	rddreg [dreg:$0xb];
	[sflag:s1] =	ssyncadd.s32 $0xFFFF8000  }
0x148: {  	[tilespmem:s2], [sflag:$0x3] =	stream.linear.gather [hbm4b:s0+s2], $0x8000, $0x38;
	[tilespmem:$0x8100] =	vst v63  }
0x149: {  	_ =	swait.ge [sflag:s12], $0x8000  }
0x14a: {  	[sflag:s12] =	ssyncset.done $0x0  }
0x14b: {  	[sflag:s12] =	ssyncadd.s32 $0xFFFF8000  }
0x14c: {  	[tilespmem:s13], [sflag:$0x3] =	stream.linear.gather [hbm4b:s9+s2], $0x80, $0x38;
	[tilespmem:$0x8100] =	vst v63  }
0x14d: {  	_ =	swait.ge [sflag:s12], $0x80  }
0x14e: {  	[sflag:s12] =	ssyncset.done $0x0  }
0x14f: {  	[sflag:s12] =	ssyncadd.s32 $0xFFFFFF80  }
0x150: {  	[tilespmem:s14], [sflag:$0x3] =	stream.linear.gather [hbm4b:s10+s2], $0x80, $0x38;
	[tilespmem:$0x8100] =	vst v63  }
0x151: {  	_ =	swait.ge [sflag:s12], $0x80  }
0x152: {  	[sflag:s12] =	ssyncset.done $0x0  }
0x153: {  	[sflag:s12] =	ssyncadd.s32 $0xFFFFFF80  }
0x154: {  	v3 =	vld [tilespmem:$0x8000];
	_ =	sdelay $0x4  }
0x155: {  	v60 =	vshll.u32 v3, $0x3  }
0x156: {  	v3 =	vand.u32 $0x7, v3;
	v4 =	vand.u32 $0xFFFFFFC0, v60  }
0x157: {  	v3 =	vor.u32 v3, v4  }
0x158: {  	v4 =	vperm.xlane v3, v0;
	_ =	sdelay $0x1  }
0x159: {  	v4 =	vadd.s32 v1, v4;
	_ =	sdelay $0x4  }
0x15a: {  	[hbm4b:s5+s2] =	stream.indirect_vreg.scatter [tilespmem:s2], [sflag:$0x1], $0x80, v4, vm0, $0xb8;
	[tilespmem:$0x8100] =	vst v63  }
0x15b: {  	v3 =	vperm.xlane v3, v2  }
0x15c: {  	[hbm4b:s6+s2] =	stream.indirect_vreg.scatter [tilespmem:s15], [sflag:$0x1], $0x80, v4, vm0, $0xb8;
	[tilespmem:$0x8100] =	vst v63  }
0x15d: {  	v3 =	vadd.s32 v1, v3  }
0x15e: {  	[hbm4b:s7+s2] =	stream.indirect_vreg.scatter [tilespmem:s16], [sflag:$0x1], $0x80, v4, vm0, $0xb8;
	[tilespmem:$0x8100] =	vst v63  }
0x15f: {  	_ = 	snop  }
0x160: {  	[hbm4b:s8+s2] =	stream.indirect_vreg.scatter [tilespmem:s17], [sflag:$0x1], $0x80, v4, vm0, $0xb8;
	[tilespmem:$0x8100] =	vst v63  }
0x161: {  	_ = 	snop  }
0x162: {  	[hbm4b:s5+s2] =	stream.indirect_vreg.scatter [tilespmem:s18], [sflag:$0x1], $0x80, v3, vm0, $0xb8;
	[tilespmem:$0x8100] =	vst v63  }
0x163: {  	_ = 	snop  }
0x164: {  	[hbm4b:s6+s2] =	stream.indirect_vreg.scatter [tilespmem:s19], [sflag:$0x1], $0x80, v3, vm0, $0xb8;
	[tilespmem:$0x8100] =	vst v63  }
0x165: {  	_ = 	snop  }
0x166: {  	[hbm4b:s7+s2] =	stream.indirect_vreg.scatter [tilespmem:s20], [sflag:$0x1], $0x80, v3, vm0, $0xb8;
	[tilespmem:$0x8100] =	vst v63  }
0x167: {  	_ = 	snop  }
0x168: {  	[hbm4b:s8+s2] =	stream.indirect_vreg.scatter [tilespmem:s21], [sflag:$0x1], $0x80, v3, vm0, $0xb8;
	[tilespmem:$0x8100] =	vst v63  }
0x169: {  	v3 =	vld [tilespmem:$0x8010];
	_ =	sdelay $0x4  }
0x16a: {  	v61 =	vshll.u32 v3, $0x3  }
0x16b: {  	v3 =	vand.u32 $0x7, v3;
	v4 =	vand.u32 $0xFFFFFFC0, v61  }
0x16c: {  	v3 =	vor.u32 v3, v4  }
0x16d: {  	v4 =	vperm.xlane v3, v0;
	_ =	sdelay $0x1  }
0x16e: {  	v4 =	vadd.s32 v1, v4;
	_ =	sdelay $0x4  }
0x16f: {  	[hbm4b:s5+s2] =	stream.indirect_vreg.scatter [tilespmem:s22], [sflag:$0x1], $0x80, v4, vm0, $0xb8;
	[tilespmem:$0x8100] =	vst v63  }
0x170: {  	v3 =	vperm.xlane v3, v2  }
0x171: {  	[hbm4b:s6+s2] =	stream.indirect_vreg.scatter [tilespmem:s23], [sflag:$0x1], $0x80, v4, vm0, $0xb8;
	[tilespmem:$0x8100] =	vst v63  }
0x172: {  	v3 =	vadd.s32 v1, v3  }
0x173: {  	[hbm4b:s7+s2] =	stream.indirect_vreg.scatter [tilespmem:s24], [sflag:$0x1], $0x80, v4, vm0, $0xb8;
	[tilespmem:$0x8100] =	vst v63  }
0x174: {  	_ = 	snop  }
0x175: {  	[hbm4b:s8+s2] =	stream.indirect_vreg.scatter [tilespmem:s25], [sflag:$0x1], $0x80, v4, vm0, $0xb8;
	[tilespmem:$0x8100] =	vst v63  }
0x176: {  	_ = 	snop  }
0x177: {  	[hbm4b:s5+s2] =	stream.indirect_vreg.scatter [tilespmem:s26], [sflag:$0x1], $0x80, v3, vm0, $0xb8;
	[tilespmem:$0x8100] =	vst v63  }
0x178: {  	_ = 	snop  }
0x179: {  	[hbm4b:s6+s2] =	stream.indirect_vreg.scatter [tilespmem:s28], [sflag:$0x1], $0x80, v3, vm0, $0xb8;
	[tilespmem:$0x8100] =	vst v63  }
0x17a: {  	_ = 	snop  }
0x17b: {  	[hbm4b:s7+s2] =	stream.indirect_vreg.scatter [tilespmem:s29], [sflag:$0x1], $0x80, v3, vm0, $0xb8;
	[tilespmem:$0x8100] =	vst v63  }
0x17c: {  	_ = 	snop  }
0x17d: {  	[hbm4b:s8+s2] =	stream.indirect_vreg.scatter [tilespmem:s30], [sflag:$0x1], $0x80, v3, vm0, $0xb8;
	[tilespmem:$0x8100] =	vst v63  }
0x17e: {  	v3 =	vld [tilespmem:$0x8080];
	_ =	sdelay $0x4  }
0x17f: {  	v62 =	vshll.u32 v3, $0x3  }
0x180: {  	v3 =	vand.u32 $0x7, v3;
	v4 =	vand.u32 $0xFFFFFFC0, v62  }
0x181: {  	v3 =	vor.u32 v3, v4  }
0x182: {  	v4 =	vperm.xlane v3, v0;
	_ =	sdelay $0x1  }
0x183: {  	v4 =	vadd.s32 v1, v4;
	_ =	sdelay $0x4  }
0x184: {  	[hbm4b:s5+s2] =	stream.indirect_vreg.scatter [tilespmem:s2], [sflag:$0x2], $0x80, v4, vm0, $0xb8;
	[tilespmem:$0x8100] =	vst v63  }
0x185: {  	v3 =	vperm.xlane v3, v2  }
0x186: {  	[hbm4b:s6+s2] =	stream.indirect_vreg.scatter [tilespmem:s15], [sflag:$0x2], $0x80, v4, vm0, $0xb8;
	[tilespmem:$0x8100] =	vst v63  }
0x187: {  	v3 =	vadd.s32 v1, v3  }
0x188: {  	[hbm4b:s7+s2] =	stream.indirect_vreg.scatter [tilespmem:s16], [sflag:$0x2], $0x80, v4, vm0, $0xb8;
	[tilespmem:$0x8100] =	vst v63  }
0x189: {  	_ = 	snop  }
0x18a: {  	[hbm4b:s8+s2] =	stream.indirect_vreg.scatter [tilespmem:s17], [sflag:$0x2], $0x80, v4, vm0, $0xb8;
	[tilespmem:$0x8100] =	vst v63  }
0x18b: {  	_ = 	snop  }
0x18c: {  	[hbm4b:s5+s2] =	stream.indirect_vreg.scatter [tilespmem:s18], [sflag:$0x2], $0x80, v3, vm0, $0xb8;
	[tilespmem:$0x8100] =	vst v63  }
0x18d: {  	_ = 	snop  }
0x18e: {  	[hbm4b:s6+s2] =	stream.indirect_vreg.scatter [tilespmem:s19], [sflag:$0x2], $0x80, v3, vm0, $0xb8;
	[tilespmem:$0x8100] =	vst v63  }
0x18f: {  	_ = 	snop  }
0x190: {  	[hbm4b:s7+s2] =	stream.indirect_vreg.scatter [tilespmem:s20], [sflag:$0x2], $0x80, v3, vm0, $0xb8;
	[tilespmem:$0x8100] =	vst v63  }
0x191: {  	_ = 	snop  }
0x192: {  	[hbm4b:s8+s2] =	stream.indirect_vreg.scatter [tilespmem:s21], [sflag:$0x2], $0x80, v3, vm0, $0xb8;
	[tilespmem:$0x8100] =	vst v63  }
0x193: {  	v3 =	vld [tilespmem:$0x8090];
	_ =	sdelay $0x4  }
0x194: {  	v63 =	vshll.u32 v3, $0x3  }
0x195: {  	v3 =	vand.u32 $0x7, v3;
	v4 =	vand.u32 $0xFFFFFFC0, v63  }
0x196: {  	v3 =	vor.u32 v3, v4  }
0x197: {  	v4 =	vperm.xlane v3, v0;
	_ =	sdelay $0x1  }
0x198: {  	v4 =	vadd.s32 v1, v4;
	_ =	sdelay $0x4  }
0x199: {  	[hbm4b:s5+s2] =	stream.indirect_vreg.scatter [tilespmem:s22], [sflag:$0x2], $0x80, v4, vm0, $0xb8;
	[tilespmem:$0x8100] =	vst v63  }
0x19a: {  	v3 =	vperm.xlane v3, v2  }
0x19b: {  	[hbm4b:s6+s2] =	stream.indirect_vreg.scatter [tilespmem:s23], [sflag:$0x2], $0x80, v4, vm0, $0xb8;
	[tilespmem:$0x8100] =	vst v63  }
0x19c: {  	v3 =	vadd.s32 v1, v3  }
0x19d: {  	[hbm4b:s7+s2] =	stream.indirect_vreg.scatter [tilespmem:s24], [sflag:$0x2], $0x80, v4, vm0, $0xb8;
	[tilespmem:$0x8100] =	vst v63  }
0x19e: {  	_ = 	snop  }
0x19f: {  	[hbm4b:s8+s2] =	stream.indirect_vreg.scatter [tilespmem:s25], [sflag:$0x2], $0x80, v4, vm0, $0xb8;
	[tilespmem:$0x8100] =	vst v63  }
0x1a0: {  	_ = 	snop  }
0x1a1: {  	[hbm4b:s5+s2] =	stream.indirect_vreg.scatter [tilespmem:s26], [sflag:$0x2], $0x80, v3, vm0, $0xb8;
	[tilespmem:$0x8100] =	vst v63  }
0x1a2: {  	_ = 	snop  }
0x1a3: {  	[hbm4b:s6+s2] =	stream.indirect_vreg.scatter [tilespmem:s28], [sflag:$0x2], $0x80, v3, vm0, $0xb8;
	[tilespmem:$0x8100] =	vst v63  }
0x1a4: {  	_ = 	snop  }
0x1a5: {  	[hbm4b:s7+s2] =	stream.indirect_vreg.scatter [tilespmem:s29], [sflag:$0x2], $0x80, v3, vm0, $0xb8;
	[tilespmem:$0x8100] =	vst v63  }
0x1a6: {  	_ = 	snop  }
0x1a7: {  	[hbm4b:s8+s2] =	stream.indirect_vreg.scatter [tilespmem:s30], [sflag:$0x2], $0x80, v3, vm0, $0xb8;
	[tilespmem:$0x8100] =	vst v63  }
0x1a8: {  	p0 =	sne.s32 s11, $0x1;
	_ =	swait.ge [sflag:s31], $0x8000  }
.Ltmp0:
0x1a9: {  	[sflag:s31] =	ssyncset.done $0x0;
	(pc) =	sbr.rel @p0 .LBB2_1-.Ltmp0, $4  }
0x1aa: {  	[sflag:s31] =	ssyncadd.s32 $0xFFFF8000  }
0x1ab: {  	_ =	swait.ge [sflag:s1], $0x8000  }
0x1ac: {  	[sflag:s1] =	ssyncset.done $0x0  }
0x1ad: {  	s11 =	sadd.s32 $0xFFFFFFFF, s11;
	[sflag:s1] =	ssyncadd.s32 $0xFFFF8000  }
0x1ae: {  	_ =	sfence.sel $0x180000  }
0x1af: {  	[bflag:$0x0] =	sbarrier.arrive $0xFFFF  }
0x1b0: {  	_ =	strace $0x90000047  }
0x1b1: {  	s0 =	stileid.u32;
	[bflag:$0x2] =	sbarrier.arrive $0xFFFF  }
0x1b2: {  	p0 =	sne.s32 s0, $0x0;
	s0 =	rddreg [dreg:$0x3]  }
0x1b3: {  	s0 =	sadd.s32 @!p0 $0x100000, s0  }
0x1b4: {  	[sflag:s0] =	ssyncadd.tile.s32 @!p0 $0x1;
	_ =	shalt  }
.Lfunc_end2:
_tile_overlayer_lowered:
.L_overlay_start_2:
0x1b5: {  	(tag) =	ssettag $0x2  }
0x1b6: {  	s0 =	rddreg [dreg:$0x0];
	s2 =	stileid.u32  }
0x1b7: {  	s1 =	rddreg [dreg:$0x1];
	p0 =	sne.s32 s2, $0x0  }
0x1b8: {  	s3 =	rddreg [dreg:$0x2];
	[bflag:$0x3] =	sbarrier.arrive $0xFFFF;
	s2 =	simm.s32 @!p0 $0x1C03  }
0x1b9: {  	[timem:s3], [sflag:s2] =	dma.local @!p0 [hbm:s0], s1  }
0x1ba: {  	s0 =	simm.s32 @!p0 $0x3  }
0x1bb: {  	_ =	swait.ge @!p0 [sflag:s0], s1  }
0x1bc: {  	s1 =	ssub.s32 @!p0 $0x0, s1;
	[sflag:s0] =	ssyncset.done @!p0 $0x0  }
0x1bd: {  	[sflag:s0] =	ssyncadd.s32 @!p0 s1  }
0x1be: {  	[bflag:$0x3] =	sbarrier.arrive $0xFFFF  }
0x1bf: {  	_ =	shalt  }

</sc_bundles>
